<compile_context>
chip_gen: v7x
topology: tpu7x:2x2x1
jax: 0.10.2.dev20260603
libtpu: 0.0.44.dev20260713+nightly
codegen_flags: <defaults>
</compile_context>

<pallas_src>
import functools

import jax
import jax.numpy as jnp
from jax import lax
from jax.experimental import pallas as pl
from jax.experimental.pallas import tpu as pltpu
from jax.experimental.pallas import tpu_sc as plsc

N = 10000
NP = 10240
D = 128
E = 320000
CHUNK = 128
NCORE = 2
NSUB = 16
NW = NCORE * NSUB
RPS = NP // NSUB
NCHP = 2560
EP = NCHP * CHUNK
CPS = NCHP // NW
GC = 128
NCHG = EP // GC
CPSG = NCHG // NW
IB = 40
NBUF = 2
PADIDX = N


def _deg_body(dst2d, deg_out, idxblk, hist):
    cid = lax.axis_index("c")
    sid = lax.axis_index("s")
    w = cid * NSUB + sid

    def zstep(i, _):
        hist[pl.ds(i * 16, 16)] = jnp.zeros((16,), jnp.float32)
        return 0
    lax.fori_loop(0, NP // 16, zstep, 0)

    pltpu.sync_copy(dst2d.at[pl.ds(w * CPS, CPS)], idxblk)
    ones16 = jnp.full((16,), 1.0, jnp.float32)

    def step(t, _):
        for g in range(CHUNK // 16):
            idxv = idxblk[t, pl.ds(g * 16, 16)]
            plsc.addupdate_scatter(hist, [idxv], ones16)
        return 0
    lax.fori_loop(0, CPS, step, 0)

    pltpu.sync_copy(hist, deg_out.at[w])


_deg_kernel = functools.partial(
    pl.kernel,
    out_type=jax.ShapeDtypeStruct((NW, NP), jnp.float32),
    mesh=plsc.VectorSubcoreMesh(core_axis_name="c", subcore_axis_name="s"),
    scratch_types=[
        pltpu.VMEM((CPS, CHUNK), jnp.int32),
        pltpu.VMEM((NP,), jnp.float32),
    ],
    compiler_params=pltpu.CompilerParams(needs_layout_passes=False),
)(_deg_body)


def _agg_body(hw, src2d, dst2d, p0, p1, idxs, idxd, msg, acc,
              g0, g1, sc0, sc1, zsem):
    cid = lax.axis_index("c")
    sid = lax.axis_index("s")
    gsem = (g0, g1)
    ssem = (sc0, sc1)

    r0 = sid * RPS

    @pl.when(cid == 0)
    def _():
        pltpu.sync_copy(hw.at[pl.ds(r0, RPS)], acc.at[pl.ds(r0, RPS)])

    @pl.when(cid == 1)
    def _():
        for off, sz in ((0, 240), (240, 240), (480, 160)):
            pltpu.async_copy(hw.at[pl.ds(N, sz)],
                             acc.at[pl.ds(r0 + off, sz)], zsem)
        for off, sz in ((0, 240), (240, 240), (480, 160)):
            pltpu.make_async_copy(hw.at[pl.ds(N, sz)],
                                  acc.at[pl.ds(r0 + off, sz)], zsem).wait()
    plsc.subcore_barrier()

    base = cid * (NCHG // NCORE) + sid * CPSG

    def gather(t, b):
        pltpu.async_copy(hw.at[idxs.at[t]], msg.at[b], gsem[b])

    def wait_gather(t, b):
        pltpu.make_async_copy(hw.at[idxs.at[t]], msg.at[b], gsem[b]).wait()

    for hb in range(CPSG // IB):
        pltpu.sync_copy(src2d.at[pl.ds(base + hb * IB, IB)], idxs)
        pltpu.sync_copy(dst2d.at[pl.ds(base + hb * IB, IB)], idxd)

        gather(0, 0)

        def step(tt, _):
            for b in range(NBUF):
                u = tt * NBUF + b
                b2 = (b + 1) % NBUF

                @pl.when(u + 1 < IB)
                def _():
                    @pl.when(u >= 1)
                    def _():
                        pltpu.make_async_copy(msg.at[b2],
                                              acc.at[idxd.at[u - 1]],
                                              ssem[b2]).wait()
                    pltpu.async_copy(hw.at[idxs.at[u + 1]], msg.at[b2],
                                     gsem[b2])

                wait_gather(u, b)
                pltpu.async_copy(msg.at[b], acc.at[idxd.at[u]],
                                 ssem[b], add=True)
            return 0
        lax.fori_loop(0, IB // NBUF, step, 0)

        for u in (IB - 2, IB - 1):
            b = u % NBUF
            pltpu.make_async_copy(msg.at[b], acc.at[idxd.at[u]],
                                  ssem[b]).wait()

    plsc.subcore_barrier()

    @pl.when(cid == 0)
    def _():
        pltpu.sync_copy(acc.at[pl.ds(r0, RPS)], p0.at[pl.ds(r0, RPS)])

    @pl.when(cid == 1)
    def _():
        pltpu.sync_copy(acc.at[pl.ds(r0, RPS)], p1.at[pl.ds(r0, RPS)])


_agg_kernel = functools.partial(
    pl.kernel,
    out_type=(jax.ShapeDtypeStruct((NP, D), jnp.float32),
              jax.ShapeDtypeStruct((NP, D), jnp.float32)),
    mesh=plsc.VectorSubcoreMesh(core_axis_name="c", subcore_axis_name="s"),
    scratch_types=[
        pltpu.VMEM((IB, GC), jnp.int32),
        pltpu.VMEM((IB, GC), jnp.int32),
        pltpu.VMEM((NBUF, GC, D), jnp.float32),
        pltpu.VMEM_SHARED((NP, D), jnp.float32),
        pltpu.SemaphoreType.DMA,
        pltpu.SemaphoreType.DMA,
        pltpu.SemaphoreType.DMA,
        pltpu.SemaphoreType.DMA,
        pltpu.SemaphoreType.DMA,
    ],
)(_agg_body)


def _dinv_from_parts(deg_ref):
    ones = jnp.ones((NW, 1), jnp.float32)
    deg = lax.dot_general(deg_ref[...], ones, (((0,), (0,)), ((), ())),
                          preferred_element_type=jnp.float32)
    return lax.rsqrt(deg[:N, :] + 1.0)


BLK1 = 2048
BLKF = 2048


def _dinv_blk(deg_ref):
    ones = jnp.ones((NW, 1), jnp.float32)
    deg = lax.dot_general(deg_ref[...], ones, (((0,), (0,)), ((), ())),
                          preferred_element_type=jnp.float32)
    return lax.rsqrt(deg + 1.0)


def _tc_l1(x_ref, w_ref, deg_ref, hw_ref):
    i = pl.program_id(0)
    dinv = _dinv_blk(deg_ref)
    hw = jnp.dot(x_ref[...], w_ref[...], preferred_element_type=jnp.float32)
    rows = i * BLK1 + lax.broadcasted_iota(jnp.int32, (BLK1, 1), 0)
    hw_ref[...] = jnp.where(rows < N, hw * dinv, 0.0)


def _tc_mid(p0_ref, p1_ref, deg_ref, b_ref, g_ref, be_ref, w_ref,
            hw_ref):
    dinv = _dinv_from_parts(deg_ref)
    agg = p0_ref[:N, :] + p1_ref[:N, :]
    h = agg * dinv + b_ref[...]
    m = jnp.mean(h, axis=0, keepdims=True)
    c = h - m
    v = jnp.mean(c * c, axis=0, keepdims=True)
    h = c * lax.rsqrt(v + 1e-5) * g_ref[...] + be_ref[...]
    h = jnp.maximum(h, 0.0)
    hw = jnp.dot(h, w_ref[...], preferred_element_type=jnp.float32)
    hw_ref[:N, :] = hw * dinv
    hw_ref[N:, :] = jnp.zeros((NP - N, D), jnp.float32)


def _tc_fin(p0_ref, p1_ref, deg_ref, b_ref, out_ref):
    dinv = _dinv_blk(deg_ref)
    out_ref[...] = (p0_ref[...] + p1_ref[...]) * dinv + b_ref[...]


_l1_call = pl.pallas_call(
    _tc_l1,
    grid=(NP // BLK1,),
    in_specs=[
        pl.BlockSpec((BLK1, D), lambda i: (i, 0)),
        pl.BlockSpec((D, D), lambda i: (0, 0)),
        pl.BlockSpec((NW, BLK1), lambda i: (0, i)),
    ],
    out_specs=pl.BlockSpec((BLK1, D), lambda i: (i, 0)),
    out_shape=jax.ShapeDtypeStruct((NP, D), jnp.float32),
)

_mid_call = pl.pallas_call(
    _tc_mid,
    out_shape=jax.ShapeDtypeStruct((NP, D), jnp.float32),
)

_fin_call = pl.pallas_call(
    _tc_fin,
    grid=((N + BLKF - 1) // BLKF,),
    in_specs=[
        pl.BlockSpec((BLKF, D), lambda i: (i, 0)),
        pl.BlockSpec((BLKF, D), lambda i: (i, 0)),
        pl.BlockSpec((NW, BLKF), lambda i: (0, i)),
        pl.BlockSpec((1, D), lambda i: (0, 0)),
    ],
    out_specs=pl.BlockSpec((BLKF, D), lambda i: (i, 0)),
    out_shape=jax.ShapeDtypeStruct((N, D), jnp.float32),
)


@jax.jit
def _run(x, adj_t, W1, b1, W2, b2, W3, b3, g1, be1, g2, be2):
    pad = N + (jnp.arange(EP - E, dtype=jnp.int32) % (NP - N))
    srcp = jnp.concatenate([adj_t[0], pad])
    dstp = jnp.concatenate([adj_t[1], pad])
    src2d = srcp.reshape(NCHG, GC)
    dst2d = dstp.reshape(NCHG, GC)
    dst2d_deg = dstp.reshape(NCHP, CHUNK)
    b1r = b1.reshape(1, D)
    b2r = b2.reshape(1, D)
    b3r = b3.reshape(1, D)
    g1r = g1.reshape(1, D)
    g2r = g2.reshape(1, D)
    be1r = be1.reshape(1, D)
    be2r = be2.reshape(1, D)

    degp = _deg_kernel(dst2d_deg)

    hw = _l1_call(x, W1, degp)
    p0, p1 = _agg_kernel(hw, src2d, dst2d)
    hw2 = _mid_call(p0, p1, degp, b1r, g1r, be1r, W2)
    p0, p1 = _agg_kernel(hw2, src2d, dst2d)
    hw3 = _mid_call(p0, p1, degp, b2r, g2r, be2r, W3)
    p0, p1 = _agg_kernel(hw3, src2d, dst2d)
    return _fin_call(p0, p1, degp, b3r)


def kernel(x, adj_t, W1, b1, W2, b2, W3, b3, g1, be1, g2, be2):
    return _run(x, adj_t, W1, b1, W2, b2, W3, b3, g1, be1, g2, be2)

# --- scband reference (transcript-rebuilt; emitter-appended) ---
"""Pipeline reference for scband-gcn-2886218022956 (READ-ONLY COPY).

The authoritative reference and input builder live on the scoring server;
editing this copy changes nothing except your own understanding.
"""

import jax, jax.numpy as jnp
import numpy as np

N = 10000
E = 320000
D_IN = 128
D_H = 128
D_OUT = 128


def setup_inputs(seed: int = 0) -> dict:
    key = jax.random.key(seed)
    ks = jax.random.split(key, 12)
    x = jax.random.normal(ks[0], (N, D_IN), dtype=jnp.float32)
    adj_t = jax.random.randint(ks[1], (2, E), 0, N, dtype=jnp.int32)
    s = 0.1
    W1 = jax.random.normal(ks[2], (D_IN, D_H), dtype=jnp.float32) * s
    b1 = jnp.zeros((D_H,), dtype=jnp.float32)
    W2 = jax.random.normal(ks[3], (D_H, D_H), dtype=jnp.float32) * s
    b2 = jnp.zeros((D_H,), dtype=jnp.float32)
    W3 = jax.random.normal(ks[4], (D_H, D_OUT), dtype=jnp.float32) * s
    b3 = jnp.zeros((D_OUT,), dtype=jnp.float32)
    g1 = jnp.ones((D_H,), dtype=jnp.float32)
    be1 = jnp.zeros((D_H,), dtype=jnp.float32)
    g2 = jnp.ones((D_H,), dtype=jnp.float32)
    be2 = jnp.zeros((D_H,), dtype=jnp.float32)
    return {"x": x, "adj_t": adj_t, "W1": W1, "b1": b1, "W2": W2, "b2": b2,
            "W3": W3, "b3": b3, "g1": g1, "be1": be1, "g2": g2, "be2": be2}


def reference(x, adj_t, W1, b1, W2, b2, W3, b3, g1, be1, g2, be2):
    src = adj_t[0]
    dst = adj_t[1]
    loop = jnp.arange(N, dtype=src.dtype)
    row = jnp.concatenate([src, loop])
    col = jnp.concatenate([dst, loop])
    # symmetric GCN normalization with self loops
    deg = jnp.zeros((N,), dtype=jnp.float32).at[col].add(1.0)
    dinv = jnp.where(deg > 0, 1.0 / jnp.sqrt(deg), 0.0)
    norm = dinv[row] * dinv[col]

    def conv(h, W, b):
        hw = h @ W
        msg = hw[row] * norm[:, None]
        out = jnp.zeros((N, W.shape[1]), dtype=jnp.float32).at[col].add(msg)
        return out + b

    def bn(h, g, be):
        m = h.mean(axis=0)
        v = h.var(axis=0)
        return (h - m) / jnp.sqrt(v + 1e-5) * g + be

    h = conv(x, W1, b1)
    h = jax.nn.relu(bn(h, g1, be1))
    h = conv(h, W2, b2)
    h = jax.nn.relu(bn(h, g2, be2))
    h = conv(h, W3, b3)
    return h

if __name__ == "__main__":
    import jax
    _d = setup_inputs()
    print(jax.jit(kernel)(*tuple(_d.values())))

</pallas_src>

<mosaic_0001>
#map = affine_map<(d0, d1) -> (0, 0)>
module attributes {stable_mosaic.version = 14 : i64} {
  func.func @_agg_body(%arg0: i32, %arg1: i32, %arg2: memref<10240x128xf32, #tpu.memory_space<hbm>>, %arg3: memref<2560x128xi32, #tpu.memory_space<hbm>>, %arg4: memref<2560x128xi32, #tpu.memory_space<hbm>>, %arg5: memref<10240x128xf32, #tpu.memory_space<hbm>>, %arg6: memref<10240x128xf32, #tpu.memory_space<hbm>>, %arg7: memref<40x128xi32, #tpu.memory_space<vmem>>, %arg8: memref<40x128xi32, #tpu.memory_space<vmem>>, %arg9: memref<2x128x128xf32, #tpu.memory_space<vmem>>, %arg10: memref<10240x128xf32, #tpu.memory_space<vmem_shared>>, %arg11: memref<!tpu.dma_semaphore, #tpu.memory_space<semaphore_mem>>, %arg12: memref<!tpu.dma_semaphore, #tpu.memory_space<semaphore_mem>>, %arg13: memref<!tpu.dma_semaphore, #tpu.memory_space<semaphore_mem>>, %arg14: memref<!tpu.dma_semaphore, #tpu.memory_space<semaphore_mem>>, %arg15: memref<!tpu.dma_semaphore, #tpu.memory_space<semaphore_mem>>) attributes {dimension_semantics = [#tpu.dimension_semantics<core_parallel>, #tpu.dimension_semantics<subcore_parallel>], iteration_bounds = array<i64: 2, 16>, scalar_prefetch = 0 : i64, scratch_operands = 9 : i64, tpu.core_type = #tpu.core_type<sc_vector_subcore>, window_params = [{transform_indices = #map}, {transform_indices = #map}, {transform_indices = #map}, {transform_indices = #map}, {transform_indices = #map}]} {
    %mul3A = arith.constant 640 : i32
    %mul3A_0 = arith.muli %arg1, %mul3A : i32
    %eq3A = arith.constant 0 : i32
    %eq3A_1 = arith.cmpi eq, %arg0, %eq3A : i32
    %convert_element_type3A = arith.extui %eq3A_1 : i1 to i32
    %cond3A = arith.constant 0 : i32
    %cond3A_2 = arith.cmpi ne, %convert_element_type3A, %cond3A : i32
    scf.if %cond3A_2 {
      "tpu.region"() ({
        %run_scoped3A = tpu.sem_alloc : memref<!tpu.dma_semaphore, #tpu.memory_space<semaphore_mem>>
        %dma_start3A_114 = arith.constant 0 : i32
        %dma_start3A_115 = tpu.memref_slice %arg10[%mul3A_0, %dma_start3A_114] : memref<10240x128xf32, #tpu.memory_space<vmem_shared>> -> memref<640x128xf32, #tpu.memory_space<vmem_shared>>
        %dma_start3A_116 = arith.constant 0 : i32
        %dma_start3A_117 = tpu.memref_slice %arg2[%mul3A_0, %dma_start3A_116] : memref<10240x128xf32, #tpu.memory_space<hbm>> -> memref<640x128xf32, #tpu.memory_space<hbm>>
        tpu.enqueue_dma source(%dma_start3A_117 : memref<640x128xf32, #tpu.memory_space<hbm>>) target(%dma_start3A_115 : memref<640x128xf32, #tpu.memory_space<vmem_shared>>) target_semaphore(%run_scoped3A : memref<!tpu.dma_semaphore, #tpu.memory_space<semaphore_mem>>)
        %dma_wait3A_118 = arith.constant 0 : i32
        %dma_wait3A_119 = tpu.memref_slice %arg10[%mul3A_0, %dma_wait3A_118] : memref<10240x128xf32, #tpu.memory_space<vmem_shared>> -> memref<640x128xf32, #tpu.memory_space<vmem_shared>>
        %dma_wait3A_120 = arith.constant 0 : i32
        %dma_wait3A_121 = tpu.memref_slice %arg2[%mul3A_0, %dma_wait3A_120] : memref<10240x128xf32, #tpu.memory_space<hbm>> -> memref<640x128xf32, #tpu.memory_space<hbm>>
        tpu.wait_dma2 semaphore(%run_scoped3A : memref<!tpu.dma_semaphore, #tpu.memory_space<semaphore_mem>>) src(%dma_wait3A_121 : memref<640x128xf32, #tpu.memory_space<hbm>>) dst(%dma_wait3A_119 : memref<640x128xf32, #tpu.memory_space<vmem_shared>>)
        tpu.yield
      }) : () -> ()
    } else {
    }
    %eq3A_3 = arith.constant 1 : i32
    %eq3A_4 = arith.cmpi eq, %arg0, %eq3A_3 : i32
    %convert_element_type3A_5 = arith.extui %eq3A_4 : i1 to i32
    %cond3A_6 = arith.constant 0 : i32
    %cond3A_7 = arith.cmpi ne, %convert_element_type3A_5, %cond3A_6 : i32
    scf.if %cond3A_7 {
      %add3A_114 = arith.constant 0 : i32
      %add3A_115 = arith.addi %mul3A_0, %add3A_114 : i32
      %dma_start3A_116 = arith.constant 0 : i32
      %dma_start3A_117 = tpu.memref_slice %arg10[%add3A_115, %dma_start3A_116] : memref<10240x128xf32, #tpu.memory_space<vmem_shared>> -> memref<240x128xf32, #tpu.memory_space<vmem_shared>>
      %dma_start3A_118 = arith.constant 10000 : i32
      %dma_start3A_119 = arith.constant 0 : i32
      %dma_start3A_120 = tpu.memref_slice %arg2[%dma_start3A_118, %dma_start3A_119] : memref<10240x128xf32, #tpu.memory_space<hbm>> -> memref<240x128xf32, #tpu.memory_space<hbm>>
      tpu.enqueue_dma source(%dma_start3A_120 : memref<240x128xf32, #tpu.memory_space<hbm>>) target(%dma_start3A_117 : memref<240x128xf32, #tpu.memory_space<vmem_shared>>) target_semaphore(%arg15 : memref<!tpu.dma_semaphore, #tpu.memory_space<semaphore_mem>>)
      %add3A_121 = arith.constant 240 : i32
      %add3A_122 = arith.addi %mul3A_0, %add3A_121 : i32
      %dma_start3A_123 = arith.constant 0 : i32
      %dma_start3A_124 = tpu.memref_slice %arg10[%add3A_122, %dma_start3A_123] : memref<10240x128xf32, #tpu.memory_space<vmem_shared>> -> memref<240x128xf32, #tpu.memory_space<vmem_shared>>
      %dma_start3A_125 = arith.constant 10000 : i32
      %dma_start3A_126 = arith.constant 0 : i32
      %dma_start3A_127 = tpu.memref_slice %arg2[%dma_start3A_125, %dma_start3A_126] : memref<10240x128xf32, #tpu.memory_space<hbm>> -> memref<240x128xf32, #tpu.memory_space<hbm>>
      tpu.enqueue_dma source(%dma_start3A_127 : memref<240x128xf32, #tpu.memory_space<hbm>>) target(%dma_start3A_124 : memref<240x128xf32, #tpu.memory_space<vmem_shared>>) target_semaphore(%arg15 : memref<!tpu.dma_semaphore, #tpu.memory_space<semaphore_mem>>)
      %add3A_128 = arith.constant 480 : i32
      %add3A_129 = arith.addi %mul3A_0, %add3A_128 : i32
      %dma_start3A_130 = arith.constant 0 : i32
      %dma_start3A_131 = tpu.memref_slice %arg10[%add3A_129, %dma_start3A_130] : memref<10240x128xf32, #tpu.memory_space<vmem_shared>> -> memref<160x128xf32, #tpu.memory_space<vmem_shared>>
      %dma_start3A_132 = arith.constant 10000 : i32
      %dma_start3A_133 = arith.constant 0 : i32
      %dma_start3A_134 = tpu.memref_slice %arg2[%dma_start3A_132, %dma_start3A_133] : memref<10240x128xf32, #tpu.memory_space<hbm>> -> memref<160x128xf32, #tpu.memory_space<hbm>>
      tpu.enqueue_dma source(%dma_start3A_134 : memref<160x128xf32, #tpu.memory_space<hbm>>) target(%dma_start3A_131 : memref<160x128xf32, #tpu.memory_space<vmem_shared>>) target_semaphore(%arg15 : memref<!tpu.dma_semaphore, #tpu.memory_space<semaphore_mem>>)
      %add3A_135 = arith.constant 0 : i32
      %add3A_136 = arith.addi %mul3A_0, %add3A_135 : i32
      %dma_wait3A_137 = arith.constant 0 : i32
      %dma_wait3A_138 = tpu.memref_slice %arg10[%add3A_136, %dma_wait3A_137] : memref<10240x128xf32, #tpu.memory_space<vmem_shared>> -> memref<240x128xf32, #tpu.memory_space<vmem_shared>>
      %dma_wait3A_139 = arith.constant 10000 : i32
      %dma_wait3A_140 = arith.constant 0 : i32
      %dma_wait3A_141 = tpu.memref_slice %arg2[%dma_wait3A_139, %dma_wait3A_140] : memref<10240x128xf32, #tpu.memory_space<hbm>> -> memref<240x128xf32, #tpu.memory_space<hbm>>
      tpu.wait_dma2 semaphore(%arg15 : memref<!tpu.dma_semaphore, #tpu.memory_space<semaphore_mem>>) src(%dma_wait3A_141 : memref<240x128xf32, #tpu.memory_space<hbm>>) dst(%dma_wait3A_138 : memref<240x128xf32, #tpu.memory_space<vmem_shared>>)
      %add3A_142 = arith.constant 240 : i32
      %add3A_143 = arith.addi %mul3A_0, %add3A_142 : i32
      %dma_wait3A_144 = arith.constant 0 : i32
      %dma_wait3A_145 = tpu.memref_slice %arg10[%add3A_143, %dma_wait3A_144] : memref<10240x128xf32, #tpu.memory_space<vmem_shared>> -> memref<240x128xf32, #tpu.memory_space<vmem_shared>>
      %dma_wait3A_146 = arith.constant 10000 : i32
      %dma_wait3A_147 = arith.constant 0 : i32
      %dma_wait3A_148 = tpu.memref_slice %arg2[%dma_wait3A_146, %dma_wait3A_147] : memref<10240x128xf32, #tpu.memory_space<hbm>> -> memref<240x128xf32, #tpu.memory_space<hbm>>
      tpu.wait_dma2 semaphore(%arg15 : memref<!tpu.dma_semaphore, #tpu.memory_space<semaphore_mem>>) src(%dma_wait3A_148 : memref<240x128xf32, #tpu.memory_space<hbm>>) dst(%dma_wait3A_145 : memref<240x128xf32, #tpu.memory_space<vmem_shared>>)
      %add3A_149 = arith.constant 480 : i32
      %add3A_150 = arith.addi %mul3A_0, %add3A_149 : i32
      %dma_wait3A_151 = arith.constant 0 : i32
      %dma_wait3A_152 = tpu.memref_slice %arg10[%add3A_150, %dma_wait3A_151] : memref<10240x128xf32, #tpu.memory_space<vmem_shared>> -> memref<160x128xf32, #tpu.memory_space<vmem_shared>>
      %dma_wait3A_153 = arith.constant 10000 : i32
      %dma_wait3A_154 = arith.constant 0 : i32
      %dma_wait3A_155 = tpu.memref_slice %arg2[%dma_wait3A_153, %dma_wait3A_154] : memref<10240x128xf32, #tpu.memory_space<hbm>> -> memref<160x128xf32, #tpu.memory_space<hbm>>
      tpu.wait_dma2 semaphore(%arg15 : memref<!tpu.dma_semaphore, #tpu.memory_space<semaphore_mem>>) src(%dma_wait3A_155 : memref<160x128xf32, #tpu.memory_space<hbm>>) dst(%dma_wait3A_152 : memref<160x128xf32, #tpu.memory_space<vmem_shared>>)
    } else {
    }
    %barrier3A = arith.constant 0 : index
    tpu.barrier barrier_id(%barrier3A)
    %mul3A_8 = arith.constant 1280 : i32
    %mul3A_9 = arith.muli %arg0, %mul3A_8 : i32
    %mul3A_10 = arith.constant 80 : i32
    %mul3A_11 = arith.muli %arg1, %mul3A_10 : i32
    %add3A = arith.addi %mul3A_9, %mul3A_11 : i32
    %add3A_12 = arith.constant 0 : i32
    %add3A_13 = arith.addi %add3A, %add3A_12 : i32
    "tpu.region"() ({
      %run_scoped3A = tpu.sem_alloc : memref<!tpu.dma_semaphore, #tpu.memory_space<semaphore_mem>>
      %dma_start3A_114 = arith.constant 0 : i32
      %dma_start3A_115 = tpu.memref_slice %arg3[%add3A_13, %dma_start3A_114] : memref<2560x128xi32, #tpu.memory_space<hbm>> -> memref<40x128xi32, #tpu.memory_space<hbm>>
      %dma_start3A_116 = arith.constant 0 : i32
      %dma_start3A_117 = tpu.memref_slice %arg3[%add3A_13, %dma_start3A_116] : memref<2560x128xi32, #tpu.memory_space<hbm>> -> memref<40x128xi32, #tpu.memory_space<hbm>>
      tpu.enqueue_dma source(%dma_start3A_117 : memref<40x128xi32, #tpu.memory_space<hbm>>) target(%arg7 : memref<40x128xi32, #tpu.memory_space<vmem>>) target_semaphore(%run_scoped3A : memref<!tpu.dma_semaphore, #tpu.memory_space<semaphore_mem>>)
      %dma_wait3A_118 = arith.constant 0 : i32
      %dma_wait3A_119 = tpu.memref_slice %arg3[%add3A_13, %dma_wait3A_118] : memref<2560x128xi32, #tpu.memory_space<hbm>> -> memref<40x128xi32, #tpu.memory_space<hbm>>
      %dma_wait3A_120 = arith.constant 0 : i32
      %dma_wait3A_121 = tpu.memref_slice %arg3[%add3A_13, %dma_wait3A_120] : memref<2560x128xi32, #tpu.memory_space<hbm>> -> memref<40x128xi32, #tpu.memory_space<hbm>>
      tpu.wait_dma2 semaphore(%run_scoped3A : memref<!tpu.dma_semaphore, #tpu.memory_space<semaphore_mem>>) src(%dma_wait3A_121 : memref<40x128xi32, #tpu.memory_space<hbm>>) dst(%arg7 : memref<40x128xi32, #tpu.memory_space<vmem>>)
      tpu.yield
    }) : () -> ()
    %add3A_14 = arith.constant 0 : i32
    %add3A_15 = arith.addi %add3A, %add3A_14 : i32
    "tpu.region"() ({
      %run_scoped3A = tpu.sem_alloc : memref<!tpu.dma_semaphore, #tpu.memory_space<semaphore_mem>>
      %dma_start3A_114 = arith.constant 0 : i32
      %dma_start3A_115 = tpu.memref_slice %arg4[%add3A_15, %dma_start3A_114] : memref<2560x128xi32, #tpu.memory_space<hbm>> -> memref<40x128xi32, #tpu.memory_space<hbm>>
      %dma_start3A_116 = arith.constant 0 : i32
      %dma_start3A_117 = tpu.memref_slice %arg4[%add3A_15, %dma_start3A_116] : memref<2560x128xi32, #tpu.memory_space<hbm>> -> memref<40x128xi32, #tpu.memory_space<hbm>>
      tpu.enqueue_dma source(%dma_start3A_117 : memref<40x128xi32, #tpu.memory_space<hbm>>) target(%arg8 : memref<40x128xi32, #tpu.memory_space<vmem>>) target_semaphore(%run_scoped3A : memref<!tpu.dma_semaphore, #tpu.memory_space<semaphore_mem>>)
      %dma_wait3A_118 = arith.constant 0 : i32
      %dma_wait3A_119 = tpu.memref_slice %arg4[%add3A_15, %dma_wait3A_118] : memref<2560x128xi32, #tpu.memory_space<hbm>> -> memref<40x128xi32, #tpu.memory_space<hbm>>
      %dma_wait3A_120 = arith.constant 0 : i32
      %dma_wait3A_121 = tpu.memref_slice %arg4[%add3A_15, %dma_wait3A_120] : memref<2560x128xi32, #tpu.memory_space<hbm>> -> memref<40x128xi32, #tpu.memory_space<hbm>>
      tpu.wait_dma2 semaphore(%run_scoped3A : memref<!tpu.dma_semaphore, #tpu.memory_space<semaphore_mem>>) src(%dma_wait3A_121 : memref<40x128xi32, #tpu.memory_space<hbm>>) dst(%arg8 : memref<40x128xi32, #tpu.memory_space<vmem>>)
      tpu.yield
    }) : () -> ()
    %dma_start3A = arith.constant 0 : i32
    %dma_start3A_16 = arith.constant 0 : i32
    %dma_start3A_17 = arith.constant 0 : i32
    %dma_start3A_18 = arith.constant 0 : i32
    %dma_start3A_19 = tpu.memref_slice %arg9[%dma_start3A_16, %dma_start3A_17, %dma_start3A_18] : memref<2x128x128xf32, #tpu.memory_space<vmem>> -> memref<1x128x128xf32, #tpu.memory_space<vmem>>
    %dma_start3A_20 = tpu.memref_squeeze %dma_start3A_19 : memref<1x128x128xf32, #tpu.memory_space<vmem>> -> memref<128x128xf32, #tpu.memory_space<vmem>>
    %dma_start3A_21 = arith.constant 0 : i32
    %dma_start3A_22 = tpu.memref_slice %arg7[%dma_start3A, %dma_start3A_21] : memref<40x128xi32, #tpu.memory_space<vmem>> -> memref<1x128xi32, #tpu.memory_space<vmem>>
    %dma_start3A_23 = tpu.memref_squeeze %dma_start3A_22 : memref<1x128xi32, #tpu.memory_space<vmem>> -> memref<128xi32, #tpu.memory_space<vmem>>
    %dma_start3A_24 = arith.constant 0 : i32
    %dma_start3A_25 = arith.constant 0 : i32
    %dma_start3A_26 = tpu.memref_slice %arg2[%dma_start3A_24, %dma_start3A_25] : memref<10240x128xf32, #tpu.memory_space<hbm>> -> memref<10240x128xf32, #tpu.memory_space<hbm>>
    tpu.enqueue_indirect_dma source(%dma_start3A_26 : memref<10240x128xf32, #tpu.memory_space<hbm>>) target(%dma_start3A_20 : memref<128x128xf32, #tpu.memory_space<vmem>>) offsets(%dma_start3A_23 : memref<128xi32, #tpu.memory_space<vmem>>) semaphore(%arg11 : memref<!tpu.dma_semaphore, #tpu.memory_space<semaphore_mem>>)
    %scan3A = arith.constant 0 : i32
    %scan3A_27 = arith.constant 0 : i32
    %scan3A_28 = arith.constant 20 : i32
    %scan3A_29 = arith.addi %scan3A_27, %scan3A_28 : i32
    %scan3A_30 = arith.constant 1 : i32
    %scan3A_31 = scf.for %scan3A_114 = %scan3A_27 to %scan3A_29 step %scan3A_30 iter_args(%scan3A_115 = %scan3A) -> (i32)  : i32 {
      %mul3A_116 = arith.constant 2 : i32
      %mul3A_117 = arith.muli %scan3A_114, %mul3A_116 : i32
      %add3A_118 = arith.constant 0 : i32
      %add3A_119 = arith.addi %mul3A_117, %add3A_118 : i32
      %add3A_120 = arith.constant 1 : i32
      %add3A_121 = arith.addi %add3A_119, %add3A_120 : i32
      %lt3A = arith.constant 40 : i32
      %lt3A_122 = arith.cmpi slt, %add3A_121, %lt3A : i32
      %convert_element_type3A_123 = arith.extui %lt3A_122 : i1 to i32
      %cond3A_124 = arith.constant 0 : i32
      %cond3A_125 = arith.cmpi ne, %convert_element_type3A_123, %cond3A_124 : i32
      scf.if %cond3A_125 {
        %ge3A = arith.constant 1 : i32
        %ge3A_182 = arith.cmpi sge, %add3A_119, %ge3A : i32
        %convert_element_type3A_183 = arith.extui %ge3A_182 : i1 to i32
        %cond3A_184 = arith.constant 0 : i32
        %cond3A_185 = arith.cmpi ne, %convert_element_type3A_183, %cond3A_184 : i32
        scf.if %cond3A_185 {
          %sub3A = arith.constant 1 : i32
          %sub3A_199 = arith.subi %add3A_119, %sub3A : i32
          %dma_wait3A_200 = arith.constant 1 : i32
          %dma_wait3A_201 = arith.constant 0 : i32
          %dma_wait3A_202 = arith.constant 0 : i32
          %dma_wait3A_203 = tpu.memref_slice %arg9[%dma_wait3A_200, %dma_wait3A_201, %dma_wait3A_202] : memref<2x128x128xf32, #tpu.memory_space<vmem>> -> memref<1x128x128xf32, #tpu.memory_space<vmem>>
          %dma_wait3A_204 = tpu.memref_squeeze %dma_wait3A_203 : memref<1x128x128xf32, #tpu.memory_space<vmem>> -> memref<128x128xf32, #tpu.memory_space<vmem>>
          %dma_wait3A_205 = arith.constant 0 : i32
          %dma_wait3A_206 = tpu.memref_slice %arg8[%sub3A_199, %dma_wait3A_205] : memref<40x128xi32, #tpu.memory_space<vmem>> -> memref<1x128xi32, #tpu.memory_space<vmem>>
          %dma_wait3A_207 = tpu.memref_squeeze %dma_wait3A_206 : memref<1x128xi32, #tpu.memory_space<vmem>> -> memref<128xi32, #tpu.memory_space<vmem>>
          %dma_wait3A_208 = arith.constant 0 : i32
          %dma_wait3A_209 = arith.constant 0 : i32
          %dma_wait3A_210 = tpu.memref_slice %arg10[%dma_wait3A_208, %dma_wait3A_209] : memref<10240x128xf32, #tpu.memory_space<vmem_shared>> -> memref<10240x128xf32, #tpu.memory_space<vmem_shared>>
          tpu.wait_indirect_dma semaphore(%arg14 : memref<!tpu.dma_semaphore, #tpu.memory_space<semaphore_mem>>) src(%dma_wait3A_204 : memref<128x128xf32, #tpu.memory_space<vmem>>) dst(%dma_wait3A_210 : memref<10240x128xf32, #tpu.memory_space<vmem_shared>>)
        } else {
        }
        %add3A_186 = arith.constant 1 : i32
        %add3A_187 = arith.addi %add3A_119, %add3A_186 : i32
        %dma_start3A_188 = arith.constant 1 : i32
        %dma_start3A_189 = arith.constant 0 : i32
        %dma_start3A_190 = arith.constant 0 : i32
        %dma_start3A_191 = tpu.memref_slice %arg9[%dma_start3A_188, %dma_start3A_189, %dma_start3A_190] : memref<2x128x128xf32, #tpu.memory_space<vmem>> -> memref<1x128x128xf32, #tpu.memory_space<vmem>>
        %dma_start3A_192 = tpu.memref_squeeze %dma_start3A_191 : memref<1x128x128xf32, #tpu.memory_space<vmem>> -> memref<128x128xf32, #tpu.memory_space<vmem>>
        %dma_start3A_193 = arith.constant 0 : i32
        %dma_start3A_194 = tpu.memref_slice %arg7[%add3A_187, %dma_start3A_193] : memref<40x128xi32, #tpu.memory_space<vmem>> -> memref<1x128xi32, #tpu.memory_space<vmem>>
        %dma_start3A_195 = tpu.memref_squeeze %dma_start3A_194 : memref<1x128xi32, #tpu.memory_space<vmem>> -> memref<128xi32, #tpu.memory_space<vmem>>
        %dma_start3A_196 = arith.constant 0 : i32
        %dma_start3A_197 = arith.constant 0 : i32
        %dma_start3A_198 = tpu.memref_slice %arg2[%dma_start3A_196, %dma_start3A_197] : memref<10240x128xf32, #tpu.memory_space<hbm>> -> memref<10240x128xf32, #tpu.memory_space<hbm>>
        tpu.enqueue_indirect_dma source(%dma_start3A_198 : memref<10240x128xf32, #tpu.memory_space<hbm>>) target(%dma_start3A_192 : memref<128x128xf32, #tpu.memory_space<vmem>>) offsets(%dma_start3A_195 : memref<128xi32, #tpu.memory_space<vmem>>) semaphore(%arg12 : memref<!tpu.dma_semaphore, #tpu.memory_space<semaphore_mem>>)
      } else {
      }
      %dma_wait3A_126 = arith.constant 0 : i32
      %dma_wait3A_127 = arith.constant 0 : i32
      %dma_wait3A_128 = arith.constant 0 : i32
      %dma_wait3A_129 = tpu.memref_slice %arg9[%dma_wait3A_126, %dma_wait3A_127, %dma_wait3A_128] : memref<2x128x128xf32, #tpu.memory_space<vmem>> -> memref<1x128x128xf32, #tpu.memory_space<vmem>>
      %dma_wait3A_130 = tpu.memref_squeeze %dma_wait3A_129 : memref<1x128x128xf32, #tpu.memory_space<vmem>> -> memref<128x128xf32, #tpu.memory_space<vmem>>
      %dma_wait3A_131 = arith.constant 0 : i32
      %dma_wait3A_132 = tpu.memref_slice %arg7[%add3A_119, %dma_wait3A_131] : memref<40x128xi32, #tpu.memory_space<vmem>> -> memref<1x128xi32, #tpu.memory_space<vmem>>
      %dma_wait3A_133 = tpu.memref_squeeze %dma_wait3A_132 : memref<1x128xi32, #tpu.memory_space<vmem>> -> memref<128xi32, #tpu.memory_space<vmem>>
      %dma_wait3A_134 = arith.constant 0 : i32
      %dma_wait3A_135 = arith.constant 0 : i32
      %dma_wait3A_136 = tpu.memref_slice %arg2[%dma_wait3A_134, %dma_wait3A_135] : memref<10240x128xf32, #tpu.memory_space<hbm>> -> memref<10240x128xf32, #tpu.memory_space<hbm>>
      tpu.wait_indirect_dma semaphore(%arg11 : memref<!tpu.dma_semaphore, #tpu.memory_space<semaphore_mem>>) src(%dma_wait3A_136 : memref<10240x128xf32, #tpu.memory_space<hbm>>) dst(%dma_wait3A_130 : memref<128x128xf32, #tpu.memory_space<vmem>>)
      %dma_start3A_137 = arith.constant 0 : i32
      %dma_start3A_138 = arith.constant 0 : i32
      %dma_start3A_139 = arith.constant 0 : i32
      %dma_start3A_140 = tpu.memref_slice %arg9[%dma_start3A_137, %dma_start3A_138, %dma_start3A_139] : memref<2x128x128xf32, #tpu.memory_space<vmem>> -> memref<1x128x128xf32, #tpu.memory_space<vmem>>
      %dma_start3A_141 = tpu.memref_squeeze %dma_start3A_140 : memref<1x128x128xf32, #tpu.memory_space<vmem>> -> memref<128x128xf32, #tpu.memory_space<vmem>>
      %dma_start3A_142 = arith.constant 0 : i32
      %dma_start3A_143 = tpu.memref_slice %arg8[%add3A_119, %dma_start3A_142] : memref<40x128xi32, #tpu.memory_space<vmem>> -> memref<1x128xi32, #tpu.memory_space<vmem>>
      %dma_start3A_144 = tpu.memref_squeeze %dma_start3A_143 : memref<1x128xi32, #tpu.memory_space<vmem>> -> memref<128xi32, #tpu.memory_space<vmem>>
      %dma_start3A_145 = arith.constant 0 : i32
      %dma_start3A_146 = arith.constant 0 : i32
      %dma_start3A_147 = tpu.memref_slice %arg10[%dma_start3A_145, %dma_start3A_146] : memref<10240x128xf32, #tpu.memory_space<vmem_shared>> -> memref<10240x128xf32, #tpu.memory_space<vmem_shared>>
      tpu.enqueue_indirect_dma source(%dma_start3A_141 : memref<128x128xf32, #tpu.memory_space<vmem>>) target(%dma_start3A_147 : memref<10240x128xf32, #tpu.memory_space<vmem_shared>>) offsets(%dma_start3A_144 : memref<128xi32, #tpu.memory_space<vmem>>) semaphore(%arg13 : memref<!tpu.dma_semaphore, #tpu.memory_space<semaphore_mem>>) {add = true}
      %mul3A_148 = arith.constant 2 : i32
      %mul3A_149 = arith.muli %scan3A_114, %mul3A_148 : i32
      %add3A_150 = arith.constant 1 : i32
      %add3A_151 = arith.addi %mul3A_149, %add3A_150 : i32
      %add3A_152 = arith.constant 1 : i32
      %add3A_153 = arith.addi %add3A_151, %add3A_152 : i32
      %lt3A_154 = arith.constant 40 : i32
      %lt3A_155 = arith.cmpi slt, %add3A_153, %lt3A_154 : i32
      %convert_element_type3A_156 = arith.extui %lt3A_155 : i1 to i32
      %cond3A_157 = arith.constant 0 : i32
      %cond3A_158 = arith.cmpi ne, %convert_element_type3A_156, %cond3A_157 : i32
      scf.if %cond3A_158 {
        %ge3A = arith.constant 1 : i32
        %ge3A_182 = arith.cmpi sge, %add3A_151, %ge3A : i32
        %convert_element_type3A_183 = arith.extui %ge3A_182 : i1 to i32
        %cond3A_184 = arith.constant 0 : i32
        %cond3A_185 = arith.cmpi ne, %convert_element_type3A_183, %cond3A_184 : i32
        scf.if %cond3A_185 {
          %sub3A = arith.constant 1 : i32
          %sub3A_199 = arith.subi %add3A_151, %sub3A : i32
          %dma_wait3A_200 = arith.constant 0 : i32
          %dma_wait3A_201 = arith.constant 0 : i32
          %dma_wait3A_202 = arith.constant 0 : i32
          %dma_wait3A_203 = tpu.memref_slice %arg9[%dma_wait3A_200, %dma_wait3A_201, %dma_wait3A_202] : memref<2x128x128xf32, #tpu.memory_space<vmem>> -> memref<1x128x128xf32, #tpu.memory_space<vmem>>
          %dma_wait3A_204 = tpu.memref_squeeze %dma_wait3A_203 : memref<1x128x128xf32, #tpu.memory_space<vmem>> -> memref<128x128xf32, #tpu.memory_space<vmem>>
          %dma_wait3A_205 = arith.constant 0 : i32
          %dma_wait3A_206 = tpu.memref_slice %arg8[%sub3A_199, %dma_wait3A_205] : memref<40x128xi32, #tpu.memory_space<vmem>> -> memref<1x128xi32, #tpu.memory_space<vmem>>
          %dma_wait3A_207 = tpu.memref_squeeze %dma_wait3A_206 : memref<1x128xi32, #tpu.memory_space<vmem>> -> memref<128xi32, #tpu.memory_space<vmem>>
          %dma_wait3A_208 = arith.constant 0 : i32
          %dma_wait3A_209 = arith.constant 0 : i32
          %dma_wait3A_210 = tpu.memref_slice %arg10[%dma_wait3A_208, %dma_wait3A_209] : memref<10240x128xf32, #tpu.memory_space<vmem_shared>> -> memref<10240x128xf32, #tpu.memory_space<vmem_shared>>
          tpu.wait_indirect_dma semaphore(%arg13 : memref<!tpu.dma_semaphore, #tpu.memory_space<semaphore_mem>>) src(%dma_wait3A_204 : memref<128x128xf32, #tpu.memory_space<vmem>>) dst(%dma_wait3A_210 : memref<10240x128xf32, #tpu.memory_space<vmem_shared>>)
        } else {
        }
        %add3A_186 = arith.constant 1 : i32
        %add3A_187 = arith.addi %add3A_151, %add3A_186 : i32
        %dma_start3A_188 = arith.constant 0 : i32
        %dma_start3A_189 = arith.constant 0 : i32
        %dma_start3A_190 = arith.constant 0 : i32
        %dma_start3A_191 = tpu.memref_slice %arg9[%dma_start3A_188, %dma_start3A_189, %dma_start3A_190] : memref<2x128x128xf32, #tpu.memory_space<vmem>> -> memref<1x128x128xf32, #tpu.memory_space<vmem>>
        %dma_start3A_192 = tpu.memref_squeeze %dma_start3A_191 : memref<1x128x128xf32, #tpu.memory_space<vmem>> -> memref<128x128xf32, #tpu.memory_space<vmem>>
        %dma_start3A_193 = arith.constant 0 : i32
        %dma_start3A_194 = tpu.memref_slice %arg7[%add3A_187, %dma_start3A_193] : memref<40x128xi32, #tpu.memory_space<vmem>> -> memref<1x128xi32, #tpu.memory_space<vmem>>
        %dma_start3A_195 = tpu.memref_squeeze %dma_start3A_194 : memref<1x128xi32, #tpu.memory_space<vmem>> -> memref<128xi32, #tpu.memory_space<vmem>>
        %dma_start3A_196 = arith.constant 0 : i32
        %dma_start3A_197 = arith.constant 0 : i32
        %dma_start3A_198 = tpu.memref_slice %arg2[%dma_start3A_196, %dma_start3A_197] : memref<10240x128xf32, #tpu.memory_space<hbm>> -> memref<10240x128xf32, #tpu.memory_space<hbm>>
        tpu.enqueue_indirect_dma source(%dma_start3A_198 : memref<10240x128xf32, #tpu.memory_space<hbm>>) target(%dma_start3A_192 : memref<128x128xf32, #tpu.memory_space<vmem>>) offsets(%dma_start3A_195 : memref<128xi32, #tpu.memory_space<vmem>>) semaphore(%arg11 : memref<!tpu.dma_semaphore, #tpu.memory_space<semaphore_mem>>)
      } else {
      }
      %dma_wait3A_159 = arith.constant 1 : i32
      %dma_wait3A_160 = arith.constant 0 : i32
      %dma_wait3A_161 = arith.constant 0 : i32
      %dma_wait3A_162 = tpu.memref_slice %arg9[%dma_wait3A_159, %dma_wait3A_160, %dma_wait3A_161] : memref<2x128x128xf32, #tpu.memory_space<vmem>> -> memref<1x128x128xf32, #tpu.memory_space<vmem>>
      %dma_wait3A_163 = tpu.memref_squeeze %dma_wait3A_162 : memref<1x128x128xf32, #tpu.memory_space<vmem>> -> memref<128x128xf32, #tpu.memory_space<vmem>>
      %dma_wait3A_164 = arith.constant 0 : i32
      %dma_wait3A_165 = tpu.memref_slice %arg7[%add3A_151, %dma_wait3A_164] : memref<40x128xi32, #tpu.memory_space<vmem>> -> memref<1x128xi32, #tpu.memory_space<vmem>>
      %dma_wait3A_166 = tpu.memref_squeeze %dma_wait3A_165 : memref<1x128xi32, #tpu.memory_space<vmem>> -> memref<128xi32, #tpu.memory_space<vmem>>
      %dma_wait3A_167 = arith.constant 0 : i32
      %dma_wait3A_168 = arith.constant 0 : i32
      %dma_wait3A_169 = tpu.memref_slice %arg2[%dma_wait3A_167, %dma_wait3A_168] : memref<10240x128xf32, #tpu.memory_space<hbm>> -> memref<10240x128xf32, #tpu.memory_space<hbm>>
      tpu.wait_indirect_dma semaphore(%arg12 : memref<!tpu.dma_semaphore, #tpu.memory_space<semaphore_mem>>) src(%dma_wait3A_169 : memref<10240x128xf32, #tpu.memory_space<hbm>>) dst(%dma_wait3A_163 : memref<128x128xf32, #tpu.memory_space<vmem>>)
      %dma_start3A_170 = arith.constant 1 : i32
      %dma_start3A_171 = arith.constant 0 : i32
      %dma_start3A_172 = arith.constant 0 : i32
      %dma_start3A_173 = tpu.memref_slice %arg9[%dma_start3A_170, %dma_start3A_171, %dma_start3A_172] : memref<2x128x128xf32, #tpu.memory_space<vmem>> -> memref<1x128x128xf32, #tpu.memory_space<vmem>>
      %dma_start3A_174 = tpu.memref_squeeze %dma_start3A_173 : memref<1x128x128xf32, #tpu.memory_space<vmem>> -> memref<128x128xf32, #tpu.memory_space<vmem>>
      %dma_start3A_175 = arith.constant 0 : i32
      %dma_start3A_176 = tpu.memref_slice %arg8[%add3A_151, %dma_start3A_175] : memref<40x128xi32, #tpu.memory_space<vmem>> -> memref<1x128xi32, #tpu.memory_space<vmem>>
      %dma_start3A_177 = tpu.memref_squeeze %dma_start3A_176 : memref<1x128xi32, #tpu.memory_space<vmem>> -> memref<128xi32, #tpu.memory_space<vmem>>
      %dma_start3A_178 = arith.constant 0 : i32
      %dma_start3A_179 = arith.constant 0 : i32
      %dma_start3A_180 = tpu.memref_slice %arg10[%dma_start3A_178, %dma_start3A_179] : memref<10240x128xf32, #tpu.memory_space<vmem_shared>> -> memref<10240x128xf32, #tpu.memory_space<vmem_shared>>
      tpu.enqueue_indirect_dma source(%dma_start3A_174 : memref<128x128xf32, #tpu.memory_space<vmem>>) target(%dma_start3A_180 : memref<10240x128xf32, #tpu.memory_space<vmem_shared>>) offsets(%dma_start3A_177 : memref<128xi32, #tpu.memory_space<vmem>>) semaphore(%arg14 : memref<!tpu.dma_semaphore, #tpu.memory_space<semaphore_mem>>) {add = true}
      %scan3A_181 = arith.constant 0 : i32
      scf.yield %scan3A_181 : i32
    }
    %scan3A_32 = arith.constant 20 : i32
    %dma_wait3A = arith.constant 0 : i32
    %dma_wait3A_33 = arith.constant 38 : i32
    %dma_wait3A_34 = arith.constant 0 : i32
    %dma_wait3A_35 = arith.constant 0 : i32
    %dma_wait3A_36 = tpu.memref_slice %arg9[%dma_wait3A, %dma_wait3A_34, %dma_wait3A_35] : memref<2x128x128xf32, #tpu.memory_space<vmem>> -> memref<1x128x128xf32, #tpu.memory_space<vmem>>
    %dma_wait3A_37 = tpu.memref_squeeze %dma_wait3A_36 : memref<1x128x128xf32, #tpu.memory_space<vmem>> -> memref<128x128xf32, #tpu.memory_space<vmem>>
    %dma_wait3A_38 = arith.constant 0 : i32
    %dma_wait3A_39 = tpu.memref_slice %arg8[%dma_wait3A_33, %dma_wait3A_38] : memref<40x128xi32, #tpu.memory_space<vmem>> -> memref<1x128xi32, #tpu.memory_space<vmem>>
    %dma_wait3A_40 = tpu.memref_squeeze %dma_wait3A_39 : memref<1x128xi32, #tpu.memory_space<vmem>> -> memref<128xi32, #tpu.memory_space<vmem>>
    %dma_wait3A_41 = arith.constant 0 : i32
    %dma_wait3A_42 = arith.constant 0 : i32
    %dma_wait3A_43 = tpu.memref_slice %arg10[%dma_wait3A_41, %dma_wait3A_42] : memref<10240x128xf32, #tpu.memory_space<vmem_shared>> -> memref<10240x128xf32, #tpu.memory_space<vmem_shared>>
    tpu.wait_indirect_dma semaphore(%arg13 : memref<!tpu.dma_semaphore, #tpu.memory_space<semaphore_mem>>) src(%dma_wait3A_37 : memref<128x128xf32, #tpu.memory_space<vmem>>) dst(%dma_wait3A_43 : memref<10240x128xf32, #tpu.memory_space<vmem_shared>>)
    %dma_wait3A_44 = arith.constant 1 : i32
    %dma_wait3A_45 = arith.constant 39 : i32
    %dma_wait3A_46 = arith.constant 0 : i32
    %dma_wait3A_47 = arith.constant 0 : i32
    %dma_wait3A_48 = tpu.memref_slice %arg9[%dma_wait3A_44, %dma_wait3A_46, %dma_wait3A_47] : memref<2x128x128xf32, #tpu.memory_space<vmem>> -> memref<1x128x128xf32, #tpu.memory_space<vmem>>
    %dma_wait3A_49 = tpu.memref_squeeze %dma_wait3A_48 : memref<1x128x128xf32, #tpu.memory_space<vmem>> -> memref<128x128xf32, #tpu.memory_space<vmem>>
    %dma_wait3A_50 = arith.constant 0 : i32
    %dma_wait3A_51 = tpu.memref_slice %arg8[%dma_wait3A_45, %dma_wait3A_50] : memref<40x128xi32, #tpu.memory_space<vmem>> -> memref<1x128xi32, #tpu.memory_space<vmem>>
    %dma_wait3A_52 = tpu.memref_squeeze %dma_wait3A_51 : memref<1x128xi32, #tpu.memory_space<vmem>> -> memref<128xi32, #tpu.memory_space<vmem>>
    %dma_wait3A_53 = arith.constant 0 : i32
    %dma_wait3A_54 = arith.constant 0 : i32
    %dma_wait3A_55 = tpu.memref_slice %arg10[%dma_wait3A_53, %dma_wait3A_54] : memref<10240x128xf32, #tpu.memory_space<vmem_shared>> -> memref<10240x128xf32, #tpu.memory_space<vmem_shared>>
    tpu.wait_indirect_dma semaphore(%arg14 : memref<!tpu.dma_semaphore, #tpu.memory_space<semaphore_mem>>) src(%dma_wait3A_49 : memref<128x128xf32, #tpu.memory_space<vmem>>) dst(%dma_wait3A_55 : memref<10240x128xf32, #tpu.memory_space<vmem_shared>>)
    %add3A_56 = arith.constant 40 : i32
    %add3A_57 = arith.addi %add3A, %add3A_56 : i32
    "tpu.region"() ({
      %run_scoped3A = tpu.sem_alloc : memref<!tpu.dma_semaphore, #tpu.memory_space<semaphore_mem>>
      %dma_start3A_114 = arith.constant 0 : i32
      %dma_start3A_115 = tpu.memref_slice %arg3[%add3A_57, %dma_start3A_114] : memref<2560x128xi32, #tpu.memory_space<hbm>> -> memref<40x128xi32, #tpu.memory_space<hbm>>
      %dma_start3A_116 = arith.constant 0 : i32
      %dma_start3A_117 = tpu.memref_slice %arg3[%add3A_57, %dma_start3A_116] : memref<2560x128xi32, #tpu.memory_space<hbm>> -> memref<40x128xi32, #tpu.memory_space<hbm>>
      tpu.enqueue_dma source(%dma_start3A_117 : memref<40x128xi32, #tpu.memory_space<hbm>>) target(%arg7 : memref<40x128xi32, #tpu.memory_space<vmem>>) target_semaphore(%run_scoped3A : memref<!tpu.dma_semaphore, #tpu.memory_space<semaphore_mem>>)
      %dma_wait3A_118 = arith.constant 0 : i32
      %dma_wait3A_119 = tpu.memref_slice %arg3[%add3A_57, %dma_wait3A_118] : memref<2560x128xi32, #tpu.memory_space<hbm>> -> memref<40x128xi32, #tpu.memory_space<hbm>>
      %dma_wait3A_120 = arith.constant 0 : i32
      %dma_wait3A_121 = tpu.memref_slice %arg3[%add3A_57, %dma_wait3A_120] : memref<2560x128xi32, #tpu.memory_space<hbm>> -> memref<40x128xi32, #tpu.memory_space<hbm>>
      tpu.wait_dma2 semaphore(%run_scoped3A : memref<!tpu.dma_semaphore, #tpu.memory_space<semaphore_mem>>) src(%dma_wait3A_121 : memref<40x128xi32, #tpu.memory_space<hbm>>) dst(%arg7 : memref<40x128xi32, #tpu.memory_space<vmem>>)
      tpu.yield
    }) : () -> ()
    %add3A_58 = arith.constant 40 : i32
    %add3A_59 = arith.addi %add3A, %add3A_58 : i32
    "tpu.region"() ({
      %run_scoped3A = tpu.sem_alloc : memref<!tpu.dma_semaphore, #tpu.memory_space<semaphore_mem>>
      %dma_start3A_114 = arith.constant 0 : i32
      %dma_start3A_115 = tpu.memref_slice %arg4[%add3A_59, %dma_start3A_114] : memref<2560x128xi32, #tpu.memory_space<hbm>> -> memref<40x128xi32, #tpu.memory_space<hbm>>
      %dma_start3A_116 = arith.constant 0 : i32
      %dma_start3A_117 = tpu.memref_slice %arg4[%add3A_59, %dma_start3A_116] : memref<2560x128xi32, #tpu.memory_space<hbm>> -> memref<40x128xi32, #tpu.memory_space<hbm>>
      tpu.enqueue_dma source(%dma_start3A_117 : memref<40x128xi32, #tpu.memory_space<hbm>>) target(%arg8 : memref<40x128xi32, #tpu.memory_space<vmem>>) target_semaphore(%run_scoped3A : memref<!tpu.dma_semaphore, #tpu.memory_space<semaphore_mem>>)
      %dma_wait3A_118 = arith.constant 0 : i32
      %dma_wait3A_119 = tpu.memref_slice %arg4[%add3A_59, %dma_wait3A_118] : memref<2560x128xi32, #tpu.memory_space<hbm>> -> memref<40x128xi32, #tpu.memory_space<hbm>>
      %dma_wait3A_120 = arith.constant 0 : i32
      %dma_wait3A_121 = tpu.memref_slice %arg4[%add3A_59, %dma_wait3A_120] : memref<2560x128xi32, #tpu.memory_space<hbm>> -> memref<40x128xi32, #tpu.memory_space<hbm>>
      tpu.wait_dma2 semaphore(%run_scoped3A : memref<!tpu.dma_semaphore, #tpu.memory_space<semaphore_mem>>) src(%dma_wait3A_121 : memref<40x128xi32, #tpu.memory_space<hbm>>) dst(%arg8 : memref<40x128xi32, #tpu.memory_space<vmem>>)
      tpu.yield
    }) : () -> ()
    %dma_start3A_60 = arith.constant 0 : i32
    %dma_start3A_61 = arith.constant 0 : i32
    %dma_start3A_62 = arith.constant 0 : i32
    %dma_start3A_63 = arith.constant 0 : i32
    %dma_start3A_64 = tpu.memref_slice %arg9[%dma_start3A_61, %dma_start3A_62, %dma_start3A_63] : memref<2x128x128xf32, #tpu.memory_space<vmem>> -> memref<1x128x128xf32, #tpu.memory_space<vmem>>
    %dma_start3A_65 = tpu.memref_squeeze %dma_start3A_64 : memref<1x128x128xf32, #tpu.memory_space<vmem>> -> memref<128x128xf32, #tpu.memory_space<vmem>>
    %dma_start3A_66 = arith.constant 0 : i32
    %dma_start3A_67 = tpu.memref_slice %arg7[%dma_start3A_60, %dma_start3A_66] : memref<40x128xi32, #tpu.memory_space<vmem>> -> memref<1x128xi32, #tpu.memory_space<vmem>>
    %dma_start3A_68 = tpu.memref_squeeze %dma_start3A_67 : memref<1x128xi32, #tpu.memory_space<vmem>> -> memref<128xi32, #tpu.memory_space<vmem>>
    %dma_start3A_69 = arith.constant 0 : i32
    %dma_start3A_70 = arith.constant 0 : i32
    %dma_start3A_71 = tpu.memref_slice %arg2[%dma_start3A_69, %dma_start3A_70] : memref<10240x128xf32, #tpu.memory_space<hbm>> -> memref<10240x128xf32, #tpu.memory_space<hbm>>
    tpu.enqueue_indirect_dma source(%dma_start3A_71 : memref<10240x128xf32, #tpu.memory_space<hbm>>) target(%dma_start3A_65 : memref<128x128xf32, #tpu.memory_space<vmem>>) offsets(%dma_start3A_68 : memref<128xi32, #tpu.memory_space<vmem>>) semaphore(%arg11 : memref<!tpu.dma_semaphore, #tpu.memory_space<semaphore_mem>>)
    %scan3A_72 = arith.constant 0 : i32
    %scan3A_73 = arith.constant 0 : i32
    %scan3A_74 = arith.constant 20 : i32
    %scan3A_75 = arith.addi %scan3A_73, %scan3A_74 : i32
    %scan3A_76 = arith.constant 1 : i32
    %scan3A_77 = scf.for %scan3A_114 = %scan3A_73 to %scan3A_75 step %scan3A_76 iter_args(%scan3A_115 = %scan3A_72) -> (i32)  : i32 {
      %mul3A_116 = arith.constant 2 : i32
      %mul3A_117 = arith.muli %scan3A_114, %mul3A_116 : i32
      %add3A_118 = arith.constant 0 : i32
      %add3A_119 = arith.addi %mul3A_117, %add3A_118 : i32
      %add3A_120 = arith.constant 1 : i32
      %add3A_121 = arith.addi %add3A_119, %add3A_120 : i32
      %lt3A = arith.constant 40 : i32
      %lt3A_122 = arith.cmpi slt, %add3A_121, %lt3A : i32
      %convert_element_type3A_123 = arith.extui %lt3A_122 : i1 to i32
      %cond3A_124 = arith.constant 0 : i32
      %cond3A_125 = arith.cmpi ne, %convert_element_type3A_123, %cond3A_124 : i32
      scf.if %cond3A_125 {
        %ge3A = arith.constant 1 : i32
        %ge3A_182 = arith.cmpi sge, %add3A_119, %ge3A : i32
        %convert_element_type3A_183 = arith.extui %ge3A_182 : i1 to i32
        %cond3A_184 = arith.constant 0 : i32
        %cond3A_185 = arith.cmpi ne, %convert_element_type3A_183, %cond3A_184 : i32
        scf.if %cond3A_185 {
          %sub3A = arith.constant 1 : i32
          %sub3A_199 = arith.subi %add3A_119, %sub3A : i32
          %dma_wait3A_200 = arith.constant 1 : i32
          %dma_wait3A_201 = arith.constant 0 : i32
          %dma_wait3A_202 = arith.constant 0 : i32
          %dma_wait3A_203 = tpu.memref_slice %arg9[%dma_wait3A_200, %dma_wait3A_201, %dma_wait3A_202] : memref<2x128x128xf32, #tpu.memory_space<vmem>> -> memref<1x128x128xf32, #tpu.memory_space<vmem>>
          %dma_wait3A_204 = tpu.memref_squeeze %dma_wait3A_203 : memref<1x128x128xf32, #tpu.memory_space<vmem>> -> memref<128x128xf32, #tpu.memory_space<vmem>>
          %dma_wait3A_205 = arith.constant 0 : i32
          %dma_wait3A_206 = tpu.memref_slice %arg8[%sub3A_199, %dma_wait3A_205] : memref<40x128xi32, #tpu.memory_space<vmem>> -> memref<1x128xi32, #tpu.memory_space<vmem>>
          %dma_wait3A_207 = tpu.memref_squeeze %dma_wait3A_206 : memref<1x128xi32, #tpu.memory_space<vmem>> -> memref<128xi32, #tpu.memory_space<vmem>>
          %dma_wait3A_208 = arith.constant 0 : i32
          %dma_wait3A_209 = arith.constant 0 : i32
          %dma_wait3A_210 = tpu.memref_slice %arg10[%dma_wait3A_208, %dma_wait3A_209] : memref<10240x128xf32, #tpu.memory_space<vmem_shared>> -> memref<10240x128xf32, #tpu.memory_space<vmem_shared>>
          tpu.wait_indirect_dma semaphore(%arg14 : memref<!tpu.dma_semaphore, #tpu.memory_space<semaphore_mem>>) src(%dma_wait3A_204 : memref<128x128xf32, #tpu.memory_space<vmem>>) dst(%dma_wait3A_210 : memref<10240x128xf32, #tpu.memory_space<vmem_shared>>)
        } else {
        }
        %add3A_186 = arith.constant 1 : i32
        %add3A_187 = arith.addi %add3A_119, %add3A_186 : i32
        %dma_start3A_188 = arith.constant 1 : i32
        %dma_start3A_189 = arith.constant 0 : i32
        %dma_start3A_190 = arith.constant 0 : i32
        %dma_start3A_191 = tpu.memref_slice %arg9[%dma_start3A_188, %dma_start3A_189, %dma_start3A_190] : memref<2x128x128xf32, #tpu.memory_space<vmem>> -> memref<1x128x128xf32, #tpu.memory_space<vmem>>
        %dma_start3A_192 = tpu.memref_squeeze %dma_start3A_191 : memref<1x128x128xf32, #tpu.memory_space<vmem>> -> memref<128x128xf32, #tpu.memory_space<vmem>>
        %dma_start3A_193 = arith.constant 0 : i32
        %dma_start3A_194 = tpu.memref_slice %arg7[%add3A_187, %dma_start3A_193] : memref<40x128xi32, #tpu.memory_space<vmem>> -> memref<1x128xi32, #tpu.memory_space<vmem>>
        %dma_start3A_195 = tpu.memref_squeeze %dma_start3A_194 : memref<1x128xi32, #tpu.memory_space<vmem>> -> memref<128xi32, #tpu.memory_space<vmem>>
        %dma_start3A_196 = arith.constant 0 : i32
        %dma_start3A_197 = arith.constant 0 : i32
        %dma_start3A_198 = tpu.memref_slice %arg2[%dma_start3A_196, %dma_start3A_197] : memref<10240x128xf32, #tpu.memory_space<hbm>> -> memref<10240x128xf32, #tpu.memory_space<hbm>>
        tpu.enqueue_indirect_dma source(%dma_start3A_198 : memref<10240x128xf32, #tpu.memory_space<hbm>>) target(%dma_start3A_192 : memref<128x128xf32, #tpu.memory_space<vmem>>) offsets(%dma_start3A_195 : memref<128xi32, #tpu.memory_space<vmem>>) semaphore(%arg12 : memref<!tpu.dma_semaphore, #tpu.memory_space<semaphore_mem>>)
      } else {
      }
      %dma_wait3A_126 = arith.constant 0 : i32
      %dma_wait3A_127 = arith.constant 0 : i32
      %dma_wait3A_128 = arith.constant 0 : i32
      %dma_wait3A_129 = tpu.memref_slice %arg9[%dma_wait3A_126, %dma_wait3A_127, %dma_wait3A_128] : memref<2x128x128xf32, #tpu.memory_space<vmem>> -> memref<1x128x128xf32, #tpu.memory_space<vmem>>
      %dma_wait3A_130 = tpu.memref_squeeze %dma_wait3A_129 : memref<1x128x128xf32, #tpu.memory_space<vmem>> -> memref<128x128xf32, #tpu.memory_space<vmem>>
      %dma_wait3A_131 = arith.constant 0 : i32
      %dma_wait3A_132 = tpu.memref_slice %arg7[%add3A_119, %dma_wait3A_131] : memref<40x128xi32, #tpu.memory_space<vmem>> -> memref<1x128xi32, #tpu.memory_space<vmem>>
      %dma_wait3A_133 = tpu.memref_squeeze %dma_wait3A_132 : memref<1x128xi32, #tpu.memory_space<vmem>> -> memref<128xi32, #tpu.memory_space<vmem>>
      %dma_wait3A_134 = arith.constant 0 : i32
      %dma_wait3A_135 = arith.constant 0 : i32
      %dma_wait3A_136 = tpu.memref_slice %arg2[%dma_wait3A_134, %dma_wait3A_135] : memref<10240x128xf32, #tpu.memory_space<hbm>> -> memref<10240x128xf32, #tpu.memory_space<hbm>>
      tpu.wait_indirect_dma semaphore(%arg11 : memref<!tpu.dma_semaphore, #tpu.memory_space<semaphore_mem>>) src(%dma_wait3A_136 : memref<10240x128xf32, #tpu.memory_space<hbm>>) dst(%dma_wait3A_130 : memref<128x128xf32, #tpu.memory_space<vmem>>)
      %dma_start3A_137 = arith.constant 0 : i32
      %dma_start3A_138 = arith.constant 0 : i32
      %dma_start3A_139 = arith.constant 0 : i32
      %dma_start3A_140 = tpu.memref_slice %arg9[%dma_start3A_137, %dma_start3A_138, %dma_start3A_139] : memref<2x128x128xf32, #tpu.memory_space<vmem>> -> memref<1x128x128xf32, #tpu.memory_space<vmem>>
      %dma_start3A_141 = tpu.memref_squeeze %dma_start3A_140 : memref<1x128x128xf32, #tpu.memory_space<vmem>> -> memref<128x128xf32, #tpu.memory_space<vmem>>
      %dma_start3A_142 = arith.constant 0 : i32
      %dma_start3A_143 = tpu.memref_slice %arg8[%add3A_119, %dma_start3A_142] : memref<40x128xi32, #tpu.memory_space<vmem>> -> memref<1x128xi32, #tpu.memory_space<vmem>>
      %dma_start3A_144 = tpu.memref_squeeze %dma_start3A_143 : memref<1x128xi32, #tpu.memory_space<vmem>> -> memref<128xi32, #tpu.memory_space<vmem>>
      %dma_start3A_145 = arith.constant 0 : i32
      %dma_start3A_146 = arith.constant 0 : i32
      %dma_start3A_147 = tpu.memref_slice %arg10[%dma_start3A_145, %dma_start3A_146] : memref<10240x128xf32, #tpu.memory_space<vmem_shared>> -> memref<10240x128xf32, #tpu.memory_space<vmem_shared>>
      tpu.enqueue_indirect_dma source(%dma_start3A_141 : memref<128x128xf32, #tpu.memory_space<vmem>>) target(%dma_start3A_147 : memref<10240x128xf32, #tpu.memory_space<vmem_shared>>) offsets(%dma_start3A_144 : memref<128xi32, #tpu.memory_space<vmem>>) semaphore(%arg13 : memref<!tpu.dma_semaphore, #tpu.memory_space<semaphore_mem>>) {add = true}
      %mul3A_148 = arith.constant 2 : i32
      %mul3A_149 = arith.muli %scan3A_114, %mul3A_148 : i32
      %add3A_150 = arith.constant 1 : i32
      %add3A_151 = arith.addi %mul3A_149, %add3A_150 : i32
      %add3A_152 = arith.constant 1 : i32
      %add3A_153 = arith.addi %add3A_151, %add3A_152 : i32
      %lt3A_154 = arith.constant 40 : i32
      %lt3A_155 = arith.cmpi slt, %add3A_153, %lt3A_154 : i32
      %convert_element_type3A_156 = arith.extui %lt3A_155 : i1 to i32
      %cond3A_157 = arith.constant 0 : i32
      %cond3A_158 = arith.cmpi ne, %convert_element_type3A_156, %cond3A_157 : i32
      scf.if %cond3A_158 {
        %ge3A = arith.constant 1 : i32
        %ge3A_182 = arith.cmpi sge, %add3A_151, %ge3A : i32
        %convert_element_type3A_183 = arith.extui %ge3A_182 : i1 to i32
        %cond3A_184 = arith.constant 0 : i32
        %cond3A_185 = arith.cmpi ne, %convert_element_type3A_183, %cond3A_184 : i32
        scf.if %cond3A_185 {
          %sub3A = arith.constant 1 : i32
          %sub3A_199 = arith.subi %add3A_151, %sub3A : i32
          %dma_wait3A_200 = arith.constant 0 : i32
          %dma_wait3A_201 = arith.constant 0 : i32
          %dma_wait3A_202 = arith.constant 0 : i32
          %dma_wait3A_203 = tpu.memref_slice %arg9[%dma_wait3A_200, %dma_wait3A_201, %dma_wait3A_202] : memref<2x128x128xf32, #tpu.memory_space<vmem>> -> memref<1x128x128xf32, #tpu.memory_space<vmem>>
          %dma_wait3A_204 = tpu.memref_squeeze %dma_wait3A_203 : memref<1x128x128xf32, #tpu.memory_space<vmem>> -> memref<128x128xf32, #tpu.memory_space<vmem>>
          %dma_wait3A_205 = arith.constant 0 : i32
          %dma_wait3A_206 = tpu.memref_slice %arg8[%sub3A_199, %dma_wait3A_205] : memref<40x128xi32, #tpu.memory_space<vmem>> -> memref<1x128xi32, #tpu.memory_space<vmem>>
          %dma_wait3A_207 = tpu.memref_squeeze %dma_wait3A_206 : memref<1x128xi32, #tpu.memory_space<vmem>> -> memref<128xi32, #tpu.memory_space<vmem>>
          %dma_wait3A_208 = arith.constant 0 : i32
          %dma_wait3A_209 = arith.constant 0 : i32
          %dma_wait3A_210 = tpu.memref_slice %arg10[%dma_wait3A_208, %dma_wait3A_209] : memref<10240x128xf32, #tpu.memory_space<vmem_shared>> -> memref<10240x128xf32, #tpu.memory_space<vmem_shared>>
          tpu.wait_indirect_dma semaphore(%arg13 : memref<!tpu.dma_semaphore, #tpu.memory_space<semaphore_mem>>) src(%dma_wait3A_204 : memref<128x128xf32, #tpu.memory_space<vmem>>) dst(%dma_wait3A_210 : memref<10240x128xf32, #tpu.memory_space<vmem_shared>>)
        } else {
        }
        %add3A_186 = arith.constant 1 : i32
        %add3A_187 = arith.addi %add3A_151, %add3A_186 : i32
        %dma_start3A_188 = arith.constant 0 : i32
        %dma_start3A_189 = arith.constant 0 : i32
        %dma_start3A_190 = arith.constant 0 : i32
        %dma_start3A_191 = tpu.memref_slice %arg9[%dma_start3A_188, %dma_start3A_189, %dma_start3A_190] : memref<2x128x128xf32, #tpu.memory_space<vmem>> -> memref<1x128x128xf32, #tpu.memory_space<vmem>>
        %dma_start3A_192 = tpu.memref_squeeze %dma_start3A_191 : memref<1x128x128xf32, #tpu.memory_space<vmem>> -> memref<128x128xf32, #tpu.memory_space<vmem>>
        %dma_start3A_193 = arith.constant 0 : i32
        %dma_start3A_194 = tpu.memref_slice %arg7[%add3A_187, %dma_start3A_193] : memref<40x128xi32, #tpu.memory_space<vmem>> -> memref<1x128xi32, #tpu.memory_space<vmem>>
        %dma_start3A_195 = tpu.memref_squeeze %dma_start3A_194 : memref<1x128xi32, #tpu.memory_space<vmem>> -> memref<128xi32, #tpu.memory_space<vmem>>
        %dma_start3A_196 = arith.constant 0 : i32
        %dma_start3A_197 = arith.constant 0 : i32
        %dma_start3A_198 = tpu.memref_slice %arg2[%dma_start3A_196, %dma_start3A_197] : memref<10240x128xf32, #tpu.memory_space<hbm>> -> memref<10240x128xf32, #tpu.memory_space<hbm>>
        tpu.enqueue_indirect_dma source(%dma_start3A_198 : memref<10240x128xf32, #tpu.memory_space<hbm>>) target(%dma_start3A_192 : memref<128x128xf32, #tpu.memory_space<vmem>>) offsets(%dma_start3A_195 : memref<128xi32, #tpu.memory_space<vmem>>) semaphore(%arg11 : memref<!tpu.dma_semaphore, #tpu.memory_space<semaphore_mem>>)
      } else {
      }
      %dma_wait3A_159 = arith.constant 1 : i32
      %dma_wait3A_160 = arith.constant 0 : i32
      %dma_wait3A_161 = arith.constant 0 : i32
      %dma_wait3A_162 = tpu.memref_slice %arg9[%dma_wait3A_159, %dma_wait3A_160, %dma_wait3A_161] : memref<2x128x128xf32, #tpu.memory_space<vmem>> -> memref<1x128x128xf32, #tpu.memory_space<vmem>>
      %dma_wait3A_163 = tpu.memref_squeeze %dma_wait3A_162 : memref<1x128x128xf32, #tpu.memory_space<vmem>> -> memref<128x128xf32, #tpu.memory_space<vmem>>
      %dma_wait3A_164 = arith.constant 0 : i32
      %dma_wait3A_165 = tpu.memref_slice %arg7[%add3A_151, %dma_wait3A_164] : memref<40x128xi32, #tpu.memory_space<vmem>> -> memref<1x128xi32, #tpu.memory_space<vmem>>
      %dma_wait3A_166 = tpu.memref_squeeze %dma_wait3A_165 : memref<1x128xi32, #tpu.memory_space<vmem>> -> memref<128xi32, #tpu.memory_space<vmem>>
      %dma_wait3A_167 = arith.constant 0 : i32
      %dma_wait3A_168 = arith.constant 0 : i32
      %dma_wait3A_169 = tpu.memref_slice %arg2[%dma_wait3A_167, %dma_wait3A_168] : memref<10240x128xf32, #tpu.memory_space<hbm>> -> memref<10240x128xf32, #tpu.memory_space<hbm>>
      tpu.wait_indirect_dma semaphore(%arg12 : memref<!tpu.dma_semaphore, #tpu.memory_space<semaphore_mem>>) src(%dma_wait3A_169 : memref<10240x128xf32, #tpu.memory_space<hbm>>) dst(%dma_wait3A_163 : memref<128x128xf32, #tpu.memory_space<vmem>>)
      %dma_start3A_170 = arith.constant 1 : i32
      %dma_start3A_171 = arith.constant 0 : i32
      %dma_start3A_172 = arith.constant 0 : i32
      %dma_start3A_173 = tpu.memref_slice %arg9[%dma_start3A_170, %dma_start3A_171, %dma_start3A_172] : memref<2x128x128xf32, #tpu.memory_space<vmem>> -> memref<1x128x128xf32, #tpu.memory_space<vmem>>
      %dma_start3A_174 = tpu.memref_squeeze %dma_start3A_173 : memref<1x128x128xf32, #tpu.memory_space<vmem>> -> memref<128x128xf32, #tpu.memory_space<vmem>>
      %dma_start3A_175 = arith.constant 0 : i32
      %dma_start3A_176 = tpu.memref_slice %arg8[%add3A_151, %dma_start3A_175] : memref<40x128xi32, #tpu.memory_space<vmem>> -> memref<1x128xi32, #tpu.memory_space<vmem>>
      %dma_start3A_177 = tpu.memref_squeeze %dma_start3A_176 : memref<1x128xi32, #tpu.memory_space<vmem>> -> memref<128xi32, #tpu.memory_space<vmem>>
      %dma_start3A_178 = arith.constant 0 : i32
      %dma_start3A_179 = arith.constant 0 : i32
      %dma_start3A_180 = tpu.memref_slice %arg10[%dma_start3A_178, %dma_start3A_179] : memref<10240x128xf32, #tpu.memory_space<vmem_shared>> -> memref<10240x128xf32, #tpu.memory_space<vmem_shared>>
      tpu.enqueue_indirect_dma source(%dma_start3A_174 : memref<128x128xf32, #tpu.memory_space<vmem>>) target(%dma_start3A_180 : memref<10240x128xf32, #tpu.memory_space<vmem_shared>>) offsets(%dma_start3A_177 : memref<128xi32, #tpu.memory_space<vmem>>) semaphore(%arg14 : memref<!tpu.dma_semaphore, #tpu.memory_space<semaphore_mem>>) {add = true}
      %scan3A_181 = arith.constant 0 : i32
      scf.yield %scan3A_181 : i32
    }
    %scan3A_78 = arith.constant 20 : i32
    %dma_wait3A_79 = arith.constant 0 : i32
    %dma_wait3A_80 = arith.constant 38 : i32
    %dma_wait3A_81 = arith.constant 0 : i32
    %dma_wait3A_82 = arith.constant 0 : i32
    %dma_wait3A_83 = tpu.memref_slice %arg9[%dma_wait3A_79, %dma_wait3A_81, %dma_wait3A_82] : memref<2x128x128xf32, #tpu.memory_space<vmem>> -> memref<1x128x128xf32, #tpu.memory_space<vmem>>
    %dma_wait3A_84 = tpu.memref_squeeze %dma_wait3A_83 : memref<1x128x128xf32, #tpu.memory_space<vmem>> -> memref<128x128xf32, #tpu.memory_space<vmem>>
    %dma_wait3A_85 = arith.constant 0 : i32
    %dma_wait3A_86 = tpu.memref_slice %arg8[%dma_wait3A_80, %dma_wait3A_85] : memref<40x128xi32, #tpu.memory_space<vmem>> -> memref<1x128xi32, #tpu.memory_space<vmem>>
    %dma_wait3A_87 = tpu.memref_squeeze %dma_wait3A_86 : memref<1x128xi32, #tpu.memory_space<vmem>> -> memref<128xi32, #tpu.memory_space<vmem>>
    %dma_wait3A_88 = arith.constant 0 : i32
    %dma_wait3A_89 = arith.constant 0 : i32
    %dma_wait3A_90 = tpu.memref_slice %arg10[%dma_wait3A_88, %dma_wait3A_89] : memref<10240x128xf32, #tpu.memory_space<vmem_shared>> -> memref<10240x128xf32, #tpu.memory_space<vmem_shared>>
    tpu.wait_indirect_dma semaphore(%arg13 : memref<!tpu.dma_semaphore, #tpu.memory_space<semaphore_mem>>) src(%dma_wait3A_84 : memref<128x128xf32, #tpu.memory_space<vmem>>) dst(%dma_wait3A_90 : memref<10240x128xf32, #tpu.memory_space<vmem_shared>>)
    %dma_wait3A_91 = arith.constant 1 : i32
    %dma_wait3A_92 = arith.constant 39 : i32
    %dma_wait3A_93 = arith.constant 0 : i32
    %dma_wait3A_94 = arith.constant 0 : i32
    %dma_wait3A_95 = tpu.memref_slice %arg9[%dma_wait3A_91, %dma_wait3A_93, %dma_wait3A_94] : memref<2x128x128xf32, #tpu.memory_space<vmem>> -> memref<1x128x128xf32, #tpu.memory_space<vmem>>
    %dma_wait3A_96 = tpu.memref_squeeze %dma_wait3A_95 : memref<1x128x128xf32, #tpu.memory_space<vmem>> -> memref<128x128xf32, #tpu.memory_space<vmem>>
    %dma_wait3A_97 = arith.constant 0 : i32
    %dma_wait3A_98 = tpu.memref_slice %arg8[%dma_wait3A_92, %dma_wait3A_97] : memref<40x128xi32, #tpu.memory_space<vmem>> -> memref<1x128xi32, #tpu.memory_space<vmem>>
    %dma_wait3A_99 = tpu.memref_squeeze %dma_wait3A_98 : memref<1x128xi32, #tpu.memory_space<vmem>> -> memref<128xi32, #tpu.memory_space<vmem>>
    %dma_wait3A_100 = arith.constant 0 : i32
    %dma_wait3A_101 = arith.constant 0 : i32
    %dma_wait3A_102 = tpu.memref_slice %arg10[%dma_wait3A_100, %dma_wait3A_101] : memref<10240x128xf32, #tpu.memory_space<vmem_shared>> -> memref<10240x128xf32, #tpu.memory_space<vmem_shared>>
    tpu.wait_indirect_dma semaphore(%arg14 : memref<!tpu.dma_semaphore, #tpu.memory_space<semaphore_mem>>) src(%dma_wait3A_96 : memref<128x128xf32, #tpu.memory_space<vmem>>) dst(%dma_wait3A_102 : memref<10240x128xf32, #tpu.memory_space<vmem_shared>>)
    %barrier3A_103 = arith.constant 0 : index
    tpu.barrier barrier_id(%barrier3A_103)
    %eq3A_104 = arith.constant 0 : i32
    %eq3A_105 = arith.cmpi eq, %arg0, %eq3A_104 : i32
    %convert_element_type3A_106 = arith.extui %eq3A_105 : i1 to i32
    %cond3A_107 = arith.constant 0 : i32
    %cond3A_108 = arith.cmpi ne, %convert_element_type3A_106, %cond3A_107 : i32
    scf.if %cond3A_108 {
      "tpu.region"() ({
        %run_scoped3A = tpu.sem_alloc : memref<!tpu.dma_semaphore, #tpu.memory_space<semaphore_mem>>
        %dma_start3A_114 = arith.constant 0 : i32
        %dma_start3A_115 = tpu.memref_slice %arg5[%mul3A_0, %dma_start3A_114] : memref<10240x128xf32, #tpu.memory_space<hbm>> -> memref<640x128xf32, #tpu.memory_space<hbm>>
        %dma_start3A_116 = arith.constant 0 : i32
        %dma_start3A_117 = tpu.memref_slice %arg10[%mul3A_0, %dma_start3A_116] : memref<10240x128xf32, #tpu.memory_space<vmem_shared>> -> memref<640x128xf32, #tpu.memory_space<vmem_shared>>
        tpu.enqueue_dma source(%dma_start3A_117 : memref<640x128xf32, #tpu.memory_space<vmem_shared>>) target(%dma_start3A_115 : memref<640x128xf32, #tpu.memory_space<hbm>>) target_semaphore(%run_scoped3A : memref<!tpu.dma_semaphore, #tpu.memory_space<semaphore_mem>>)
        %dma_wait3A_118 = arith.constant 0 : i32
        %dma_wait3A_119 = tpu.memref_slice %arg5[%mul3A_0, %dma_wait3A_118] : memref<10240x128xf32, #tpu.memory_space<hbm>> -> memref<640x128xf32, #tpu.memory_space<hbm>>
        %dma_wait3A_120 = arith.constant 0 : i32
        %dma_wait3A_121 = tpu.memref_slice %arg10[%mul3A_0, %dma_wait3A_120] : memref<10240x128xf32, #tpu.memory_space<vmem_shared>> -> memref<640x128xf32, #tpu.memory_space<vmem_shared>>
        tpu.wait_dma2 semaphore(%run_scoped3A : memref<!tpu.dma_semaphore, #tpu.memory_space<semaphore_mem>>) src(%dma_wait3A_121 : memref<640x128xf32, #tpu.memory_space<vmem_shared>>) dst(%dma_wait3A_119 : memref<640x128xf32, #tpu.memory_space<hbm>>)
        tpu.yield
      }) : () -> ()
    } else {
    }
    %eq3A_109 = arith.constant 1 : i32
    %eq3A_110 = arith.cmpi eq, %arg0, %eq3A_109 : i32
    %convert_element_type3A_111 = arith.extui %eq3A_110 : i1 to i32
    %cond3A_112 = arith.constant 0 : i32
    %cond3A_113 = arith.cmpi ne, %convert_element_type3A_111, %cond3A_112 : i32
    scf.if %cond3A_113 {
      "tpu.region"() ({
        %run_scoped3A = tpu.sem_alloc : memref<!tpu.dma_semaphore, #tpu.memory_space<semaphore_mem>>
        %dma_start3A_114 = arith.constant 0 : i32
        %dma_start3A_115 = tpu.memref_slice %arg6[%mul3A_0, %dma_start3A_114] : memref<10240x128xf32, #tpu.memory_space<hbm>> -> memref<640x128xf32, #tpu.memory_space<hbm>>
        %dma_start3A_116 = arith.constant 0 : i32
        %dma_start3A_117 = tpu.memref_slice %arg10[%mul3A_0, %dma_start3A_116] : memref<10240x128xf32, #tpu.memory_space<vmem_shared>> -> memref<640x128xf32, #tpu.memory_space<vmem_shared>>
        tpu.enqueue_dma source(%dma_start3A_117 : memref<640x128xf32, #tpu.memory_space<vmem_shared>>) target(%dma_start3A_115 : memref<640x128xf32, #tpu.memory_space<hbm>>) target_semaphore(%run_scoped3A : memref<!tpu.dma_semaphore, #tpu.memory_space<semaphore_mem>>)
        %dma_wait3A_118 = arith.constant 0 : i32
        %dma_wait3A_119 = tpu.memref_slice %arg6[%mul3A_0, %dma_wait3A_118] : memref<10240x128xf32, #tpu.memory_space<hbm>> -> memref<640x128xf32, #tpu.memory_space<hbm>>
        %dma_wait3A_120 = arith.constant 0 : i32
        %dma_wait3A_121 = tpu.memref_slice %arg10[%mul3A_0, %dma_wait3A_120] : memref<10240x128xf32, #tpu.memory_space<vmem_shared>> -> memref<640x128xf32, #tpu.memory_space<vmem_shared>>
        tpu.wait_dma2 semaphore(%run_scoped3A : memref<!tpu.dma_semaphore, #tpu.memory_space<semaphore_mem>>) src(%dma_wait3A_121 : memref<640x128xf32, #tpu.memory_space<vmem_shared>>) dst(%dma_wait3A_119 : memref<640x128xf32, #tpu.memory_space<hbm>>)
        tpu.yield
      }) : () -> ()
    } else {
    }
    return
  }
}

#map = affine_map<(d0, d1) -> (0, 0)>
module attributes {stable_mosaic.version = 14 : i64} {
  func.func @_deg_body(%arg0: i32, %arg1: i32, %arg2: memref<2560x128xi32, #tpu.memory_space<hbm>>, %arg3: memref<32x10240xf32, #tpu.memory_space<hbm>>, %arg4: memref<80x128xi32, #tpu.memory_space<vmem>>, %arg5: memref<10240xf32, #tpu.memory_space<vmem>>) attributes {dimension_semantics = [#tpu.dimension_semantics<core_parallel>, #tpu.dimension_semantics<subcore_parallel>], iteration_bounds = array<i64: 2, 16>, scalar_prefetch = 0 : i64, scratch_operands = 2 : i64, tpu.core_type = #tpu.core_type<sc_vector_subcore>, window_params = [{transform_indices = #map}, {transform_indices = #map}]} {
    %mul3A = arith.constant 16 : i32
    %mul3A_0 = arith.muli %arg0, %mul3A : i32
    %add3A = arith.addi %mul3A_0, %arg1 : i32
    %scan3A = arith.constant 0 : i32
    %scan3A_1 = arith.constant 0 : i32
    %scan3A_2 = arith.constant 640 : i32
    %scan3A_3 = arith.addi %scan3A_1, %scan3A_2 : i32
    %scan3A_4 = arith.constant 1 : i32
    %scan3A_5 = scf.for %scan3A_17 = %scan3A_1 to %scan3A_3 step %scan3A_4 iter_args(%scan3A_18 = %scan3A) -> (i32)  : i32 {
      %broadcast_in_dim3A_19 = arith.constant 0.000000e+00 : f32
      %broadcast_in_dim3A_20 = vector.broadcast %broadcast_in_dim3A_19 : f32 to vector<16xf32>
      %mul3A_21 = arith.constant 16 : i32
      %mul3A_22 = arith.muli %scan3A_17, %mul3A_21 : i32
      %swap3A = arith.index_cast %mul3A_22 : i32 to index
      %swap3A_23 = tpu.vector_load %arg5[%swap3A] {strides = array<i32>} : memref<10240xf32, #tpu.memory_space<vmem>>, vector<16xf32>,
      tpu.vector_store %arg5[%swap3A], %broadcast_in_dim3A_20 {strides = array<i32>} : memref<10240xf32, #tpu.memory_space<vmem>>, vector<16xf32>,
      %scan3A_24 = arith.constant 0 : i32
      scf.yield %scan3A_24 : i32
    }
    %scan3A_6 = arith.constant 640 : i32
    %mul3A_7 = arith.constant 80 : i32
    %mul3A_8 = arith.muli %add3A, %mul3A_7 : i32
    "tpu.region"() ({
      %run_scoped3A = tpu.sem_alloc : memref<!tpu.dma_semaphore, #tpu.memory_space<semaphore_mem>>
      %dma_start3A = arith.constant 0 : i32
      %dma_start3A_17 = tpu.memref_slice %arg2[%mul3A_8, %dma_start3A] : memref<2560x128xi32, #tpu.memory_space<hbm>> -> memref<80x128xi32, #tpu.memory_space<hbm>>
      %dma_start3A_18 = arith.constant 0 : i32
      %dma_start3A_19 = tpu.memref_slice %arg2[%mul3A_8, %dma_start3A_18] : memref<2560x128xi32, #tpu.memory_space<hbm>> -> memref<80x128xi32, #tpu.memory_space<hbm>>
      tpu.enqueue_dma source(%dma_start3A_19 : memref<80x128xi32, #tpu.memory_space<hbm>>) target(%arg4 : memref<80x128xi32, #tpu.memory_space<vmem>>) target_semaphore(%run_scoped3A : memref<!tpu.dma_semaphore, #tpu.memory_space<semaphore_mem>>)
      %dma_wait3A = arith.constant 0 : i32
      %dma_wait3A_20 = tpu.memref_slice %arg2[%mul3A_8, %dma_wait3A] : memref<2560x128xi32, #tpu.memory_space<hbm>> -> memref<80x128xi32, #tpu.memory_space<hbm>>
      %dma_wait3A_21 = arith.constant 0 : i32
      %dma_wait3A_22 = tpu.memref_slice %arg2[%mul3A_8, %dma_wait3A_21] : memref<2560x128xi32, #tpu.memory_space<hbm>> -> memref<80x128xi32, #tpu.memory_space<hbm>>
      tpu.wait_dma2 semaphore(%run_scoped3A : memref<!tpu.dma_semaphore, #tpu.memory_space<semaphore_mem>>) src(%dma_wait3A_22 : memref<80x128xi32, #tpu.memory_space<hbm>>) dst(%arg4 : memref<80x128xi32, #tpu.memory_space<vmem>>)
      tpu.yield
    }) : () -> ()
    %broadcast_in_dim3A = arith.constant 1.000000e+00 : f32
    %broadcast_in_dim3A_9 = vector.broadcast %broadcast_in_dim3A : f32 to vector<16xf32>
    %scan3A_10 = arith.constant 0 : i32
    %scan3A_11 = arith.constant 0 : i32
    %scan3A_12 = arith.constant 80 : i32
    %scan3A_13 = arith.addi %scan3A_11, %scan3A_12 : i32
    %scan3A_14 = arith.constant 1 : i32
    %scan3A_15 = scf.for %scan3A_17 = %scan3A_11 to %scan3A_13 step %scan3A_14 iter_args(%scan3A_18 = %scan3A_10) -> (i32)  : i32 {
      %get3A = arith.index_cast %scan3A_17 : i32 to index
      %get3A_19 = arith.constant 0 : index
      %get3A_20 = tpu.vector_load %arg4[%get3A, %get3A_19] {strides = array<i32>} : memref<80x128xi32, #tpu.memory_space<vmem>>, vector<16xi32>,
      tpu.vector_store_idx %arg5[%get3A_20], %broadcast_in_dim3A_9 {add = true} : memref<10240xf32, #tpu.memory_space<vmem>>[vector<16xi32>], vector<16xf32>,
      %get3A_21 = arith.index_cast %scan3A_17 : i32 to index
      %get3A_22 = arith.constant 16 : index
      %get3A_23 = tpu.vector_load %arg4[%get3A_21, %get3A_22] {strides = array<i32>} : memref<80x128xi32, #tpu.memory_space<vmem>>, vector<16xi32>,
      tpu.vector_store_idx %arg5[%get3A_23], %broadcast_in_dim3A_9 {add = true} : memref<10240xf32, #tpu.memory_space<vmem>>[vector<16xi32>], vector<16xf32>,
      %get3A_24 = arith.index_cast %scan3A_17 : i32 to index
      %get3A_25 = arith.constant 32 : index
      %get3A_26 = tpu.vector_load %arg4[%get3A_24, %get3A_25] {strides = array<i32>} : memref<80x128xi32, #tpu.memory_space<vmem>>, vector<16xi32>,
      tpu.vector_store_idx %arg5[%get3A_26], %broadcast_in_dim3A_9 {add = true} : memref<10240xf32, #tpu.memory_space<vmem>>[vector<16xi32>], vector<16xf32>,
      %get3A_27 = arith.index_cast %scan3A_17 : i32 to index
      %get3A_28 = arith.constant 48 : index
      %get3A_29 = tpu.vector_load %arg4[%get3A_27, %get3A_28] {strides = array<i32>} : memref<80x128xi32, #tpu.memory_space<vmem>>, vector<16xi32>,
      tpu.vector_store_idx %arg5[%get3A_29], %broadcast_in_dim3A_9 {add = true} : memref<10240xf32, #tpu.memory_space<vmem>>[vector<16xi32>], vector<16xf32>,
      %get3A_30 = arith.index_cast %scan3A_17 : i32 to index
      %get3A_31 = arith.constant 64 : index
      %get3A_32 = tpu.vector_load %arg4[%get3A_30, %get3A_31] {strides = array<i32>} : memref<80x128xi32, #tpu.memory_space<vmem>>, vector<16xi32>,
      tpu.vector_store_idx %arg5[%get3A_32], %broadcast_in_dim3A_9 {add = true} : memref<10240xf32, #tpu.memory_space<vmem>>[vector<16xi32>], vector<16xf32>,
      %get3A_33 = arith.index_cast %scan3A_17 : i32 to index
      %get3A_34 = arith.constant 80 : index
      %get3A_35 = tpu.vector_load %arg4[%get3A_33, %get3A_34] {strides = array<i32>} : memref<80x128xi32, #tpu.memory_space<vmem>>, vector<16xi32>,
      tpu.vector_store_idx %arg5[%get3A_35], %broadcast_in_dim3A_9 {add = true} : memref<10240xf32, #tpu.memory_space<vmem>>[vector<16xi32>], vector<16xf32>,
      %get3A_36 = arith.index_cast %scan3A_17 : i32 to index
      %get3A_37 = arith.constant 96 : index
      %get3A_38 = tpu.vector_load %arg4[%get3A_36, %get3A_37] {strides = array<i32>} : memref<80x128xi32, #tpu.memory_space<vmem>>, vector<16xi32>,
      tpu.vector_store_idx %arg5[%get3A_38], %broadcast_in_dim3A_9 {add = true} : memref<10240xf32, #tpu.memory_space<vmem>>[vector<16xi32>], vector<16xf32>,
      %get3A_39 = arith.index_cast %scan3A_17 : i32 to index
      %get3A_40 = arith.constant 112 : index
      %get3A_41 = tpu.vector_load %arg4[%get3A_39, %get3A_40] {strides = array<i32>} : memref<80x128xi32, #tpu.memory_space<vmem>>, vector<16xi32>,
      tpu.vector_store_idx %arg5[%get3A_41], %broadcast_in_dim3A_9 {add = true} : memref<10240xf32, #tpu.memory_space<vmem>>[vector<16xi32>], vector<16xf32>,
      %scan3A_42 = arith.constant 0 : i32
      scf.yield %scan3A_42 : i32
    }
    %scan3A_16 = arith.constant 80 : i32
    "tpu.region"() ({
      %run_scoped3A = tpu.sem_alloc : memref<!tpu.dma_semaphore, #tpu.memory_space<semaphore_mem>>
      %dma_start3A = arith.constant 0 : i32
      %dma_start3A_17 = tpu.memref_slice %arg3[%add3A, %dma_start3A] : memref<32x10240xf32, #tpu.memory_space<hbm>> -> memref<1x10240xf32, #tpu.memory_space<hbm>>
      %dma_start3A_18 = tpu.memref_squeeze %dma_start3A_17 : memref<1x10240xf32, #tpu.memory_space<hbm>> -> memref<10240xf32, #tpu.memory_space<hbm>>
      %dma_start3A_19 = arith.constant 0 : i32
      %dma_start3A_20 = tpu.memref_slice %arg3[%add3A, %dma_start3A_19] : memref<32x10240xf32, #tpu.memory_space<hbm>> -> memref<1x10240xf32, #tpu.memory_space<hbm>>
      %dma_start3A_21 = tpu.memref_squeeze %dma_start3A_20 : memref<1x10240xf32, #tpu.memory_space<hbm>> -> memref<10240xf32, #tpu.memory_space<hbm>>
      tpu.enqueue_dma source(%arg5 : memref<10240xf32, #tpu.memory_space<vmem>>) target(%dma_start3A_21 : memref<10240xf32, #tpu.memory_space<hbm>>) target_semaphore(%run_scoped3A : memref<!tpu.dma_semaphore, #tpu.memory_space<semaphore_mem>>)
      %dma_wait3A = arith.constant 0 : i32
      %dma_wait3A_22 = tpu.memref_slice %arg3[%add3A, %dma_wait3A] : memref<32x10240xf32, #tpu.memory_space<hbm>> -> memref<1x10240xf32, #tpu.memory_space<hbm>>
      %dma_wait3A_23 = tpu.memref_squeeze %dma_wait3A_22 : memref<1x10240xf32, #tpu.memory_space<hbm>> -> memref<10240xf32, #tpu.memory_space<hbm>>
      %dma_wait3A_24 = arith.constant 0 : i32
      %dma_wait3A_25 = tpu.memref_slice %arg3[%add3A, %dma_wait3A_24] : memref<32x10240xf32, #tpu.memory_space<hbm>> -> memref<1x10240xf32, #tpu.memory_space<hbm>>
      %dma_wait3A_26 = tpu.memref_squeeze %dma_wait3A_25 : memref<1x10240xf32, #tpu.memory_space<hbm>> -> memref<10240xf32, #tpu.memory_space<hbm>>
      tpu.wait_dma2 semaphore(%run_scoped3A : memref<!tpu.dma_semaphore, #tpu.memory_space<semaphore_mem>>) src(%arg5 : memref<10240xf32, #tpu.memory_space<vmem>>) dst(%dma_wait3A_26 : memref<10240xf32, #tpu.memory_space<hbm>>)
      tpu.yield
    }) : () -> ()
    return
  }
}

#map = affine_map<(d0, d1) -> (0, 0)>
module attributes {stable_mosaic.version = 14 : i64} {
  func.func @_agg_body(%arg0: i32, %arg1: i32, %arg2: memref<10240x128xf32, #tpu.memory_space<hbm>>, %arg3: memref<2560x128xi32, #tpu.memory_space<hbm>>, %arg4: memref<2560x128xi32, #tpu.memory_space<hbm>>, %arg5: memref<10240x128xf32, #tpu.memory_space<hbm>>, %arg6: memref<10240x128xf32, #tpu.memory_space<hbm>>, %arg7: memref<40x128xi32, #tpu.memory_space<vmem>>, %arg8: memref<40x128xi32, #tpu.memory_space<vmem>>, %arg9: memref<2x128x128xf32, #tpu.memory_space<vmem>>, %arg10: memref<10240x128xf32, #tpu.memory_space<vmem_shared>>, %arg11: memref<!tpu.dma_semaphore, #tpu.memory_space<semaphore_mem>>, %arg12: memref<!tpu.dma_semaphore, #tpu.memory_space<semaphore_mem>>, %arg13: memref<!tpu.dma_semaphore, #tpu.memory_space<semaphore_mem>>, %arg14: memref<!tpu.dma_semaphore, #tpu.memory_space<semaphore_mem>>, %arg15: memref<!tpu.dma_semaphore, #tpu.memory_space<semaphore_mem>>) attributes {dimension_semantics = [#tpu.dimension_semantics<core_parallel>, #tpu.dimension_semantics<subcore_parallel>], iteration_bounds = array<i64: 2, 16>, scalar_prefetch = 0 : i64, scratch_operands = 9 : i64, tpu.core_type = #tpu.core_type<sc_vector_subcore>, window_params = [{transform_indices = #map}, {transform_indices = #map}, {transform_indices = #map}, {transform_indices = #map}, {transform_indices = #map}]} {
    %mul3A = arith.constant 640 : i32
    %mul3A_0 = arith.muli %arg1, %mul3A : i32
    %eq3A = arith.constant 0 : i32
    %eq3A_1 = arith.cmpi eq, %arg0, %eq3A : i32
    %convert_element_type3A = arith.extui %eq3A_1 : i1 to i32
    %cond3A = arith.constant 0 : i32
    %cond3A_2 = arith.cmpi ne, %convert_element_type3A, %cond3A : i32
    scf.if %cond3A_2 {
      "tpu.region"() ({
        %run_scoped3A = tpu.sem_alloc : memref<!tpu.dma_semaphore, #tpu.memory_space<semaphore_mem>>
        %dma_start3A_114 = arith.constant 0 : i32
        %dma_start3A_115 = tpu.memref_slice %arg10[%mul3A_0, %dma_start3A_114] : memref<10240x128xf32, #tpu.memory_space<vmem_shared>> -> memref<640x128xf32, #tpu.memory_space<vmem_shared>>
        %dma_start3A_116 = arith.constant 0 : i32
        %dma_start3A_117 = tpu.memref_slice %arg2[%mul3A_0, %dma_start3A_116] : memref<10240x128xf32, #tpu.memory_space<hbm>> -> memref<640x128xf32, #tpu.memory_space<hbm>>
        tpu.enqueue_dma source(%dma_start3A_117 : memref<640x128xf32, #tpu.memory_space<hbm>>) target(%dma_start3A_115 : memref<640x128xf32, #tpu.memory_space<vmem_shared>>) target_semaphore(%run_scoped3A : memref<!tpu.dma_semaphore, #tpu.memory_space<semaphore_mem>>)
        %dma_wait3A_118 = arith.constant 0 : i32
        %dma_wait3A_119 = tpu.memref_slice %arg10[%mul3A_0, %dma_wait3A_118] : memref<10240x128xf32, #tpu.memory_space<vmem_shared>> -> memref<640x128xf32, #tpu.memory_space<vmem_shared>>
        %dma_wait3A_120 = arith.constant 0 : i32
        %dma_wait3A_121 = tpu.memref_slice %arg2[%mul3A_0, %dma_wait3A_120] : memref<10240x128xf32, #tpu.memory_space<hbm>> -> memref<640x128xf32, #tpu.memory_space<hbm>>
        tpu.wait_dma2 semaphore(%run_scoped3A : memref<!tpu.dma_semaphore, #tpu.memory_space<semaphore_mem>>) src(%dma_wait3A_121 : memref<640x128xf32, #tpu.memory_space<hbm>>) dst(%dma_wait3A_119 : memref<640x128xf32, #tpu.memory_space<vmem_shared>>)
        tpu.yield
      }) : () -> ()
    } else {
    }
    %eq3A_3 = arith.constant 1 : i32
    %eq3A_4 = arith.cmpi eq, %arg0, %eq3A_3 : i32
    %convert_element_type3A_5 = arith.extui %eq3A_4 : i1 to i32
    %cond3A_6 = arith.constant 0 : i32
    %cond3A_7 = arith.cmpi ne, %convert_element_type3A_5, %cond3A_6 : i32
    scf.if %cond3A_7 {
      %add3A_114 = arith.constant 0 : i32
      %add3A_115 = arith.addi %mul3A_0, %add3A_114 : i32
      %dma_start3A_116 = arith.constant 0 : i32
      %dma_start3A_117 = tpu.memref_slice %arg10[%add3A_115, %dma_start3A_116] : memref<10240x128xf32, #tpu.memory_space<vmem_shared>> -> memref<240x128xf32, #tpu.memory_space<vmem_shared>>
      %dma_start3A_118 = arith.constant 10000 : i32
      %dma_start3A_119 = arith.constant 0 : i32
      %dma_start3A_120 = tpu.memref_slice %arg2[%dma_start3A_118, %dma_start3A_119] : memref<10240x128xf32, #tpu.memory_space<hbm>> -> memref<240x128xf32, #tpu.memory_space<hbm>>
      tpu.enqueue_dma source(%dma_start3A_120 : memref<240x128xf32, #tpu.memory_space<hbm>>) target(%dma_start3A_117 : memref<240x128xf32, #tpu.memory_space<vmem_shared>>) target_semaphore(%arg15 : memref<!tpu.dma_semaphore, #tpu.memory_space<semaphore_mem>>)
      %add3A_121 = arith.constant 240 : i32
      %add3A_122 = arith.addi %mul3A_0, %add3A_121 : i32
      %dma_start3A_123 = arith.constant 0 : i32
      %dma_start3A_124 = tpu.memref_slice %arg10[%add3A_122, %dma_start3A_123] : memref<10240x128xf32, #tpu.memory_space<vmem_shared>> -> memref<240x128xf32, #tpu.memory_space<vmem_shared>>
      %dma_start3A_125 = arith.constant 10000 : i32
      %dma_start3A_126 = arith.constant 0 : i32
      %dma_start3A_127 = tpu.memref_slice %arg2[%dma_start3A_125, %dma_start3A_126] : memref<10240x128xf32, #tpu.memory_space<hbm>> -> memref<240x128xf32, #tpu.memory_space<hbm>>
      tpu.enqueue_dma source(%dma_start3A_127 : memref<240x128xf32, #tpu.memory_space<hbm>>) target(%dma_start3A_124 : memref<240x128xf32, #tpu.memory_space<vmem_shared>>) target_semaphore(%arg15 : memref<!tpu.dma_semaphore, #tpu.memory_space<semaphore_mem>>)
      %add3A_128 = arith.constant 480 : i32
      %add3A_129 = arith.addi %mul3A_0, %add3A_128 : i32
      %dma_start3A_130 = arith.constant 0 : i32
      %dma_start3A_131 = tpu.memref_slice %arg10[%add3A_129, %dma_start3A_130] : memref<10240x128xf32, #tpu.memory_space<vmem_shared>> -> memref<160x128xf32, #tpu.memory_space<vmem_shared>>
      %dma_start3A_132 = arith.constant 10000 : i32
      %dma_start3A_133 = arith.constant 0 : i32
      %dma_start3A_134 = tpu.memref_slice %arg2[%dma_start3A_132, %dma_start3A_133] : memref<10240x128xf32, #tpu.memory_space<hbm>> -> memref<160x128xf32, #tpu.memory_space<hbm>>
      tpu.enqueue_dma source(%dma_start3A_134 : memref<160x128xf32, #tpu.memory_space<hbm>>) target(%dma_start3A_131 : memref<160x128xf32, #tpu.memory_space<vmem_shared>>) target_semaphore(%arg15 : memref<!tpu.dma_semaphore, #tpu.memory_space<semaphore_mem>>)
      %add3A_135 = arith.constant 0 : i32
      %add3A_136 = arith.addi %mul3A_0, %add3A_135 : i32
      %dma_wait3A_137 = arith.constant 0 : i32
      %dma_wait3A_138 = tpu.memref_slice %arg10[%add3A_136, %dma_wait3A_137] : memref<10240x128xf32, #tpu.memory_space<vmem_shared>> -> memref<240x128xf32, #tpu.memory_space<vmem_shared>>
      %dma_wait3A_139 = arith.constant 10000 : i32
      %dma_wait3A_140 = arith.constant 0 : i32
      %dma_wait3A_141 = tpu.memref_slice %arg2[%dma_wait3A_139, %dma_wait3A_140] : memref<10240x128xf32, #tpu.memory_space<hbm>> -> memref<240x128xf32, #tpu.memory_space<hbm>>
      tpu.wait_dma2 semaphore(%arg15 : memref<!tpu.dma_semaphore, #tpu.memory_space<semaphore_mem>>) src(%dma_wait3A_141 : memref<240x128xf32, #tpu.memory_space<hbm>>) dst(%dma_wait3A_138 : memref<240x128xf32, #tpu.memory_space<vmem_shared>>)
      %add3A_142 = arith.constant 240 : i32
      %add3A_143 = arith.addi %mul3A_0, %add3A_142 : i32
      %dma_wait3A_144 = arith.constant 0 : i32
      %dma_wait3A_145 = tpu.memref_slice %arg10[%add3A_143, %dma_wait3A_144] : memref<10240x128xf32, #tpu.memory_space<vmem_shared>> -> memref<240x128xf32, #tpu.memory_space<vmem_shared>>
      %dma_wait3A_146 = arith.constant 10000 : i32
      %dma_wait3A_147 = arith.constant 0 : i32
      %dma_wait3A_148 = tpu.memref_slice %arg2[%dma_wait3A_146, %dma_wait3A_147] : memref<10240x128xf32, #tpu.memory_space<hbm>> -> memref<240x128xf32, #tpu.memory_space<hbm>>
      tpu.wait_dma2 semaphore(%arg15 : memref<!tpu.dma_semaphore, #tpu.memory_space<semaphore_mem>>) src(%dma_wait3A_148 : memref<240x128xf32, #tpu.memory_space<hbm>>) dst(%dma_wait3A_145 : memref<240x128xf32, #tpu.memory_space<vmem_shared>>)
      %add3A_149 = arith.constant 480 : i32
      %add3A_150 = arith.addi %mul3A_0, %add3A_149 : i32
      %dma_wait3A_151 = arith.constant 0 : i32
      %dma_wait3A_152 = tpu.memref_slice %arg10[%add3A_150, %dma_wait3A_151] : memref<10240x128xf32, #tpu.memory_space<vmem_shared>> -> memref<160x128xf32, #tpu.memory_space<vmem_shared>>
      %dma_wait3A_153 = arith.constant 10000 : i32
      %dma_wait3A_154 = arith.constant 0 : i32
      %dma_wait3A_155 = tpu.memref_slice %arg2[%dma_wait3A_153, %dma_wait3A_154] : memref<10240x128xf32, #tpu.memory_space<hbm>> -> memref<160x128xf32, #tpu.memory_space<hbm>>
      tpu.wait_dma2 semaphore(%arg15 : memref<!tpu.dma_semaphore, #tpu.memory_space<semaphore_mem>>) src(%dma_wait3A_155 : memref<160x128xf32, #tpu.memory_space<hbm>>) dst(%dma_wait3A_152 : memref<160x128xf32, #tpu.memory_space<vmem_shared>>)
    } else {
    }
    %barrier3A = arith.constant 0 : index
    tpu.barrier barrier_id(%barrier3A)
    %mul3A_8 = arith.constant 1280 : i32
    %mul3A_9 = arith.muli %arg0, %mul3A_8 : i32
    %mul3A_10 = arith.constant 80 : i32
    %mul3A_11 = arith.muli %arg1, %mul3A_10 : i32
    %add3A = arith.addi %mul3A_9, %mul3A_11 : i32
    %add3A_12 = arith.constant 0 : i32
    %add3A_13 = arith.addi %add3A, %add3A_12 : i32
    "tpu.region"() ({
      %run_scoped3A = tpu.sem_alloc : memref<!tpu.dma_semaphore, #tpu.memory_space<semaphore_mem>>
      %dma_start3A_114 = arith.constant 0 : i32
      %dma_start3A_115 = tpu.memref_slice %arg3[%add3A_13, %dma_start3A_114] : memref<2560x128xi32, #tpu.memory_space<hbm>> -> memref<40x128xi32, #tpu.memory_space<hbm>>
      %dma_start3A_116 = arith.constant 0 : i32
      %dma_start3A_117 = tpu.memref_slice %arg3[%add3A_13, %dma_start3A_116] : memref<2560x128xi32, #tpu.memory_space<hbm>> -> memref<40x128xi32, #tpu.memory_space<hbm>>
      tpu.enqueue_dma source(%dma_start3A_117 : memref<40x128xi32, #tpu.memory_space<hbm>>) target(%arg7 : memref<40x128xi32, #tpu.memory_space<vmem>>) target_semaphore(%run_scoped3A : memref<!tpu.dma_semaphore, #tpu.memory_space<semaphore_mem>>)
      %dma_wait3A_118 = arith.constant 0 : i32
      %dma_wait3A_119 = tpu.memref_slice %arg3[%add3A_13, %dma_wait3A_118] : memref<2560x128xi32, #tpu.memory_space<hbm>> -> memref<40x128xi32, #tpu.memory_space<hbm>>
      %dma_wait3A_120 = arith.constant 0 : i32
      %dma_wait3A_121 = tpu.memref_slice %arg3[%add3A_13, %dma_wait3A_120] : memref<2560x128xi32, #tpu.memory_space<hbm>> -> memref<40x128xi32, #tpu.memory_space<hbm>>
      tpu.wait_dma2 semaphore(%run_scoped3A : memref<!tpu.dma_semaphore, #tpu.memory_space<semaphore_mem>>) src(%dma_wait3A_121 : memref<40x128xi32, #tpu.memory_space<hbm>>) dst(%arg7 : memref<40x128xi32, #tpu.memory_space<vmem>>)
      tpu.yield
    }) : () -> ()
    %add3A_14 = arith.constant 0 : i32
    %add3A_15 = arith.addi %add3A, %add3A_14 : i32
    "tpu.region"() ({
      %run_scoped3A = tpu.sem_alloc : memref<!tpu.dma_semaphore, #tpu.memory_space<semaphore_mem>>
      %dma_start3A_114 = arith.constant 0 : i32
      %dma_start3A_115 = tpu.memref_slice %arg4[%add3A_15, %dma_start3A_114] : memref<2560x128xi32, #tpu.memory_space<hbm>> -> memref<40x128xi32, #tpu.memory_space<hbm>>
      %dma_start3A_116 = arith.constant 0 : i32
      %dma_start3A_117 = tpu.memref_slice %arg4[%add3A_15, %dma_start3A_116] : memref<2560x128xi32, #tpu.memory_space<hbm>> -> memref<40x128xi32, #tpu.memory_space<hbm>>
      tpu.enqueue_dma source(%dma_start3A_117 : memref<40x128xi32, #tpu.memory_space<hbm>>) target(%arg8 : memref<40x128xi32, #tpu.memory_space<vmem>>) target_semaphore(%run_scoped3A : memref<!tpu.dma_semaphore, #tpu.memory_space<semaphore_mem>>)
      %dma_wait3A_118 = arith.constant 0 : i32
      %dma_wait3A_119 = tpu.memref_slice %arg4[%add3A_15, %dma_wait3A_118] : memref<2560x128xi32, #tpu.memory_space<hbm>> -> memref<40x128xi32, #tpu.memory_space<hbm>>
      %dma_wait3A_120 = arith.constant 0 : i32
      %dma_wait3A_121 = tpu.memref_slice %arg4[%add3A_15, %dma_wait3A_120] : memref<2560x128xi32, #tpu.memory_space<hbm>> -> memref<40x128xi32, #tpu.memory_space<hbm>>
      tpu.wait_dma2 semaphore(%run_scoped3A : memref<!tpu.dma_semaphore, #tpu.memory_space<semaphore_mem>>) src(%dma_wait3A_121 : memref<40x128xi32, #tpu.memory_space<hbm>>) dst(%arg8 : memref<40x128xi32, #tpu.memory_space<vmem>>)
      tpu.yield
    }) : () -> ()
    %dma_start3A = arith.constant 0 : i32
    %dma_start3A_16 = arith.constant 0 : i32
    %dma_start3A_17 = arith.constant 0 : i32
    %dma_start3A_18 = arith.constant 0 : i32
    %dma_start3A_19 = tpu.memref_slice %arg9[%dma_start3A_16, %dma_start3A_17, %dma_start3A_18] : memref<2x128x128xf32, #tpu.memory_space<vmem>> -> memref<1x128x128xf32, #tpu.memory_space<vmem>>
    %dma_start3A_20 = tpu.memref_squeeze %dma_start3A_19 : memref<1x128x128xf32, #tpu.memory_space<vmem>> -> memref<128x128xf32, #tpu.memory_space<vmem>>
    %dma_start3A_21 = arith.constant 0 : i32
    %dma_start3A_22 = tpu.memref_slice %arg7[%dma_start3A, %dma_start3A_21] : memref<40x128xi32, #tpu.memory_space<vmem>> -> memref<1x128xi32, #tpu.memory_space<vmem>>
    %dma_start3A_23 = tpu.memref_squeeze %dma_start3A_22 : memref<1x128xi32, #tpu.memory_space<vmem>> -> memref<128xi32, #tpu.memory_space<vmem>>
    %dma_start3A_24 = arith.constant 0 : i32
    %dma_start3A_25 = arith.constant 0 : i32
    %dma_start3A_26 = tpu.memref_slice %arg2[%dma_start3A_24, %dma_start3A_25] : memref<10240x128xf32, #tpu.memory_space<hbm>> -> memref<10240x128xf32, #tpu.memory_space<hbm>>
    tpu.enqueue_indirect_dma source(%dma_start3A_26 : memref<10240x128xf32, #tpu.memory_space<hbm>>) target(%dma_start3A_20 : memref<128x128xf32, #tpu.memory_space<vmem>>) offsets(%dma_start3A_23 : memref<128xi32, #tpu.memory_space<vmem>>) semaphore(%arg11 : memref<!tpu.dma_semaphore, #tpu.memory_space<semaphore_mem>>)
    %scan3A = arith.constant 0 : i32
    %scan3A_27 = arith.constant 0 : i32
    %scan3A_28 = arith.constant 20 : i32
    %scan3A_29 = arith.addi %scan3A_27, %scan3A_28 : i32
    %scan3A_30 = arith.constant 1 : i32
    %scan3A_31 = scf.for %scan3A_114 = %scan3A_27 to %scan3A_29 step %scan3A_30 iter_args(%scan3A_115 = %scan3A) -> (i32)  : i32 {
      %mul3A_116 = arith.constant 2 : i32
      %mul3A_117 = arith.muli %scan3A_114, %mul3A_116 : i32
      %add3A_118 = arith.constant 0 : i32
      %add3A_119 = arith.addi %mul3A_117, %add3A_118 : i32
      %add3A_120 = arith.constant 1 : i32
      %add3A_121 = arith.addi %add3A_119, %add3A_120 : i32
      %lt3A = arith.constant 40 : i32
      %lt3A_122 = arith.cmpi slt, %add3A_121, %lt3A : i32
      %convert_element_type3A_123 = arith.extui %lt3A_122 : i1 to i32
      %cond3A_124 = arith.constant 0 : i32
      %cond3A_125 = arith.cmpi ne, %convert_element_type3A_123, %cond3A_124 : i32
      scf.if %cond3A_125 {
        %ge3A = arith.constant 1 : i32
        %ge3A_182 = arith.cmpi sge, %add3A_119, %ge3A : i32
        %convert_element_type3A_183 = arith.extui %ge3A_182 : i1 to i32
        %cond3A_184 = arith.constant 0 : i32
        %cond3A_185 = arith.cmpi ne, %convert_element_type3A_183, %cond3A_184 : i32
        scf.if %cond3A_185 {
          %sub3A = arith.constant 1 : i32
          %sub3A_199 = arith.subi %add3A_119, %sub3A : i32
          %dma_wait3A_200 = arith.constant 1 : i32
          %dma_wait3A_201 = arith.constant 0 : i32
          %dma_wait3A_202 = arith.constant 0 : i32
          %dma_wait3A_203 = tpu.memref_slice %arg9[%dma_wait3A_200, %dma_wait3A_201, %dma_wait3A_202] : memref<2x128x128xf32, #tpu.memory_space<vmem>> -> memref<1x128x128xf32, #tpu.memory_space<vmem>>
          %dma_wait3A_204 = tpu.memref_squeeze %dma_wait3A_203 : memref<1x128x128xf32, #tpu.memory_space<vmem>> -> memref<128x128xf32, #tpu.memory_space<vmem>>
          %dma_wait3A_205 = arith.constant 0 : i32
          %dma_wait3A_206 = tpu.memref_slice %arg8[%sub3A_199, %dma_wait3A_205] : memref<40x128xi32, #tpu.memory_space<vmem>> -> memref<1x128xi32, #tpu.memory_space<vmem>>
          %dma_wait3A_207 = tpu.memref_squeeze %dma_wait3A_206 : memref<1x128xi32, #tpu.memory_space<vmem>> -> memref<128xi32, #tpu.memory_space<vmem>>
          %dma_wait3A_208 = arith.constant 0 : i32
          %dma_wait3A_209 = arith.constant 0 : i32
          %dma_wait3A_210 = tpu.memref_slice %arg10[%dma_wait3A_208, %dma_wait3A_209] : memref<10240x128xf32, #tpu.memory_space<vmem_shared>> -> memref<10240x128xf32, #tpu.memory_space<vmem_shared>>
          tpu.wait_indirect_dma semaphore(%arg14 : memref<!tpu.dma_semaphore, #tpu.memory_space<semaphore_mem>>) src(%dma_wait3A_204 : memref<128x128xf32, #tpu.memory_space<vmem>>) dst(%dma_wait3A_210 : memref<10240x128xf32, #tpu.memory_space<vmem_shared>>)
        } else {
        }
        %add3A_186 = arith.constant 1 : i32
        %add3A_187 = arith.addi %add3A_119, %add3A_186 : i32
        %dma_start3A_188 = arith.constant 1 : i32
        %dma_start3A_189 = arith.constant 0 : i32
        %dma_start3A_190 = arith.constant 0 : i32
        %dma_start3A_191 = tpu.memref_slice %arg9[%dma_start3A_188, %dma_start3A_189, %dma_start3A_190] : memref<2x128x128xf32, #tpu.memory_space<vmem>> -> memref<1x128x128xf32, #tpu.memory_space<vmem>>
        %dma_start3A_192 = tpu.memref_squeeze %dma_start3A_191 : memref<1x128x128xf32, #tpu.memory_space<vmem>> -> memref<128x128xf32, #tpu.memory_space<vmem>>
        %dma_start3A_193 = arith.constant 0 : i32
        %dma_start3A_194 = tpu.memref_slice %arg7[%add3A_187, %dma_start3A_193] : memref<40x128xi32, #tpu.memory_space<vmem>> -> memref<1x128xi32, #tpu.memory_space<vmem>>
        %dma_start3A_195 = tpu.memref_squeeze %dma_start3A_194 : memref<1x128xi32, #tpu.memory_space<vmem>> -> memref<128xi32, #tpu.memory_space<vmem>>
        %dma_start3A_196 = arith.constant 0 : i32
        %dma_start3A_197 = arith.constant 0 : i32
        %dma_start3A_198 = tpu.memref_slice %arg2[%dma_start3A_196, %dma_start3A_197] : memref<10240x128xf32, #tpu.memory_space<hbm>> -> memref<10240x128xf32, #tpu.memory_space<hbm>>
        tpu.enqueue_indirect_dma source(%dma_start3A_198 : memref<10240x128xf32, #tpu.memory_space<hbm>>) target(%dma_start3A_192 : memref<128x128xf32, #tpu.memory_space<vmem>>) offsets(%dma_start3A_195 : memref<128xi32, #tpu.memory_space<vmem>>) semaphore(%arg12 : memref<!tpu.dma_semaphore, #tpu.memory_space<semaphore_mem>>)
      } else {
      }
      %dma_wait3A_126 = arith.constant 0 : i32
      %dma_wait3A_127 = arith.constant 0 : i32
      %dma_wait3A_128 = arith.constant 0 : i32
      %dma_wait3A_129 = tpu.memref_slice %arg9[%dma_wait3A_126, %dma_wait3A_127, %dma_wait3A_128] : memref<2x128x128xf32, #tpu.memory_space<vmem>> -> memref<1x128x128xf32, #tpu.memory_space<vmem>>
      %dma_wait3A_130 = tpu.memref_squeeze %dma_wait3A_129 : memref<1x128x128xf32, #tpu.memory_space<vmem>> -> memref<128x128xf32, #tpu.memory_space<vmem>>
      %dma_wait3A_131 = arith.constant 0 : i32
      %dma_wait3A_132 = tpu.memref_slice %arg7[%add3A_119, %dma_wait3A_131] : memref<40x128xi32, #tpu.memory_space<vmem>> -> memref<1x128xi32, #tpu.memory_space<vmem>>
      %dma_wait3A_133 = tpu.memref_squeeze %dma_wait3A_132 : memref<1x128xi32, #tpu.memory_space<vmem>> -> memref<128xi32, #tpu.memory_space<vmem>>
      %dma_wait3A_134 = arith.constant 0 : i32
      %dma_wait3A_135 = arith.constant 0 : i32
      %dma_wait3A_136 = tpu.memref_slice %arg2[%dma_wait3A_134, %dma_wait3A_135] : memref<10240x128xf32, #tpu.memory_space<hbm>> -> memref<10240x128xf32, #tpu.memory_space<hbm>>
      tpu.wait_indirect_dma semaphore(%arg11 : memref<!tpu.dma_semaphore, #tpu.memory_space<semaphore_mem>>) src(%dma_wait3A_136 : memref<10240x128xf32, #tpu.memory_space<hbm>>) dst(%dma_wait3A_130 : memref<128x128xf32, #tpu.memory_space<vmem>>)
      %dma_start3A_137 = arith.constant 0 : i32
      %dma_start3A_138 = arith.constant 0 : i32
      %dma_start3A_139 = arith.constant 0 : i32
      %dma_start3A_140 = tpu.memref_slice %arg9[%dma_start3A_137, %dma_start3A_138, %dma_start3A_139] : memref<2x128x128xf32, #tpu.memory_space<vmem>> -> memref<1x128x128xf32, #tpu.memory_space<vmem>>
      %dma_start3A_141 = tpu.memref_squeeze %dma_start3A_140 : memref<1x128x128xf32, #tpu.memory_space<vmem>> -> memref<128x128xf32, #tpu.memory_space<vmem>>
      %dma_start3A_142 = arith.constant 0 : i32
      %dma_start3A_143 = tpu.memref_slice %arg8[%add3A_119, %dma_start3A_142] : memref<40x128xi32, #tpu.memory_space<vmem>> -> memref<1x128xi32, #tpu.memory_space<vmem>>
      %dma_start3A_144 = tpu.memref_squeeze %dma_start3A_143 : memref<1x128xi32, #tpu.memory_space<vmem>> -> memref<128xi32, #tpu.memory_space<vmem>>
      %dma_start3A_145 = arith.constant 0 : i32
      %dma_start3A_146 = arith.constant 0 : i32
      %dma_start3A_147 = tpu.memref_slice %arg10[%dma_start3A_145, %dma_start3A_146] : memref<10240x128xf32, #tpu.memory_space<vmem_shared>> -> memref<10240x128xf32, #tpu.memory_space<vmem_shared>>
      tpu.enqueue_indirect_dma source(%dma_start3A_141 : memref<128x128xf32, #tpu.memory_space<vmem>>) target(%dma_start3A_147 : memref<10240x128xf32, #tpu.memory_space<vmem_shared>>) offsets(%dma_start3A_144 : memref<128xi32, #tpu.memory_space<vmem>>) semaphore(%arg13 : memref<!tpu.dma_semaphore, #tpu.memory_space<semaphore_mem>>) {add = true}
      %mul3A_148 = arith.constant 2 : i32
      %mul3A_149 = arith.muli %scan3A_114, %mul3A_148 : i32
      %add3A_150 = arith.constant 1 : i32
      %add3A_151 = arith.addi %mul3A_149, %add3A_150 : i32
      %add3A_152 = arith.constant 1 : i32
      %add3A_153 = arith.addi %add3A_151, %add3A_152 : i32
      %lt3A_154 = arith.constant 40 : i32
      %lt3A_155 = arith.cmpi slt, %add3A_153, %lt3A_154 : i32
      %convert_element_type3A_156 = arith.extui %lt3A_155 : i1 to i32
      %cond3A_157 = arith.constant 0 : i32
      %cond3A_158 = arith.cmpi ne, %convert_element_type3A_156, %cond3A_157 : i32
      scf.if %cond3A_158 {
        %ge3A = arith.constant 1 : i32
        %ge3A_182 = arith.cmpi sge, %add3A_151, %ge3A : i32
        %convert_element_type3A_183 = arith.extui %ge3A_182 : i1 to i32
        %cond3A_184 = arith.constant 0 : i32
        %cond3A_185 = arith.cmpi ne, %convert_element_type3A_183, %cond3A_184 : i32
        scf.if %cond3A_185 {
          %sub3A = arith.constant 1 : i32
          %sub3A_199 = arith.subi %add3A_151, %sub3A : i32
          %dma_wait3A_200 = arith.constant 0 : i32
          %dma_wait3A_201 = arith.constant 0 : i32
          %dma_wait3A_202 = arith.constant 0 : i32
          %dma_wait3A_203 = tpu.memref_slice %arg9[%dma_wait3A_200, %dma_wait3A_201, %dma_wait3A_202] : memref<2x128x128xf32, #tpu.memory_space<vmem>> -> memref<1x128x128xf32, #tpu.memory_space<vmem>>
          %dma_wait3A_204 = tpu.memref_squeeze %dma_wait3A_203 : memref<1x128x128xf32, #tpu.memory_space<vmem>> -> memref<128x128xf32, #tpu.memory_space<vmem>>
          %dma_wait3A_205 = arith.constant 0 : i32
          %dma_wait3A_206 = tpu.memref_slice %arg8[%sub3A_199, %dma_wait3A_205] : memref<40x128xi32, #tpu.memory_space<vmem>> -> memref<1x128xi32, #tpu.memory_space<vmem>>
          %dma_wait3A_207 = tpu.memref_squeeze %dma_wait3A_206 : memref<1x128xi32, #tpu.memory_space<vmem>> -> memref<128xi32, #tpu.memory_space<vmem>>
          %dma_wait3A_208 = arith.constant 0 : i32
          %dma_wait3A_209 = arith.constant 0 : i32
          %dma_wait3A_210 = tpu.memref_slice %arg10[%dma_wait3A_208, %dma_wait3A_209] : memref<10240x128xf32, #tpu.memory_space<vmem_shared>> -> memref<10240x128xf32, #tpu.memory_space<vmem_shared>>
          tpu.wait_indirect_dma semaphore(%arg13 : memref<!tpu.dma_semaphore, #tpu.memory_space<semaphore_mem>>) src(%dma_wait3A_204 : memref<128x128xf32, #tpu.memory_space<vmem>>) dst(%dma_wait3A_210 : memref<10240x128xf32, #tpu.memory_space<vmem_shared>>)
        } else {
        }
        %add3A_186 = arith.constant 1 : i32
        %add3A_187 = arith.addi %add3A_151, %add3A_186 : i32
        %dma_start3A_188 = arith.constant 0 : i32
        %dma_start3A_189 = arith.constant 0 : i32
        %dma_start3A_190 = arith.constant 0 : i32
        %dma_start3A_191 = tpu.memref_slice %arg9[%dma_start3A_188, %dma_start3A_189, %dma_start3A_190] : memref<2x128x128xf32, #tpu.memory_space<vmem>> -> memref<1x128x128xf32, #tpu.memory_space<vmem>>
        %dma_start3A_192 = tpu.memref_squeeze %dma_start3A_191 : memref<1x128x128xf32, #tpu.memory_space<vmem>> -> memref<128x128xf32, #tpu.memory_space<vmem>>
        %dma_start3A_193 = arith.constant 0 : i32
        %dma_start3A_194 = tpu.memref_slice %arg7[%add3A_187, %dma_start3A_193] : memref<40x128xi32, #tpu.memory_space<vmem>> -> memref<1x128xi32, #tpu.memory_space<vmem>>
        %dma_start3A_195 = tpu.memref_squeeze %dma_start3A_194 : memref<1x128xi32, #tpu.memory_space<vmem>> -> memref<128xi32, #tpu.memory_space<vmem>>
        %dma_start3A_196 = arith.constant 0 : i32
        %dma_start3A_197 = arith.constant 0 : i32
        %dma_start3A_198 = tpu.memref_slice %arg2[%dma_start3A_196, %dma_start3A_197] : memref<10240x128xf32, #tpu.memory_space<hbm>> -> memref<10240x128xf32, #tpu.memory_space<hbm>>
        tpu.enqueue_indirect_dma source(%dma_start3A_198 : memref<10240x128xf32, #tpu.memory_space<hbm>>) target(%dma_start3A_192 : memref<128x128xf32, #tpu.memory_space<vmem>>) offsets(%dma_start3A_195 : memref<128xi32, #tpu.memory_space<vmem>>) semaphore(%arg11 : memref<!tpu.dma_semaphore, #tpu.memory_space<semaphore_mem>>)
      } else {
      }
      %dma_wait3A_159 = arith.constant 1 : i32
      %dma_wait3A_160 = arith.constant 0 : i32
      %dma_wait3A_161 = arith.constant 0 : i32
      %dma_wait3A_162 = tpu.memref_slice %arg9[%dma_wait3A_159, %dma_wait3A_160, %dma_wait3A_161] : memref<2x128x128xf32, #tpu.memory_space<vmem>> -> memref<1x128x128xf32, #tpu.memory_space<vmem>>
      %dma_wait3A_163 = tpu.memref_squeeze %dma_wait3A_162 : memref<1x128x128xf32, #tpu.memory_space<vmem>> -> memref<128x128xf32, #tpu.memory_space<vmem>>
      %dma_wait3A_164 = arith.constant 0 : i32
      %dma_wait3A_165 = tpu.memref_slice %arg7[%add3A_151, %dma_wait3A_164] : memref<40x128xi32, #tpu.memory_space<vmem>> -> memref<1x128xi32, #tpu.memory_space<vmem>>
      %dma_wait3A_166 = tpu.memref_squeeze %dma_wait3A_165 : memref<1x128xi32, #tpu.memory_space<vmem>> -> memref<128xi32, #tpu.memory_space<vmem>>
      %dma_wait3A_167 = arith.constant 0 : i32
      %dma_wait3A_168 = arith.constant 0 : i32
      %dma_wait3A_169 = tpu.memref_slice %arg2[%dma_wait3A_167, %dma_wait3A_168] : memref<10240x128xf32, #tpu.memory_space<hbm>> -> memref<10240x128xf32, #tpu.memory_space<hbm>>
      tpu.wait_indirect_dma semaphore(%arg12 : memref<!tpu.dma_semaphore, #tpu.memory_space<semaphore_mem>>) src(%dma_wait3A_169 : memref<10240x128xf32, #tpu.memory_space<hbm>>) dst(%dma_wait3A_163 : memref<128x128xf32, #tpu.memory_space<vmem>>)
      %dma_start3A_170 = arith.constant 1 : i32
      %dma_start3A_171 = arith.constant 0 : i32
      %dma_start3A_172 = arith.constant 0 : i32
      %dma_start3A_173 = tpu.memref_slice %arg9[%dma_start3A_170, %dma_start3A_171, %dma_start3A_172] : memref<2x128x128xf32, #tpu.memory_space<vmem>> -> memref<1x128x128xf32, #tpu.memory_space<vmem>>
      %dma_start3A_174 = tpu.memref_squeeze %dma_start3A_173 : memref<1x128x128xf32, #tpu.memory_space<vmem>> -> memref<128x128xf32, #tpu.memory_space<vmem>>
      %dma_start3A_175 = arith.constant 0 : i32
      %dma_start3A_176 = tpu.memref_slice %arg8[%add3A_151, %dma_start3A_175] : memref<40x128xi32, #tpu.memory_space<vmem>> -> memref<1x128xi32, #tpu.memory_space<vmem>>
      %dma_start3A_177 = tpu.memref_squeeze %dma_start3A_176 : memref<1x128xi32, #tpu.memory_space<vmem>> -> memref<128xi32, #tpu.memory_space<vmem>>
      %dma_start3A_178 = arith.constant 0 : i32
      %dma_start3A_179 = arith.constant 0 : i32
      %dma_start3A_180 = tpu.memref_slice %arg10[%dma_start3A_178, %dma_start3A_179] : memref<10240x128xf32, #tpu.memory_space<vmem_shared>> -> memref<10240x128xf32, #tpu.memory_space<vmem_shared>>
      tpu.enqueue_indirect_dma source(%dma_start3A_174 : memref<128x128xf32, #tpu.memory_space<vmem>>) target(%dma_start3A_180 : memref<10240x128xf32, #tpu.memory_space<vmem_shared>>) offsets(%dma_start3A_177 : memref<128xi32, #tpu.memory_space<vmem>>) semaphore(%arg14 : memref<!tpu.dma_semaphore, #tpu.memory_space<semaphore_mem>>) {add = true}
      %scan3A_181 = arith.constant 0 : i32
      scf.yield %scan3A_181 : i32
    }
    %scan3A_32 = arith.constant 20 : i32
    %dma_wait3A = arith.constant 0 : i32
    %dma_wait3A_33 = arith.constant 38 : i32
    %dma_wait3A_34 = arith.constant 0 : i32
    %dma_wait3A_35 = arith.constant 0 : i32
    %dma_wait3A_36 = tpu.memref_slice %arg9[%dma_wait3A, %dma_wait3A_34, %dma_wait3A_35] : memref<2x128x128xf32, #tpu.memory_space<vmem>> -> memref<1x128x128xf32, #tpu.memory_space<vmem>>
    %dma_wait3A_37 = tpu.memref_squeeze %dma_wait3A_36 : memref<1x128x128xf32, #tpu.memory_space<vmem>> -> memref<128x128xf32, #tpu.memory_space<vmem>>
    %dma_wait3A_38 = arith.constant 0 : i32
    %dma_wait3A_39 = tpu.memref_slice %arg8[%dma_wait3A_33, %dma_wait3A_38] : memref<40x128xi32, #tpu.memory_space<vmem>> -> memref<1x128xi32, #tpu.memory_space<vmem>>
    %dma_wait3A_40 = tpu.memref_squeeze %dma_wait3A_39 : memref<1x128xi32, #tpu.memory_space<vmem>> -> memref<128xi32, #tpu.memory_space<vmem>>
    %dma_wait3A_41 = arith.constant 0 : i32
    %dma_wait3A_42 = arith.constant 0 : i32
    %dma_wait3A_43 = tpu.memref_slice %arg10[%dma_wait3A_41, %dma_wait3A_42] : memref<10240x128xf32, #tpu.memory_space<vmem_shared>> -> memref<10240x128xf32, #tpu.memory_space<vmem_shared>>
    tpu.wait_indirect_dma semaphore(%arg13 : memref<!tpu.dma_semaphore, #tpu.memory_space<semaphore_mem>>) src(%dma_wait3A_37 : memref<128x128xf32, #tpu.memory_space<vmem>>) dst(%dma_wait3A_43 : memref<10240x128xf32, #tpu.memory_space<vmem_shared>>)
    %dma_wait3A_44 = arith.constant 1 : i32
    %dma_wait3A_45 = arith.constant 39 : i32
    %dma_wait3A_46 = arith.constant 0 : i32
    %dma_wait3A_47 = arith.constant 0 : i32
    %dma_wait3A_48 = tpu.memref_slice %arg9[%dma_wait3A_44, %dma_wait3A_46, %dma_wait3A_47] : memref<2x128x128xf32, #tpu.memory_space<vmem>> -> memref<1x128x128xf32, #tpu.memory_space<vmem>>
    %dma_wait3A_49 = tpu.memref_squeeze %dma_wait3A_48 : memref<1x128x128xf32, #tpu.memory_space<vmem>> -> memref<128x128xf32, #tpu.memory_space<vmem>>
    %dma_wait3A_50 = arith.constant 0 : i32
    %dma_wait3A_51 = tpu.memref_slice %arg8[%dma_wait3A_45, %dma_wait3A_50] : memref<40x128xi32, #tpu.memory_space<vmem>> -> memref<1x128xi32, #tpu.memory_space<vmem>>
    %dma_wait3A_52 = tpu.memref_squeeze %dma_wait3A_51 : memref<1x128xi32, #tpu.memory_space<vmem>> -> memref<128xi32, #tpu.memory_space<vmem>>
    %dma_wait3A_53 = arith.constant 0 : i32
    %dma_wait3A_54 = arith.constant 0 : i32
    %dma_wait3A_55 = tpu.memref_slice %arg10[%dma_wait3A_53, %dma_wait3A_54] : memref<10240x128xf32, #tpu.memory_space<vmem_shared>> -> memref<10240x128xf32, #tpu.memory_space<vmem_shared>>
    tpu.wait_indirect_dma semaphore(%arg14 : memref<!tpu.dma_semaphore, #tpu.memory_space<semaphore_mem>>) src(%dma_wait3A_49 : memref<128x128xf32, #tpu.memory_space<vmem>>) dst(%dma_wait3A_55 : memref<10240x128xf32, #tpu.memory_space<vmem_shared>>)
    %add3A_56 = arith.constant 40 : i32
    %add3A_57 = arith.addi %add3A, %add3A_56 : i32
    "tpu.region"() ({
      %run_scoped3A = tpu.sem_alloc : memref<!tpu.dma_semaphore, #tpu.memory_space<semaphore_mem>>
      %dma_start3A_114 = arith.constant 0 : i32
      %dma_start3A_115 = tpu.memref_slice %arg3[%add3A_57, %dma_start3A_114] : memref<2560x128xi32, #tpu.memory_space<hbm>> -> memref<40x128xi32, #tpu.memory_space<hbm>>
      %dma_start3A_116 = arith.constant 0 : i32
      %dma_start3A_117 = tpu.memref_slice %arg3[%add3A_57, %dma_start3A_116] : memref<2560x128xi32, #tpu.memory_space<hbm>> -> memref<40x128xi32, #tpu.memory_space<hbm>>
      tpu.enqueue_dma source(%dma_start3A_117 : memref<40x128xi32, #tpu.memory_space<hbm>>) target(%arg7 : memref<40x128xi32, #tpu.memory_space<vmem>>) target_semaphore(%run_scoped3A : memref<!tpu.dma_semaphore, #tpu.memory_space<semaphore_mem>>)
      %dma_wait3A_118 = arith.constant 0 : i32
      %dma_wait3A_119 = tpu.memref_slice %arg3[%add3A_57, %dma_wait3A_118] : memref<2560x128xi32, #tpu.memory_space<hbm>> -> memref<40x128xi32, #tpu.memory_space<hbm>>
      %dma_wait3A_120 = arith.constant 0 : i32
      %dma_wait3A_121 = tpu.memref_slice %arg3[%add3A_57, %dma_wait3A_120] : memref<2560x128xi32, #tpu.memory_space<hbm>> -> memref<40x128xi32, #tpu.memory_space<hbm>>
      tpu.wait_dma2 semaphore(%run_scoped3A : memref<!tpu.dma_semaphore, #tpu.memory_space<semaphore_mem>>) src(%dma_wait3A_121 : memref<40x128xi32, #tpu.memory_space<hbm>>) dst(%arg7 : memref<40x128xi32, #tpu.memory_space<vmem>>)
      tpu.yield
    }) : () -> ()
    %add3A_58 = arith.constant 40 : i32
    %add3A_59 = arith.addi %add3A, %add3A_58 : i32
    "tpu.region"() ({
      %run_scoped3A = tpu.sem_alloc : memref<!tpu.dma_semaphore, #tpu.memory_space<semaphore_mem>>
      %dma_start3A_114 = arith.constant 0 : i32
      %dma_start3A_115 = tpu.memref_slice %arg4[%add3A_59, %dma_start3A_114] : memref<2560x128xi32, #tpu.memory_space<hbm>> -> memref<40x128xi32, #tpu.memory_space<hbm>>
      %dma_start3A_116 = arith.constant 0 : i32
      %dma_start3A_117 = tpu.memref_slice %arg4[%add3A_59, %dma_start3A_116] : memref<2560x128xi32, #tpu.memory_space<hbm>> -> memref<40x128xi32, #tpu.memory_space<hbm>>
      tpu.enqueue_dma source(%dma_start3A_117 : memref<40x128xi32, #tpu.memory_space<hbm>>) target(%arg8 : memref<40x128xi32, #tpu.memory_space<vmem>>) target_semaphore(%run_scoped3A : memref<!tpu.dma_semaphore, #tpu.memory_space<semaphore_mem>>)
      %dma_wait3A_118 = arith.constant 0 : i32
      %dma_wait3A_119 = tpu.memref_slice %arg4[%add3A_59, %dma_wait3A_118] : memref<2560x128xi32, #tpu.memory_space<hbm>> -> memref<40x128xi32, #tpu.memory_space<hbm>>
      %dma_wait3A_120 = arith.constant 0 : i32
      %dma_wait3A_121 = tpu.memref_slice %arg4[%add3A_59, %dma_wait3A_120] : memref<2560x128xi32, #tpu.memory_space<hbm>> -> memref<40x128xi32, #tpu.memory_space<hbm>>
      tpu.wait_dma2 semaphore(%run_scoped3A : memref<!tpu.dma_semaphore, #tpu.memory_space<semaphore_mem>>) src(%dma_wait3A_121 : memref<40x128xi32, #tpu.memory_space<hbm>>) dst(%arg8 : memref<40x128xi32, #tpu.memory_space<vmem>>)
      tpu.yield
    }) : () -> ()
    %dma_start3A_60 = arith.constant 0 : i32
    %dma_start3A_61 = arith.constant 0 : i32
    %dma_start3A_62 = arith.constant 0 : i32
    %dma_start3A_63 = arith.constant 0 : i32
    %dma_start3A_64 = tpu.memref_slice %arg9[%dma_start3A_61, %dma_start3A_62, %dma_start3A_63] : memref<2x128x128xf32, #tpu.memory_space<vmem>> -> memref<1x128x128xf32, #tpu.memory_space<vmem>>
    %dma_start3A_65 = tpu.memref_squeeze %dma_start3A_64 : memref<1x128x128xf32, #tpu.memory_space<vmem>> -> memref<128x128xf32, #tpu.memory_space<vmem>>
    %dma_start3A_66 = arith.constant 0 : i32
    %dma_start3A_67 = tpu.memref_slice %arg7[%dma_start3A_60, %dma_start3A_66] : memref<40x128xi32, #tpu.memory_space<vmem>> -> memref<1x128xi32, #tpu.memory_space<vmem>>
    %dma_start3A_68 = tpu.memref_squeeze %dma_start3A_67 : memref<1x128xi32, #tpu.memory_space<vmem>> -> memref<128xi32, #tpu.memory_space<vmem>>
    %dma_start3A_69 = arith.constant 0 : i32
    %dma_start3A_70 = arith.constant 0 : i32
    %dma_start3A_71 = tpu.memref_slice %arg2[%dma_start3A_69, %dma_start3A_70] : memref<10240x128xf32, #tpu.memory_space<hbm>> -> memref<10240x128xf32, #tpu.memory_space<hbm>>
    tpu.enqueue_indirect_dma source(%dma_start3A_71 : memref<10240x128xf32, #tpu.memory_space<hbm>>) target(%dma_start3A_65 : memref<128x128xf32, #tpu.memory_space<vmem>>) offsets(%dma_start3A_68 : memref<128xi32, #tpu.memory_space<vmem>>) semaphore(%arg11 : memref<!tpu.dma_semaphore, #tpu.memory_space<semaphore_mem>>)
    %scan3A_72 = arith.constant 0 : i32
    %scan3A_73 = arith.constant 0 : i32
    %scan3A_74 = arith.constant 20 : i32
    %scan3A_75 = arith.addi %scan3A_73, %scan3A_74 : i32
    %scan3A_76 = arith.constant 1 : i32
    %scan3A_77 = scf.for %scan3A_114 = %scan3A_73 to %scan3A_75 step %scan3A_76 iter_args(%scan3A_115 = %scan3A_72) -> (i32)  : i32 {
      %mul3A_116 = arith.constant 2 : i32
      %mul3A_117 = arith.muli %scan3A_114, %mul3A_116 : i32
      %add3A_118 = arith.constant 0 : i32
      %add3A_119 = arith.addi %mul3A_117, %add3A_118 : i32
      %add3A_120 = arith.constant 1 : i32
      %add3A_121 = arith.addi %add3A_119, %add3A_120 : i32
      %lt3A = arith.constant 40 : i32
      %lt3A_122 = arith.cmpi slt, %add3A_121, %lt3A : i32
      %convert_element_type3A_123 = arith.extui %lt3A_122 : i1 to i32
      %cond3A_124 = arith.constant 0 : i32
      %cond3A_125 = arith.cmpi ne, %convert_element_type3A_123, %cond3A_124 : i32
      scf.if %cond3A_125 {
        %ge3A = arith.constant 1 : i32
        %ge3A_182 = arith.cmpi sge, %add3A_119, %ge3A : i32
        %convert_element_type3A_183 = arith.extui %ge3A_182 : i1 to i32
        %cond3A_184 = arith.constant 0 : i32
        %cond3A_185 = arith.cmpi ne, %convert_element_type3A_183, %cond3A_184 : i32
        scf.if %cond3A_185 {
          %sub3A = arith.constant 1 : i32
          %sub3A_199 = arith.subi %add3A_119, %sub3A : i32
          %dma_wait3A_200 = arith.constant 1 : i32
          %dma_wait3A_201 = arith.constant 0 : i32
          %dma_wait3A_202 = arith.constant 0 : i32
          %dma_wait3A_203 = tpu.memref_slice %arg9[%dma_wait3A_200, %dma_wait3A_201, %dma_wait3A_202] : memref<2x128x128xf32, #tpu.memory_space<vmem>> -> memref<1x128x128xf32, #tpu.memory_space<vmem>>
          %dma_wait3A_204 = tpu.memref_squeeze %dma_wait3A_203 : memref<1x128x128xf32, #tpu.memory_space<vmem>> -> memref<128x128xf32, #tpu.memory_space<vmem>>
          %dma_wait3A_205 = arith.constant 0 : i32
          %dma_wait3A_206 = tpu.memref_slice %arg8[%sub3A_199, %dma_wait3A_205] : memref<40x128xi32, #tpu.memory_space<vmem>> -> memref<1x128xi32, #tpu.memory_space<vmem>>
          %dma_wait3A_207 = tpu.memref_squeeze %dma_wait3A_206 : memref<1x128xi32, #tpu.memory_space<vmem>> -> memref<128xi32, #tpu.memory_space<vmem>>
          %dma_wait3A_208 = arith.constant 0 : i32
          %dma_wait3A_209 = arith.constant 0 : i32
          %dma_wait3A_210 = tpu.memref_slice %arg10[%dma_wait3A_208, %dma_wait3A_209] : memref<10240x128xf32, #tpu.memory_space<vmem_shared>> -> memref<10240x128xf32, #tpu.memory_space<vmem_shared>>
          tpu.wait_indirect_dma semaphore(%arg14 : memref<!tpu.dma_semaphore, #tpu.memory_space<semaphore_mem>>) src(%dma_wait3A_204 : memref<128x128xf32, #tpu.memory_space<vmem>>) dst(%dma_wait3A_210 : memref<10240x128xf32, #tpu.memory_space<vmem_shared>>)
        } else {
        }
        %add3A_186 = arith.constant 1 : i32
        %add3A_187 = arith.addi %add3A_119, %add3A_186 : i32
        %dma_start3A_188 = arith.constant 1 : i32
        %dma_start3A_189 = arith.constant 0 : i32
        %dma_start3A_190 = arith.constant 0 : i32
        %dma_start3A_191 = tpu.memref_slice %arg9[%dma_start3A_188, %dma_start3A_189, %dma_start3A_190] : memref<2x128x128xf32, #tpu.memory_space<vmem>> -> memref<1x128x128xf32, #tpu.memory_space<vmem>>
        %dma_start3A_192 = tpu.memref_squeeze %dma_start3A_191 : memref<1x128x128xf32, #tpu.memory_space<vmem>> -> memref<128x128xf32, #tpu.memory_space<vmem>>
        %dma_start3A_193 = arith.constant 0 : i32
        %dma_start3A_194 = tpu.memref_slice %arg7[%add3A_187, %dma_start3A_193] : memref<40x128xi32, #tpu.memory_space<vmem>> -> memref<1x128xi32, #tpu.memory_space<vmem>>
        %dma_start3A_195 = tpu.memref_squeeze %dma_start3A_194 : memref<1x128xi32, #tpu.memory_space<vmem>> -> memref<128xi32, #tpu.memory_space<vmem>>
        %dma_start3A_196 = arith.constant 0 : i32
        %dma_start3A_197 = arith.constant 0 : i32
        %dma_start3A_198 = tpu.memref_slice %arg2[%dma_start3A_196, %dma_start3A_197] : memref<10240x128xf32, #tpu.memory_space<hbm>> -> memref<10240x128xf32, #tpu.memory_space<hbm>>
        tpu.enqueue_indirect_dma source(%dma_start3A_198 : memref<10240x128xf32, #tpu.memory_space<hbm>>) target(%dma_start3A_192 : memref<128x128xf32, #tpu.memory_space<vmem>>) offsets(%dma_start3A_195 : memref<128xi32, #tpu.memory_space<vmem>>) semaphore(%arg12 : memref<!tpu.dma_semaphore, #tpu.memory_space<semaphore_mem>>)
      } else {
      }
      %dma_wait3A_126 = arith.constant 0 : i32
      %dma_wait3A_127 = arith.constant 0 : i32
      %dma_wait3A_128 = arith.constant 0 : i32
      %dma_wait3A_129 = tpu.memref_slice %arg9[%dma_wait3A_126, %dma_wait3A_127, %dma_wait3A_128] : memref<2x128x128xf32, #tpu.memory_space<vmem>> -> memref<1x128x128xf32, #tpu.memory_space<vmem>>
      %dma_wait3A_130 = tpu.memref_squeeze %dma_wait3A_129 : memref<1x128x128xf32, #tpu.memory_space<vmem>> -> memref<128x128xf32, #tpu.memory_space<vmem>>
      %dma_wait3A_131 = arith.constant 0 : i32
      %dma_wait3A_132 = tpu.memref_slice %arg7[%add3A_119, %dma_wait3A_131] : memref<40x128xi32, #tpu.memory_space<vmem>> -> memref<1x128xi32, #tpu.memory_space<vmem>>
      %dma_wait3A_133 = tpu.memref_squeeze %dma_wait3A_132 : memref<1x128xi32, #tpu.memory_space<vmem>> -> memref<128xi32, #tpu.memory_space<vmem>>
      %dma_wait3A_134 = arith.constant 0 : i32
      %dma_wait3A_135 = arith.constant 0 : i32
      %dma_wait3A_136 = tpu.memref_slice %arg2[%dma_wait3A_134, %dma_wait3A_135] : memref<10240x128xf32, #tpu.memory_space<hbm>> -> memref<10240x128xf32, #tpu.memory_space<hbm>>
      tpu.wait_indirect_dma semaphore(%arg11 : memref<!tpu.dma_semaphore, #tpu.memory_space<semaphore_mem>>) src(%dma_wait3A_136 : memref<10240x128xf32, #tpu.memory_space<hbm>>) dst(%dma_wait3A_130 : memref<128x128xf32, #tpu.memory_space<vmem>>)
      %dma_start3A_137 = arith.constant 0 : i32
      %dma_start3A_138 = arith.constant 0 : i32
      %dma_start3A_139 = arith.constant 0 : i32
      %dma_start3A_140 = tpu.memref_slice %arg9[%dma_start3A_137, %dma_start3A_138, %dma_start3A_139] : memref<2x128x128xf32, #tpu.memory_space<vmem>> -> memref<1x128x128xf32, #tpu.memory_space<vmem>>
      %dma_start3A_141 = tpu.memref_squeeze %dma_start3A_140 : memref<1x128x128xf32, #tpu.memory_space<vmem>> -> memref<128x128xf32, #tpu.memory_space<vmem>>
      %dma_start3A_142 = arith.constant 0 : i32
      %dma_start3A_143 = tpu.memref_slice %arg8[%add3A_119, %dma_start3A_142] : memref<40x128xi32, #tpu.memory_space<vmem>> -> memref<1x128xi32, #tpu.memory_space<vmem>>
      %dma_start3A_144 = tpu.memref_squeeze %dma_start3A_143 : memref<1x128xi32, #tpu.memory_space<vmem>> -> memref<128xi32, #tpu.memory_space<vmem>>
      %dma_start3A_145 = arith.constant 0 : i32
      %dma_start3A_146 = arith.constant 0 : i32
      %dma_start3A_147 = tpu.memref_slice %arg10[%dma_start3A_145, %dma_start3A_146] : memref<10240x128xf32, #tpu.memory_space<vmem_shared>> -> memref<10240x128xf32, #tpu.memory_space<vmem_shared>>
      tpu.enqueue_indirect_dma source(%dma_start3A_141 : memref<128x128xf32, #tpu.memory_space<vmem>>) target(%dma_start3A_147 : memref<10240x128xf32, #tpu.memory_space<vmem_shared>>) offsets(%dma_start3A_144 : memref<128xi32, #tpu.memory_space<vmem>>) semaphore(%arg13 : memref<!tpu.dma_semaphore, #tpu.memory_space<semaphore_mem>>) {add = true}
      %mul3A_148 = arith.constant 2 : i32
      %mul3A_149 = arith.muli %scan3A_114, %mul3A_148 : i32
      %add3A_150 = arith.constant 1 : i32
      %add3A_151 = arith.addi %mul3A_149, %add3A_150 : i32
      %add3A_152 = arith.constant 1 : i32
      %add3A_153 = arith.addi %add3A_151, %add3A_152 : i32
      %lt3A_154 = arith.constant 40 : i32
      %lt3A_155 = arith.cmpi slt, %add3A_153, %lt3A_154 : i32
      %convert_element_type3A_156 = arith.extui %lt3A_155 : i1 to i32
      %cond3A_157 = arith.constant 0 : i32
      %cond3A_158 = arith.cmpi ne, %convert_element_type3A_156, %cond3A_157 : i32
      scf.if %cond3A_158 {
        %ge3A = arith.constant 1 : i32
        %ge3A_182 = arith.cmpi sge, %add3A_151, %ge3A : i32
        %convert_element_type3A_183 = arith.extui %ge3A_182 : i1 to i32
        %cond3A_184 = arith.constant 0 : i32
        %cond3A_185 = arith.cmpi ne, %convert_element_type3A_183, %cond3A_184 : i32
        scf.if %cond3A_185 {
          %sub3A = arith.constant 1 : i32
          %sub3A_199 = arith.subi %add3A_151, %sub3A : i32
          %dma_wait3A_200 = arith.constant 0 : i32
          %dma_wait3A_201 = arith.constant 0 : i32
          %dma_wait3A_202 = arith.constant 0 : i32
          %dma_wait3A_203 = tpu.memref_slice %arg9[%dma_wait3A_200, %dma_wait3A_201, %dma_wait3A_202] : memref<2x128x128xf32, #tpu.memory_space<vmem>> -> memref<1x128x128xf32, #tpu.memory_space<vmem>>
          %dma_wait3A_204 = tpu.memref_squeeze %dma_wait3A_203 : memref<1x128x128xf32, #tpu.memory_space<vmem>> -> memref<128x128xf32, #tpu.memory_space<vmem>>
          %dma_wait3A_205 = arith.constant 0 : i32
          %dma_wait3A_206 = tpu.memref_slice %arg8[%sub3A_199, %dma_wait3A_205] : memref<40x128xi32, #tpu.memory_space<vmem>> -> memref<1x128xi32, #tpu.memory_space<vmem>>
          %dma_wait3A_207 = tpu.memref_squeeze %dma_wait3A_206 : memref<1x128xi32, #tpu.memory_space<vmem>> -> memref<128xi32, #tpu.memory_space<vmem>>
          %dma_wait3A_208 = arith.constant 0 : i32
          %dma_wait3A_209 = arith.constant 0 : i32
          %dma_wait3A_210 = tpu.memref_slice %arg10[%dma_wait3A_208, %dma_wait3A_209] : memref<10240x128xf32, #tpu.memory_space<vmem_shared>> -> memref<10240x128xf32, #tpu.memory_space<vmem_shared>>
          tpu.wait_indirect_dma semaphore(%arg13 : memref<!tpu.dma_semaphore, #tpu.memory_space<semaphore_mem>>) src(%dma_wait3A_204 : memref<128x128xf32, #tpu.memory_space<vmem>>) dst(%dma_wait3A_210 : memref<10240x128xf32, #tpu.memory_space<vmem_shared>>)
        } else {
        }
        %add3A_186 = arith.constant 1 : i32
        %add3A_187 = arith.addi %add3A_151, %add3A_186 : i32
        %dma_start3A_188 = arith.constant 0 : i32
        %dma_start3A_189 = arith.constant 0 : i32
        %dma_start3A_190 = arith.constant 0 : i32
        %dma_start3A_191 = tpu.memref_slice %arg9[%dma_start3A_188, %dma_start3A_189, %dma_start3A_190] : memref<2x128x128xf32, #tpu.memory_space<vmem>> -> memref<1x128x128xf32, #tpu.memory_space<vmem>>
        %dma_start3A_192 = tpu.memref_squeeze %dma_start3A_191 : memref<1x128x128xf32, #tpu.memory_space<vmem>> -> memref<128x128xf32, #tpu.memory_space<vmem>>
        %dma_start3A_193 = arith.constant 0 : i32
        %dma_start3A_194 = tpu.memref_slice %arg7[%add3A_187, %dma_start3A_193] : memref<40x128xi32, #tpu.memory_space<vmem>> -> memref<1x128xi32, #tpu.memory_space<vmem>>
        %dma_start3A_195 = tpu.memref_squeeze %dma_start3A_194 : memref<1x128xi32, #tpu.memory_space<vmem>> -> memref<128xi32, #tpu.memory_space<vmem>>
        %dma_start3A_196 = arith.constant 0 : i32
        %dma_start3A_197 = arith.constant 0 : i32
        %dma_start3A_198 = tpu.memref_slice %arg2[%dma_start3A_196, %dma_start3A_197] : memref<10240x128xf32, #tpu.memory_space<hbm>> -> memref<10240x128xf32, #tpu.memory_space<hbm>>
        tpu.enqueue_indirect_dma source(%dma_start3A_198 : memref<10240x128xf32, #tpu.memory_space<hbm>>) target(%dma_start3A_192 : memref<128x128xf32, #tpu.memory_space<vmem>>) offsets(%dma_start3A_195 : memref<128xi32, #tpu.memory_space<vmem>>) semaphore(%arg11 : memref<!tpu.dma_semaphore, #tpu.memory_space<semaphore_mem>>)
      } else {
      }
      %dma_wait3A_159 = arith.constant 1 : i32
      %dma_wait3A_160 = arith.constant 0 : i32
      %dma_wait3A_161 = arith.constant 0 : i32
      %dma_wait3A_162 = tpu.memref_slice %arg9[%dma_wait3A_159, %dma_wait3A_160, %dma_wait3A_161] : memref<2x128x128xf32, #tpu.memory_space<vmem>> -> memref<1x128x128xf32, #tpu.memory_space<vmem>>
      %dma_wait3A_163 = tpu.memref_squeeze %dma_wait3A_162 : memref<1x128x128xf32, #tpu.memory_space<vmem>> -> memref<128x128xf32, #tpu.memory_space<vmem>>
      %dma_wait3A_164 = arith.constant 0 : i32
      %dma_wait3A_165 = tpu.memref_slice %arg7[%add3A_151, %dma_wait3A_164] : memref<40x128xi32, #tpu.memory_space<vmem>> -> memref<1x128xi32, #tpu.memory_space<vmem>>
      %dma_wait3A_166 = tpu.memref_squeeze %dma_wait3A_165 : memref<1x128xi32, #tpu.memory_space<vmem>> -> memref<128xi32, #tpu.memory_space<vmem>>
      %dma_wait3A_167 = arith.constant 0 : i32
      %dma_wait3A_168 = arith.constant 0 : i32
      %dma_wait3A_169 = tpu.memref_slice %arg2[%dma_wait3A_167, %dma_wait3A_168] : memref<10240x128xf32, #tpu.memory_space<hbm>> -> memref<10240x128xf32, #tpu.memory_space<hbm>>
      tpu.wait_indirect_dma semaphore(%arg12 : memref<!tpu.dma_semaphore, #tpu.memory_space<semaphore_mem>>) src(%dma_wait3A_169 : memref<10240x128xf32, #tpu.memory_space<hbm>>) dst(%dma_wait3A_163 : memref<128x128xf32, #tpu.memory_space<vmem>>)
      %dma_start3A_170 = arith.constant 1 : i32
      %dma_start3A_171 = arith.constant 0 : i32
      %dma_start3A_172 = arith.constant 0 : i32
      %dma_start3A_173 = tpu.memref_slice %arg9[%dma_start3A_170, %dma_start3A_171, %dma_start3A_172] : memref<2x128x128xf32, #tpu.memory_space<vmem>> -> memref<1x128x128xf32, #tpu.memory_space<vmem>>
      %dma_start3A_174 = tpu.memref_squeeze %dma_start3A_173 : memref<1x128x128xf32, #tpu.memory_space<vmem>> -> memref<128x128xf32, #tpu.memory_space<vmem>>
      %dma_start3A_175 = arith.constant 0 : i32
      %dma_start3A_176 = tpu.memref_slice %arg8[%add3A_151, %dma_start3A_175] : memref<40x128xi32, #tpu.memory_space<vmem>> -> memref<1x128xi32, #tpu.memory_space<vmem>>
      %dma_start3A_177 = tpu.memref_squeeze %dma_start3A_176 : memref<1x128xi32, #tpu.memory_space<vmem>> -> memref<128xi32, #tpu.memory_space<vmem>>
      %dma_start3A_178 = arith.constant 0 : i32
      %dma_start3A_179 = arith.constant 0 : i32
      %dma_start3A_180 = tpu.memref_slice %arg10[%dma_start3A_178, %dma_start3A_179] : memref<10240x128xf32, #tpu.memory_space<vmem_shared>> -> memref<10240x128xf32, #tpu.memory_space<vmem_shared>>
      tpu.enqueue_indirect_dma source(%dma_start3A_174 : memref<128x128xf32, #tpu.memory_space<vmem>>) target(%dma_start3A_180 : memref<10240x128xf32, #tpu.memory_space<vmem_shared>>) offsets(%dma_start3A_177 : memref<128xi32, #tpu.memory_space<vmem>>) semaphore(%arg14 : memref<!tpu.dma_semaphore, #tpu.memory_space<semaphore_mem>>) {add = true}
      %scan3A_181 = arith.constant 0 : i32
      scf.yield %scan3A_181 : i32
    }
    %scan3A_78 = arith.constant 20 : i32
    %dma_wait3A_79 = arith.constant 0 : i32
    %dma_wait3A_80 = arith.constant 38 : i32
    %dma_wait3A_81 = arith.constant 0 : i32
    %dma_wait3A_82 = arith.constant 0 : i32
    %dma_wait3A_83 = tpu.memref_slice %arg9[%dma_wait3A_79, %dma_wait3A_81, %dma_wait3A_82] : memref<2x128x128xf32, #tpu.memory_space<vmem>> -> memref<1x128x128xf32, #tpu.memory_space<vmem>>
    %dma_wait3A_84 = tpu.memref_squeeze %dma_wait3A_83 : memref<1x128x128xf32, #tpu.memory_space<vmem>> -> memref<128x128xf32, #tpu.memory_space<vmem>>
    %dma_wait3A_85 = arith.constant 0 : i32
    %dma_wait3A_86 = tpu.memref_slice %arg8[%dma_wait3A_80, %dma_wait3A_85] : memref<40x128xi32, #tpu.memory_space<vmem>> -> memref<1x128xi32, #tpu.memory_space<vmem>>
    %dma_wait3A_87 = tpu.memref_squeeze %dma_wait3A_86 : memref<1x128xi32, #tpu.memory_space<vmem>> -> memref<128xi32, #tpu.memory_space<vmem>>
    %dma_wait3A_88 = arith.constant 0 : i32
    %dma_wait3A_89 = arith.constant 0 : i32
    %dma_wait3A_90 = tpu.memref_slice %arg10[%dma_wait3A_88, %dma_wait3A_89] : memref<10240x128xf32, #tpu.memory_space<vmem_shared>> -> memref<10240x128xf32, #tpu.memory_space<vmem_shared>>
    tpu.wait_indirect_dma semaphore(%arg13 : memref<!tpu.dma_semaphore, #tpu.memory_space<semaphore_mem>>) src(%dma_wait3A_84 : memref<128x128xf32, #tpu.memory_space<vmem>>) dst(%dma_wait3A_90 : memref<10240x128xf32, #tpu.memory_space<vmem_shared>>)
    %dma_wait3A_91 = arith.constant 1 : i32
    %dma_wait3A_92 = arith.constant 39 : i32
    %dma_wait3A_93 = arith.constant 0 : i32
    %dma_wait3A_94 = arith.constant 0 : i32
    %dma_wait3A_95 = tpu.memref_slice %arg9[%dma_wait3A_91, %dma_wait3A_93, %dma_wait3A_94] : memref<2x128x128xf32, #tpu.memory_space<vmem>> -> memref<1x128x128xf32, #tpu.memory_space<vmem>>
    %dma_wait3A_96 = tpu.memref_squeeze %dma_wait3A_95 : memref<1x128x128xf32, #tpu.memory_space<vmem>> -> memref<128x128xf32, #tpu.memory_space<vmem>>
    %dma_wait3A_97 = arith.constant 0 : i32
    %dma_wait3A_98 = tpu.memref_slice %arg8[%dma_wait3A_92, %dma_wait3A_97] : memref<40x128xi32, #tpu.memory_space<vmem>> -> memref<1x128xi32, #tpu.memory_space<vmem>>
    %dma_wait3A_99 = tpu.memref_squeeze %dma_wait3A_98 : memref<1x128xi32, #tpu.memory_space<vmem>> -> memref<128xi32, #tpu.memory_space<vmem>>
    %dma_wait3A_100 = arith.constant 0 : i32
    %dma_wait3A_101 = arith.constant 0 : i32
    %dma_wait3A_102 = tpu.memref_slice %arg10[%dma_wait3A_100, %dma_wait3A_101] : memref<10240x128xf32, #tpu.memory_space<vmem_shared>> -> memref<10240x128xf32, #tpu.memory_space<vmem_shared>>
    tpu.wait_indirect_dma semaphore(%arg14 : memref<!tpu.dma_semaphore, #tpu.memory_space<semaphore_mem>>) src(%dma_wait3A_96 : memref<128x128xf32, #tpu.memory_space<vmem>>) dst(%dma_wait3A_102 : memref<10240x128xf32, #tpu.memory_space<vmem_shared>>)
    %barrier3A_103 = arith.constant 0 : index
    tpu.barrier barrier_id(%barrier3A_103)
    %eq3A_104 = arith.constant 0 : i32
    %eq3A_105 = arith.cmpi eq, %arg0, %eq3A_104 : i32
    %convert_element_type3A_106 = arith.extui %eq3A_105 : i1 to i32
    %cond3A_107 = arith.constant 0 : i32
    %cond3A_108 = arith.cmpi ne, %convert_element_type3A_106, %cond3A_107 : i32
    scf.if %cond3A_108 {
      "tpu.region"() ({
        %run_scoped3A = tpu.sem_alloc : memref<!tpu.dma_semaphore, #tpu.memory_space<semaphore_mem>>
        %dma_start3A_114 = arith.constant 0 : i32
        %dma_start3A_115 = tpu.memref_slice %arg5[%mul3A_0, %dma_start3A_114] : memref<10240x128xf32, #tpu.memory_space<hbm>> -> memref<640x128xf32, #tpu.memory_space<hbm>>
        %dma_start3A_116 = arith.constant 0 : i32
        %dma_start3A_117 = tpu.memref_slice %arg10[%mul3A_0, %dma_start3A_116] : memref<10240x128xf32, #tpu.memory_space<vmem_shared>> -> memref<640x128xf32, #tpu.memory_space<vmem_shared>>
        tpu.enqueue_dma source(%dma_start3A_117 : memref<640x128xf32, #tpu.memory_space<vmem_shared>>) target(%dma_start3A_115 : memref<640x128xf32, #tpu.memory_space<hbm>>) target_semaphore(%run_scoped3A : memref<!tpu.dma_semaphore, #tpu.memory_space<semaphore_mem>>)
        %dma_wait3A_118 = arith.constant 0 : i32
        %dma_wait3A_119 = tpu.memref_slice %arg5[%mul3A_0, %dma_wait3A_118] : memref<10240x128xf32, #tpu.memory_space<hbm>> -> memref<640x128xf32, #tpu.memory_space<hbm>>
        %dma_wait3A_120 = arith.constant 0 : i32
        %dma_wait3A_121 = tpu.memref_slice %arg10[%mul3A_0, %dma_wait3A_120] : memref<10240x128xf32, #tpu.memory_space<vmem_shared>> -> memref<640x128xf32, #tpu.memory_space<vmem_shared>>
        tpu.wait_dma2 semaphore(%run_scoped3A : memref<!tpu.dma_semaphore, #tpu.memory_space<semaphore_mem>>) src(%dma_wait3A_121 : memref<640x128xf32, #tpu.memory_space<vmem_shared>>) dst(%dma_wait3A_119 : memref<640x128xf32, #tpu.memory_space<hbm>>)
        tpu.yield
      }) : () -> ()
    } else {
    }
    %eq3A_109 = arith.constant 1 : i32
    %eq3A_110 = arith.cmpi eq, %arg0, %eq3A_109 : i32
    %convert_element_type3A_111 = arith.extui %eq3A_110 : i1 to i32
    %cond3A_112 = arith.constant 0 : i32
    %cond3A_113 = arith.cmpi ne, %convert_element_type3A_111, %cond3A_112 : i32
    scf.if %cond3A_113 {
      "tpu.region"() ({
        %run_scoped3A = tpu.sem_alloc : memref<!tpu.dma_semaphore, #tpu.memory_space<semaphore_mem>>
        %dma_start3A_114 = arith.constant 0 : i32
        %dma_start3A_115 = tpu.memref_slice %arg6[%mul3A_0, %dma_start3A_114] : memref<10240x128xf32, #tpu.memory_space<hbm>> -> memref<640x128xf32, #tpu.memory_space<hbm>>
        %dma_start3A_116 = arith.constant 0 : i32
        %dma_start3A_117 = tpu.memref_slice %arg10[%mul3A_0, %dma_start3A_116] : memref<10240x128xf32, #tpu.memory_space<vmem_shared>> -> memref<640x128xf32, #tpu.memory_space<vmem_shared>>
        tpu.enqueue_dma source(%dma_start3A_117 : memref<640x128xf32, #tpu.memory_space<vmem_shared>>) target(%dma_start3A_115 : memref<640x128xf32, #tpu.memory_space<hbm>>) target_semaphore(%run_scoped3A : memref<!tpu.dma_semaphore, #tpu.memory_space<semaphore_mem>>)
        %dma_wait3A_118 = arith.constant 0 : i32
        %dma_wait3A_119 = tpu.memref_slice %arg6[%mul3A_0, %dma_wait3A_118] : memref<10240x128xf32, #tpu.memory_space<hbm>> -> memref<640x128xf32, #tpu.memory_space<hbm>>
        %dma_wait3A_120 = arith.constant 0 : i32
        %dma_wait3A_121 = tpu.memref_slice %arg10[%mul3A_0, %dma_wait3A_120] : memref<10240x128xf32, #tpu.memory_space<vmem_shared>> -> memref<640x128xf32, #tpu.memory_space<vmem_shared>>
        tpu.wait_dma2 semaphore(%run_scoped3A : memref<!tpu.dma_semaphore, #tpu.memory_space<semaphore_mem>>) src(%dma_wait3A_121 : memref<640x128xf32, #tpu.memory_space<vmem_shared>>) dst(%dma_wait3A_119 : memref<640x128xf32, #tpu.memory_space<hbm>>)
        tpu.yield
      }) : () -> ()
    } else {
    }
    return
  }
}

#map = affine_map<(d0, d1) -> (0, 0)>
module attributes {stable_mosaic.version = 14 : i64} {
  func.func @_agg_body(%arg0: i32, %arg1: i32, %arg2: memref<10240x128xf32, #tpu.memory_space<hbm>>, %arg3: memref<2560x128xi32, #tpu.memory_space<hbm>>, %arg4: memref<2560x128xi32, #tpu.memory_space<hbm>>, %arg5: memref<10240x128xf32, #tpu.memory_space<hbm>>, %arg6: memref<10240x128xf32, #tpu.memory_space<hbm>>, %arg7: memref<40x128xi32, #tpu.memory_space<vmem>>, %arg8: memref<40x128xi32, #tpu.memory_space<vmem>>, %arg9: memref<2x128x128xf32, #tpu.memory_space<vmem>>, %arg10: memref<10240x128xf32, #tpu.memory_space<vmem_shared>>, %arg11: memref<!tpu.dma_semaphore, #tpu.memory_space<semaphore_mem>>, %arg12: memref<!tpu.dma_semaphore, #tpu.memory_space<semaphore_mem>>, %arg13: memref<!tpu.dma_semaphore, #tpu.memory_space<semaphore_mem>>, %arg14: memref<!tpu.dma_semaphore, #tpu.memory_space<semaphore_mem>>, %arg15: memref<!tpu.dma_semaphore, #tpu.memory_space<semaphore_mem>>) attributes {dimension_semantics = [#tpu.dimension_semantics<core_parallel>, #tpu.dimension_semantics<subcore_parallel>], iteration_bounds = array<i64: 2, 16>, scalar_prefetch = 0 : i64, scratch_operands = 9 : i64, tpu.core_type = #tpu.core_type<sc_vector_subcore>, window_params = [{transform_indices = #map}, {transform_indices = #map}, {transform_indices = #map}, {transform_indices = #map}, {transform_indices = #map}]} {
    %mul3A = arith.constant 640 : i32
    %mul3A_0 = arith.muli %arg1, %mul3A : i32
    %eq3A = arith.constant 0 : i32
    %eq3A_1 = arith.cmpi eq, %arg0, %eq3A : i32
    %convert_element_type3A = arith.extui %eq3A_1 : i1 to i32
    %cond3A = arith.constant 0 : i32
    %cond3A_2 = arith.cmpi ne, %convert_element_type3A, %cond3A : i32
    scf.if %cond3A_2 {
      "tpu.region"() ({
        %run_scoped3A = tpu.sem_alloc : memref<!tpu.dma_semaphore, #tpu.memory_space<semaphore_mem>>
        %dma_start3A_114 = arith.constant 0 : i32
        %dma_start3A_115 = tpu.memref_slice %arg10[%mul3A_0, %dma_start3A_114] : memref<10240x128xf32, #tpu.memory_space<vmem_shared>> -> memref<640x128xf32, #tpu.memory_space<vmem_shared>>
        %dma_start3A_116 = arith.constant 0 : i32
        %dma_start3A_117 = tpu.memref_slice %arg2[%mul3A_0, %dma_start3A_116] : memref<10240x128xf32, #tpu.memory_space<hbm>> -> memref<640x128xf32, #tpu.memory_space<hbm>>
        tpu.enqueue_dma source(%dma_start3A_117 : memref<640x128xf32, #tpu.memory_space<hbm>>) target(%dma_start3A_115 : memref<640x128xf32, #tpu.memory_space<vmem_shared>>) target_semaphore(%run_scoped3A : memref<!tpu.dma_semaphore, #tpu.memory_space<semaphore_mem>>)
        %dma_wait3A_118 = arith.constant 0 : i32
        %dma_wait3A_119 = tpu.memref_slice %arg10[%mul3A_0, %dma_wait3A_118] : memref<10240x128xf32, #tpu.memory_space<vmem_shared>> -> memref<640x128xf32, #tpu.memory_space<vmem_shared>>
        %dma_wait3A_120 = arith.constant 0 : i32
        %dma_wait3A_121 = tpu.memref_slice %arg2[%mul3A_0, %dma_wait3A_120] : memref<10240x128xf32, #tpu.memory_space<hbm>> -> memref<640x128xf32, #tpu.memory_space<hbm>>
        tpu.wait_dma2 semaphore(%run_scoped3A : memref<!tpu.dma_semaphore, #tpu.memory_space<semaphore_mem>>) src(%dma_wait3A_121 : memref<640x128xf32, #tpu.memory_space<hbm>>) dst(%dma_wait3A_119 : memref<640x128xf32, #tpu.memory_space<vmem_shared>>)
        tpu.yield
      }) : () -> ()
    } else {
    }
    %eq3A_3 = arith.constant 1 : i32
    %eq3A_4 = arith.cmpi eq, %arg0, %eq3A_3 : i32
    %convert_element_type3A_5 = arith.extui %eq3A_4 : i1 to i32
    %cond3A_6 = arith.constant 0 : i32
    %cond3A_7 = arith.cmpi ne, %convert_element_type3A_5, %cond3A_6 : i32
    scf.if %cond3A_7 {
      %add3A_114 = arith.constant 0 : i32
      %add3A_115 = arith.addi %mul3A_0, %add3A_114 : i32
      %dma_start3A_116 = arith.constant 0 : i32
      %dma_start3A_117 = tpu.memref_slice %arg10[%add3A_115, %dma_start3A_116] : memref<10240x128xf32, #tpu.memory_space<vmem_shared>> -> memref<240x128xf32, #tpu.memory_space<vmem_shared>>
      %dma_start3A_118 = arith.constant 10000 : i32
      %dma_start3A_119 = arith.constant 0 : i32
      %dma_start3A_120 = tpu.memref_slice %arg2[%dma_start3A_118, %dma_start3A_119] : memref<10240x128xf32, #tpu.memory_space<hbm>> -> memref<240x128xf32, #tpu.memory_space<hbm>>
      tpu.enqueue_dma source(%dma_start3A_120 : memref<240x128xf32, #tpu.memory_space<hbm>>) target(%dma_start3A_117 : memref<240x128xf32, #tpu.memory_space<vmem_shared>>) target_semaphore(%arg15 : memref<!tpu.dma_semaphore, #tpu.memory_space<semaphore_mem>>)
      %add3A_121 = arith.constant 240 : i32
      %add3A_122 = arith.addi %mul3A_0, %add3A_121 : i32
      %dma_start3A_123 = arith.constant 0 : i32
      %dma_start3A_124 = tpu.memref_slice %arg10[%add3A_122, %dma_start3A_123] : memref<10240x128xf32, #tpu.memory_space<vmem_shared>> -> memref<240x128xf32, #tpu.memory_space<vmem_shared>>
      %dma_start3A_125 = arith.constant 10000 : i32
      %dma_start3A_126 = arith.constant 0 : i32
      %dma_start3A_127 = tpu.memref_slice %arg2[%dma_start3A_125, %dma_start3A_126] : memref<10240x128xf32, #tpu.memory_space<hbm>> -> memref<240x128xf32, #tpu.memory_space<hbm>>
      tpu.enqueue_dma source(%dma_start3A_127 : memref<240x128xf32, #tpu.memory_space<hbm>>) target(%dma_start3A_124 : memref<240x128xf32, #tpu.memory_space<vmem_shared>>) target_semaphore(%arg15 : memref<!tpu.dma_semaphore, #tpu.memory_space<semaphore_mem>>)
      %add3A_128 = arith.constant 480 : i32
      %add3A_129 = arith.addi %mul3A_0, %add3A_128 : i32
      %dma_start3A_130 = arith.constant 0 : i32
      %dma_start3A_131 = tpu.memref_slice %arg10[%add3A_129, %dma_start3A_130] : memref<10240x128xf32, #tpu.memory_space<vmem_shared>> -> memref<160x128xf32, #tpu.memory_space<vmem_shared>>
      %dma_start3A_132 = arith.constant 10000 : i32
      %dma_start3A_133 = arith.constant 0 : i32
      %dma_start3A_134 = tpu.memref_slice %arg2[%dma_start3A_132, %dma_start3A_133] : memref<10240x128xf32, #tpu.memory_space<hbm>> -> memref<160x128xf32, #tpu.memory_space<hbm>>
      tpu.enqueue_dma source(%dma_start3A_134 : memref<160x128xf32, #tpu.memory_space<hbm>>) target(%dma_start3A_131 : memref<160x128xf32, #tpu.memory_space<vmem_shared>>) target_semaphore(%arg15 : memref<!tpu.dma_semaphore, #tpu.memory_space<semaphore_mem>>)
      %add3A_135 = arith.constant 0 : i32
      %add3A_136 = arith.addi %mul3A_0, %add3A_135 : i32
      %dma_wait3A_137 = arith.constant 0 : i32
      %dma_wait3A_138 = tpu.memref_slice %arg10[%add3A_136, %dma_wait3A_137] : memref<10240x128xf32, #tpu.memory_space<vmem_shared>> -> memref<240x128xf32, #tpu.memory_space<vmem_shared>>
      %dma_wait3A_139 = arith.constant 10000 : i32
      %dma_wait3A_140 = arith.constant 0 : i32
      %dma_wait3A_141 = tpu.memref_slice %arg2[%dma_wait3A_139, %dma_wait3A_140] : memref<10240x128xf32, #tpu.memory_space<hbm>> -> memref<240x128xf32, #tpu.memory_space<hbm>>
      tpu.wait_dma2 semaphore(%arg15 : memref<!tpu.dma_semaphore, #tpu.memory_space<semaphore_mem>>) src(%dma_wait3A_141 : memref<240x128xf32, #tpu.memory_space<hbm>>) dst(%dma_wait3A_138 : memref<240x128xf32, #tpu.memory_space<vmem_shared>>)
      %add3A_142 = arith.constant 240 : i32
      %add3A_143 = arith.addi %mul3A_0, %add3A_142 : i32
      %dma_wait3A_144 = arith.constant 0 : i32
      %dma_wait3A_145 = tpu.memref_slice %arg10[%add3A_143, %dma_wait3A_144] : memref<10240x128xf32, #tpu.memory_space<vmem_shared>> -> memref<240x128xf32, #tpu.memory_space<vmem_shared>>
      %dma_wait3A_146 = arith.constant 10000 : i32
      %dma_wait3A_147 = arith.constant 0 : i32
      %dma_wait3A_148 = tpu.memref_slice %arg2[%dma_wait3A_146, %dma_wait3A_147] : memref<10240x128xf32, #tpu.memory_space<hbm>> -> memref<240x128xf32, #tpu.memory_space<hbm>>
      tpu.wait_dma2 semaphore(%arg15 : memref<!tpu.dma_semaphore, #tpu.memory_space<semaphore_mem>>) src(%dma_wait3A_148 : memref<240x128xf32, #tpu.memory_space<hbm>>) dst(%dma_wait3A_145 : memref<240x128xf32, #tpu.memory_space<vmem_shared>>)
      %add3A_149 = arith.constant 480 : i32
      %add3A_150 = arith.addi %mul3A_0, %add3A_149 : i32
      %dma_wait3A_151 = arith.constant 0 : i32
      %dma_wait3A_152 = tpu.memref_slice %arg10[%add3A_150, %dma_wait3A_151] : memref<10240x128xf32, #tpu.memory_space<vmem_shared>> -> memref<160x128xf32, #tpu.memory_space<vmem_shared>>
      %dma_wait3A_153 = arith.constant 10000 : i32
      %dma_wait3A_154 = arith.constant 0 : i32
      %dma_wait3A_155 = tpu.memref_slice %arg2[%dma_wait3A_153, %dma_wait3A_154] : memref<10240x128xf32, #tpu.memory_space<hbm>> -> memref<160x128xf32, #tpu.memory_space<hbm>>
      tpu.wait_dma2 semaphore(%arg15 : memref<!tpu.dma_semaphore, #tpu.memory_space<semaphore_mem>>) src(%dma_wait3A_155 : memref<160x128xf32, #tpu.memory_space<hbm>>) dst(%dma_wait3A_152 : memref<160x128xf32, #tpu.memory_space<vmem_shared>>)
    } else {
    }
    %barrier3A = arith.constant 0 : index
    tpu.barrier barrier_id(%barrier3A)
    %mul3A_8 = arith.constant 1280 : i32
    %mul3A_9 = arith.muli %arg0, %mul3A_8 : i32
    %mul3A_10 = arith.constant 80 : i32
    %mul3A_11 = arith.muli %arg1, %mul3A_10 : i32
    %add3A = arith.addi %mul3A_9, %mul3A_11 : i32
    %add3A_12 = arith.constant 0 : i32
    %add3A_13 = arith.addi %add3A, %add3A_12 : i32
    "tpu.region"() ({
      %run_scoped3A = tpu.sem_alloc : memref<!tpu.dma_semaphore, #tpu.memory_space<semaphore_mem>>
      %dma_start3A_114 = arith.constant 0 : i32
      %dma_start3A_115 = tpu.memref_slice %arg3[%add3A_13, %dma_start3A_114] : memref<2560x128xi32, #tpu.memory_space<hbm>> -> memref<40x128xi32, #tpu.memory_space<hbm>>
      %dma_start3A_116 = arith.constant 0 : i32
      %dma_start3A_117 = tpu.memref_slice %arg3[%add3A_13, %dma_start3A_116] : memref<2560x128xi32, #tpu.memory_space<hbm>> -> memref<40x128xi32, #tpu.memory_space<hbm>>
      tpu.enqueue_dma source(%dma_start3A_117 : memref<40x128xi32, #tpu.memory_space<hbm>>) target(%arg7 : memref<40x128xi32, #tpu.memory_space<vmem>>) target_semaphore(%run_scoped3A : memref<!tpu.dma_semaphore, #tpu.memory_space<semaphore_mem>>)
      %dma_wait3A_118 = arith.constant 0 : i32
      %dma_wait3A_119 = tpu.memref_slice %arg3[%add3A_13, %dma_wait3A_118] : memref<2560x128xi32, #tpu.memory_space<hbm>> -> memref<40x128xi32, #tpu.memory_space<hbm>>
      %dma_wait3A_120 = arith.constant 0 : i32
      %dma_wait3A_121 = tpu.memref_slice %arg3[%add3A_13, %dma_wait3A_120] : memref<2560x128xi32, #tpu.memory_space<hbm>> -> memref<40x128xi32, #tpu.memory_space<hbm>>
      tpu.wait_dma2 semaphore(%run_scoped3A : memref<!tpu.dma_semaphore, #tpu.memory_space<semaphore_mem>>) src(%dma_wait3A_121 : memref<40x128xi32, #tpu.memory_space<hbm>>) dst(%arg7 : memref<40x128xi32, #tpu.memory_space<vmem>>)
      tpu.yield
    }) : () -> ()
    %add3A_14 = arith.constant 0 : i32
    %add3A_15 = arith.addi %add3A, %add3A_14 : i32
    "tpu.region"() ({
      %run_scoped3A = tpu.sem_alloc : memref<!tpu.dma_semaphore, #tpu.memory_space<semaphore_mem>>
      %dma_start3A_114 = arith.constant 0 : i32
      %dma_start3A_115 = tpu.memref_slice %arg4[%add3A_15, %dma_start3A_114] : memref<2560x128xi32, #tpu.memory_space<hbm>> -> memref<40x128xi32, #tpu.memory_space<hbm>>
      %dma_start3A_116 = arith.constant 0 : i32
      %dma_start3A_117 = tpu.memref_slice %arg4[%add3A_15, %dma_start3A_116] : memref<2560x128xi32, #tpu.memory_space<hbm>> -> memref<40x128xi32, #tpu.memory_space<hbm>>
      tpu.enqueue_dma source(%dma_start3A_117 : memref<40x128xi32, #tpu.memory_space<hbm>>) target(%arg8 : memref<40x128xi32, #tpu.memory_space<vmem>>) target_semaphore(%run_scoped3A : memref<!tpu.dma_semaphore, #tpu.memory_space<semaphore_mem>>)
      %dma_wait3A_118 = arith.constant 0 : i32
      %dma_wait3A_119 = tpu.memref_slice %arg4[%add3A_15, %dma_wait3A_118] : memref<2560x128xi32, #tpu.memory_space<hbm>> -> memref<40x128xi32, #tpu.memory_space<hbm>>
      %dma_wait3A_120 = arith.constant 0 : i32
      %dma_wait3A_121 = tpu.memref_slice %arg4[%add3A_15, %dma_wait3A_120] : memref<2560x128xi32, #tpu.memory_space<hbm>> -> memref<40x128xi32, #tpu.memory_space<hbm>>
      tpu.wait_dma2 semaphore(%run_scoped3A : memref<!tpu.dma_semaphore, #tpu.memory_space<semaphore_mem>>) src(%dma_wait3A_121 : memref<40x128xi32, #tpu.memory_space<hbm>>) dst(%arg8 : memref<40x128xi32, #tpu.memory_space<vmem>>)
      tpu.yield
    }) : () -> ()
    %dma_start3A = arith.constant 0 : i32
    %dma_start3A_16 = arith.constant 0 : i32
    %dma_start3A_17 = arith.constant 0 : i32
    %dma_start3A_18 = arith.constant 0 : i32
    %dma_start3A_19 = tpu.memref_slice %arg9[%dma_start3A_16, %dma_start3A_17, %dma_start3A_18] : memref<2x128x128xf32, #tpu.memory_space<vmem>> -> memref<1x128x128xf32, #tpu.memory_space<vmem>>
    %dma_start3A_20 = tpu.memref_squeeze %dma_start3A_19 : memref<1x128x128xf32, #tpu.memory_space<vmem>> -> memref<128x128xf32, #tpu.memory_space<vmem>>
    %dma_start3A_21 = arith.constant 0 : i32
    %dma_start3A_22 = tpu.memref_slice %arg7[%dma_start3A, %dma_start3A_21] : memref<40x128xi32, #tpu.memory_space<vmem>> -> memref<1x128xi32, #tpu.memory_space<vmem>>
    %dma_start3A_23 = tpu.memref_squeeze %dma_start3A_22 : memref<1x128xi32, #tpu.memory_space<vmem>> -> memref<128xi32, #tpu.memory_space<vmem>>
    %dma_start3A_24 = arith.constant 0 : i32
    %dma_start3A_25 = arith.constant 0 : i32
    %dma_start3A_26 = tpu.memref_slice %arg2[%dma_start3A_24, %dma_start3A_25] : memref<10240x128xf32, #tpu.memory_space<hbm>> -> memref<10240x128xf32, #tpu.memory_space<hbm>>
    tpu.enqueue_indirect_dma source(%dma_start3A_26 : memref<10240x128xf32, #tpu.memory_space<hbm>>) target(%dma_start3A_20 : memref<128x128xf32, #tpu.memory_space<vmem>>) offsets(%dma_start3A_23 : memref<128xi32, #tpu.memory_space<vmem>>) semaphore(%arg11 : memref<!tpu.dma_semaphore, #tpu.memory_space<semaphore_mem>>)
    %scan3A = arith.constant 0 : i32
    %scan3A_27 = arith.constant 0 : i32
    %scan3A_28 = arith.constant 20 : i32
    %scan3A_29 = arith.addi %scan3A_27, %scan3A_28 : i32
    %scan3A_30 = arith.constant 1 : i32
    %scan3A_31 = scf.for %scan3A_114 = %scan3A_27 to %scan3A_29 step %scan3A_30 iter_args(%scan3A_115 = %scan3A) -> (i32)  : i32 {
      %mul3A_116 = arith.constant 2 : i32
      %mul3A_117 = arith.muli %scan3A_114, %mul3A_116 : i32
      %add3A_118 = arith.constant 0 : i32
      %add3A_119 = arith.addi %mul3A_117, %add3A_118 : i32
      %add3A_120 = arith.constant 1 : i32
      %add3A_121 = arith.addi %add3A_119, %add3A_120 : i32
      %lt3A = arith.constant 40 : i32
      %lt3A_122 = arith.cmpi slt, %add3A_121, %lt3A : i32
      %convert_element_type3A_123 = arith.extui %lt3A_122 : i1 to i32
      %cond3A_124 = arith.constant 0 : i32
      %cond3A_125 = arith.cmpi ne, %convert_element_type3A_123, %cond3A_124 : i32
      scf.if %cond3A_125 {
        %ge3A = arith.constant 1 : i32
        %ge3A_182 = arith.cmpi sge, %add3A_119, %ge3A : i32
        %convert_element_type3A_183 = arith.extui %ge3A_182 : i1 to i32
        %cond3A_184 = arith.constant 0 : i32
        %cond3A_185 = arith.cmpi ne, %convert_element_type3A_183, %cond3A_184 : i32
        scf.if %cond3A_185 {
          %sub3A = arith.constant 1 : i32
          %sub3A_199 = arith.subi %add3A_119, %sub3A : i32
          %dma_wait3A_200 = arith.constant 1 : i32
          %dma_wait3A_201 = arith.constant 0 : i32
          %dma_wait3A_202 = arith.constant 0 : i32
          %dma_wait3A_203 = tpu.memref_slice %arg9[%dma_wait3A_200, %dma_wait3A_201, %dma_wait3A_202] : memref<2x128x128xf32, #tpu.memory_space<vmem>> -> memref<1x128x128xf32, #tpu.memory_space<vmem>>
          %dma_wait3A_204 = tpu.memref_squeeze %dma_wait3A_203 : memref<1x128x128xf32, #tpu.memory_space<vmem>> -> memref<128x128xf32, #tpu.memory_space<vmem>>
          %dma_wait3A_205 = arith.constant 0 : i32
          %dma_wait3A_206 = tpu.memref_slice %arg8[%sub3A_199, %dma_wait3A_205] : memref<40x128xi32, #tpu.memory_space<vmem>> -> memref<1x128xi32, #tpu.memory_space<vmem>>
          %dma_wait3A_207 = tpu.memref_squeeze %dma_wait3A_206 : memref<1x128xi32, #tpu.memory_space<vmem>> -> memref<128xi32, #tpu.memory_space<vmem>>
          %dma_wait3A_208 = arith.constant 0 : i32
          %dma_wait3A_209 = arith.constant 0 : i32
          %dma_wait3A_210 = tpu.memref_slice %arg10[%dma_wait3A_208, %dma_wait3A_209] : memref<10240x128xf32, #tpu.memory_space<vmem_shared>> -> memref<10240x128xf32, #tpu.memory_space<vmem_shared>>
          tpu.wait_indirect_dma semaphore(%arg14 : memref<!tpu.dma_semaphore, #tpu.memory_space<semaphore_mem>>) src(%dma_wait3A_204 : memref<128x128xf32, #tpu.memory_space<vmem>>) dst(%dma_wait3A_210 : memref<10240x128xf32, #tpu.memory_space<vmem_shared>>)
        } else {
        }
        %add3A_186 = arith.constant 1 : i32
        %add3A_187 = arith.addi %add3A_119, %add3A_186 : i32
        %dma_start3A_188 = arith.constant 1 : i32
        %dma_start3A_189 = arith.constant 0 : i32
        %dma_start3A_190 = arith.constant 0 : i32
        %dma_start3A_191 = tpu.memref_slice %arg9[%dma_start3A_188, %dma_start3A_189, %dma_start3A_190] : memref<2x128x128xf32, #tpu.memory_space<vmem>> -> memref<1x128x128xf32, #tpu.memory_space<vmem>>
        %dma_start3A_192 = tpu.memref_squeeze %dma_start3A_191 : memref<1x128x128xf32, #tpu.memory_space<vmem>> -> memref<128x128xf32, #tpu.memory_space<vmem>>
        %dma_start3A_193 = arith.constant 0 : i32
        %dma_start3A_194 = tpu.memref_slice %arg7[%add3A_187, %dma_start3A_193] : memref<40x128xi32, #tpu.memory_space<vmem>> -> memref<1x128xi32, #tpu.memory_space<vmem>>
        %dma_start3A_195 = tpu.memref_squeeze %dma_start3A_194 : memref<1x128xi32, #tpu.memory_space<vmem>> -> memref<128xi32, #tpu.memory_space<vmem>>
        %dma_start3A_196 = arith.constant 0 : i32
        %dma_start3A_197 = arith.constant 0 : i32
        %dma_start3A_198 = tpu.memref_slice %arg2[%dma_start3A_196, %dma_start3A_197] : memref<10240x128xf32, #tpu.memory_space<hbm>> -> memref<10240x128xf32, #tpu.memory_space<hbm>>
        tpu.enqueue_indirect_dma source(%dma_start3A_198 : memref<10240x128xf32, #tpu.memory_space<hbm>>) target(%dma_start3A_192 : memref<128x128xf32, #tpu.memory_space<vmem>>) offsets(%dma_start3A_195 : memref<128xi32, #tpu.memory_space<vmem>>) semaphore(%arg12 : memref<!tpu.dma_semaphore, #tpu.memory_space<semaphore_mem>>)
      } else {
      }
      %dma_wait3A_126 = arith.constant 0 : i32
      %dma_wait3A_127 = arith.constant 0 : i32
      %dma_wait3A_128 = arith.constant 0 : i32
      %dma_wait3A_129 = tpu.memref_slice %arg9[%dma_wait3A_126, %dma_wait3A_127, %dma_wait3A_128] : memref<2x128x128xf32, #tpu.memory_space<vmem>> -> memref<1x128x128xf32, #tpu.memory_space<vmem>>
      %dma_wait3A_130 = tpu.memref_squeeze %dma_wait3A_129 : memref<1x128x128xf32, #tpu.memory_space<vmem>> -> memref<128x128xf32, #tpu.memory_space<vmem>>
      %dma_wait3A_131 = arith.constant 0 : i32
      %dma_wait3A_132 = tpu.memref_slice %arg7[%add3A_119, %dma_wait3A_131] : memref<40x128xi32, #tpu.memory_space<vmem>> -> memref<1x128xi32, #tpu.memory_space<vmem>>
      %dma_wait3A_133 = tpu.memref_squeeze %dma_wait3A_132 : memref<1x128xi32, #tpu.memory_space<vmem>> -> memref<128xi32, #tpu.memory_space<vmem>>
      %dma_wait3A_134 = arith.constant 0 : i32
      %dma_wait3A_135 = arith.constant 0 : i32
      %dma_wait3A_136 = tpu.memref_slice %arg2[%dma_wait3A_134, %dma_wait3A_135] : memref<10240x128xf32, #tpu.memory_space<hbm>> -> memref<10240x128xf32, #tpu.memory_space<hbm>>
      tpu.wait_indirect_dma semaphore(%arg11 : memref<!tpu.dma_semaphore, #tpu.memory_space<semaphore_mem>>) src(%dma_wait3A_136 : memref<10240x128xf32, #tpu.memory_space<hbm>>) dst(%dma_wait3A_130 : memref<128x128xf32, #tpu.memory_space<vmem>>)
      %dma_start3A_137 = arith.constant 0 : i32
      %dma_start3A_138 = arith.constant 0 : i32
      %dma_start3A_139 = arith.constant 0 : i32
      %dma_start3A_140 = tpu.memref_slice %arg9[%dma_start3A_137, %dma_start3A_138, %dma_start3A_139] : memref<2x128x128xf32, #tpu.memory_space<vmem>> -> memref<1x128x128xf32, #tpu.memory_space<vmem>>
      %dma_start3A_141 = tpu.memref_squeeze %dma_start3A_140 : memref<1x128x128xf32, #tpu.memory_space<vmem>> -> memref<128x128xf32, #tpu.memory_space<vmem>>
      %dma_start3A_142 = arith.constant 0 : i32
      %dma_start3A_143 = tpu.memref_slice %arg8[%add3A_119, %dma_start3A_142] : memref<40x128xi32, #tpu.memory_space<vmem>> -> memref<1x128xi32, #tpu.memory_space<vmem>>
      %dma_start3A_144 = tpu.memref_squeeze %dma_start3A_143 : memref<1x128xi32, #tpu.memory_space<vmem>> -> memref<128xi32, #tpu.memory_space<vmem>>
      %dma_start3A_145 = arith.constant 0 : i32
      %dma_start3A_146 = arith.constant 0 : i32
      %dma_start3A_147 = tpu.memref_slice %arg10[%dma_start3A_145, %dma_start3A_146] : memref<10240x128xf32, #tpu.memory_space<vmem_shared>> -> memref<10240x128xf32, #tpu.memory_space<vmem_shared>>
      tpu.enqueue_indirect_dma source(%dma_start3A_141 : memref<128x128xf32, #tpu.memory_space<vmem>>) target(%dma_start3A_147 : memref<10240x128xf32, #tpu.memory_space<vmem_shared>>) offsets(%dma_start3A_144 : memref<128xi32, #tpu.memory_space<vmem>>) semaphore(%arg13 : memref<!tpu.dma_semaphore, #tpu.memory_space<semaphore_mem>>) {add = true}
      %mul3A_148 = arith.constant 2 : i32
      %mul3A_149 = arith.muli %scan3A_114, %mul3A_148 : i32
      %add3A_150 = arith.constant 1 : i32
      %add3A_151 = arith.addi %mul3A_149, %add3A_150 : i32
      %add3A_152 = arith.constant 1 : i32
      %add3A_153 = arith.addi %add3A_151, %add3A_152 : i32
      %lt3A_154 = arith.constant 40 : i32
      %lt3A_155 = arith.cmpi slt, %add3A_153, %lt3A_154 : i32
      %convert_element_type3A_156 = arith.extui %lt3A_155 : i1 to i32
      %cond3A_157 = arith.constant 0 : i32
      %cond3A_158 = arith.cmpi ne, %convert_element_type3A_156, %cond3A_157 : i32
      scf.if %cond3A_158 {
        %ge3A = arith.constant 1 : i32
        %ge3A_182 = arith.cmpi sge, %add3A_151, %ge3A : i32
        %convert_element_type3A_183 = arith.extui %ge3A_182 : i1 to i32
        %cond3A_184 = arith.constant 0 : i32
        %cond3A_185 = arith.cmpi ne, %convert_element_type3A_183, %cond3A_184 : i32
        scf.if %cond3A_185 {
          %sub3A = arith.constant 1 : i32
          %sub3A_199 = arith.subi %add3A_151, %sub3A : i32
          %dma_wait3A_200 = arith.constant 0 : i32
          %dma_wait3A_201 = arith.constant 0 : i32
          %dma_wait3A_202 = arith.constant 0 : i32
          %dma_wait3A_203 = tpu.memref_slice %arg9[%dma_wait3A_200, %dma_wait3A_201, %dma_wait3A_202] : memref<2x128x128xf32, #tpu.memory_space<vmem>> -> memref<1x128x128xf32, #tpu.memory_space<vmem>>
          %dma_wait3A_204 = tpu.memref_squeeze %dma_wait3A_203 : memref<1x128x128xf32, #tpu.memory_space<vmem>> -> memref<128x128xf32, #tpu.memory_space<vmem>>
          %dma_wait3A_205 = arith.constant 0 : i32
          %dma_wait3A_206 = tpu.memref_slice %arg8[%sub3A_199, %dma_wait3A_205] : memref<40x128xi32, #tpu.memory_space<vmem>> -> memref<1x128xi32, #tpu.memory_space<vmem>>
          %dma_wait3A_207 = tpu.memref_squeeze %dma_wait3A_206 : memref<1x128xi32, #tpu.memory_space<vmem>> -> memref<128xi32, #tpu.memory_space<vmem>>
          %dma_wait3A_208 = arith.constant 0 : i32
          %dma_wait3A_209 = arith.constant 0 : i32
          %dma_wait3A_210 = tpu.memref_slice %arg10[%dma_wait3A_208, %dma_wait3A_209] : memref<10240x128xf32, #tpu.memory_space<vmem_shared>> -> memref<10240x128xf32, #tpu.memory_space<vmem_shared>>
          tpu.wait_indirect_dma semaphore(%arg13 : memref<!tpu.dma_semaphore, #tpu.memory_space<semaphore_mem>>) src(%dma_wait3A_204 : memref<128x128xf32, #tpu.memory_space<vmem>>) dst(%dma_wait3A_210 : memref<10240x128xf32, #tpu.memory_space<vmem_shared>>)
        } else {
        }
        %add3A_186 = arith.constant 1 : i32
        %add3A_187 = arith.addi %add3A_151, %add3A_186 : i32
        %dma_start3A_188 = arith.constant 0 : i32
        %dma_start3A_189 = arith.constant 0 : i32
        %dma_start3A_190 = arith.constant 0 : i32
        %dma_start3A_191 = tpu.memref_slice %arg9[%dma_start3A_188, %dma_start3A_189, %dma_start3A_190] : memref<2x128x128xf32, #tpu.memory_space<vmem>> -> memref<1x128x128xf32, #tpu.memory_space<vmem>>
        %dma_start3A_192 = tpu.memref_squeeze %dma_start3A_191 : memref<1x128x128xf32, #tpu.memory_space<vmem>> -> memref<128x128xf32, #tpu.memory_space<vmem>>
        %dma_start3A_193 = arith.constant 0 : i32
        %dma_start3A_194 = tpu.memref_slice %arg7[%add3A_187, %dma_start3A_193] : memref<40x128xi32, #tpu.memory_space<vmem>> -> memref<1x128xi32, #tpu.memory_space<vmem>>
        %dma_start3A_195 = tpu.memref_squeeze %dma_start3A_194 : memref<1x128xi32, #tpu.memory_space<vmem>> -> memref<128xi32, #tpu.memory_space<vmem>>
        %dma_start3A_196 = arith.constant 0 : i32
        %dma_start3A_197 = arith.constant 0 : i32
        %dma_start3A_198 = tpu.memref_slice %arg2[%dma_start3A_196, %dma_start3A_197] : memref<10240x128xf32, #tpu.memory_space<hbm>> -> memref<10240x128xf32, #tpu.memory_space<hbm>>
        tpu.enqueue_indirect_dma source(%dma_start3A_198 : memref<10240x128xf32, #tpu.memory_space<hbm>>) target(%dma_start3A_192 : memref<128x128xf32, #tpu.memory_space<vmem>>) offsets(%dma_start3A_195 : memref<128xi32, #tpu.memory_space<vmem>>) semaphore(%arg11 : memref<!tpu.dma_semaphore, #tpu.memory_space<semaphore_mem>>)
      } else {
      }
      %dma_wait3A_159 = arith.constant 1 : i32
      %dma_wait3A_160 = arith.constant 0 : i32
      %dma_wait3A_161 = arith.constant 0 : i32
      %dma_wait3A_162 = tpu.memref_slice %arg9[%dma_wait3A_159, %dma_wait3A_160, %dma_wait3A_161] : memref<2x128x128xf32, #tpu.memory_space<vmem>> -> memref<1x128x128xf32, #tpu.memory_space<vmem>>
      %dma_wait3A_163 = tpu.memref_squeeze %dma_wait3A_162 : memref<1x128x128xf32, #tpu.memory_space<vmem>> -> memref<128x128xf32, #tpu.memory_space<vmem>>
      %dma_wait3A_164 = arith.constant 0 : i32
      %dma_wait3A_165 = tpu.memref_slice %arg7[%add3A_151, %dma_wait3A_164] : memref<40x128xi32, #tpu.memory_space<vmem>> -> memref<1x128xi32, #tpu.memory_space<vmem>>
      %dma_wait3A_166 = tpu.memref_squeeze %dma_wait3A_165 : memref<1x128xi32, #tpu.memory_space<vmem>> -> memref<128xi32, #tpu.memory_space<vmem>>
      %dma_wait3A_167 = arith.constant 0 : i32
      %dma_wait3A_168 = arith.constant 0 : i32
      %dma_wait3A_169 = tpu.memref_slice %arg2[%dma_wait3A_167, %dma_wait3A_168] : memref<10240x128xf32, #tpu.memory_space<hbm>> -> memref<10240x128xf32, #tpu.memory_space<hbm>>
      tpu.wait_indirect_dma semaphore(%arg12 : memref<!tpu.dma_semaphore, #tpu.memory_space<semaphore_mem>>) src(%dma_wait3A_169 : memref<10240x128xf32, #tpu.memory_space<hbm>>) dst(%dma_wait3A_163 : memref<128x128xf32, #tpu.memory_space<vmem>>)
      %dma_start3A_170 = arith.constant 1 : i32
      %dma_start3A_171 = arith.constant 0 : i32
      %dma_start3A_172 = arith.constant 0 : i32
      %dma_start3A_173 = tpu.memref_slice %arg9[%dma_start3A_170, %dma_start3A_171, %dma_start3A_172] : memref<2x128x128xf32, #tpu.memory_space<vmem>> -> memref<1x128x128xf32, #tpu.memory_space<vmem>>
      %dma_start3A_174 = tpu.memref_squeeze %dma_start3A_173 : memref<1x128x128xf32, #tpu.memory_space<vmem>> -> memref<128x128xf32, #tpu.memory_space<vmem>>
      %dma_start3A_175 = arith.constant 0 : i32
      %dma_start3A_176 = tpu.memref_slice %arg8[%add3A_151, %dma_start3A_175] : memref<40x128xi32, #tpu.memory_space<vmem>> -> memref<1x128xi32, #tpu.memory_space<vmem>>
      %dma_start3A_177 = tpu.memref_squeeze %dma_start3A_176 : memref<1x128xi32, #tpu.memory_space<vmem>> -> memref<128xi32, #tpu.memory_space<vmem>>
      %dma_start3A_178 = arith.constant 0 : i32
      %dma_start3A_179 = arith.constant 0 : i32
      %dma_start3A_180 = tpu.memref_slice %arg10[%dma_start3A_178, %dma_start3A_179] : memref<10240x128xf32, #tpu.memory_space<vmem_shared>> -> memref<10240x128xf32, #tpu.memory_space<vmem_shared>>
      tpu.enqueue_indirect_dma source(%dma_start3A_174 : memref<128x128xf32, #tpu.memory_space<vmem>>) target(%dma_start3A_180 : memref<10240x128xf32, #tpu.memory_space<vmem_shared>>) offsets(%dma_start3A_177 : memref<128xi32, #tpu.memory_space<vmem>>) semaphore(%arg14 : memref<!tpu.dma_semaphore, #tpu.memory_space<semaphore_mem>>) {add = true}
      %scan3A_181 = arith.constant 0 : i32
      scf.yield %scan3A_181 : i32
    }
    %scan3A_32 = arith.constant 20 : i32
    %dma_wait3A = arith.constant 0 : i32
    %dma_wait3A_33 = arith.constant 38 : i32
    %dma_wait3A_34 = arith.constant 0 : i32
    %dma_wait3A_35 = arith.constant 0 : i32
    %dma_wait3A_36 = tpu.memref_slice %arg9[%dma_wait3A, %dma_wait3A_34, %dma_wait3A_35] : memref<2x128x128xf32, #tpu.memory_space<vmem>> -> memref<1x128x128xf32, #tpu.memory_space<vmem>>
    %dma_wait3A_37 = tpu.memref_squeeze %dma_wait3A_36 : memref<1x128x128xf32, #tpu.memory_space<vmem>> -> memref<128x128xf32, #tpu.memory_space<vmem>>
    %dma_wait3A_38 = arith.constant 0 : i32
    %dma_wait3A_39 = tpu.memref_slice %arg8[%dma_wait3A_33, %dma_wait3A_38] : memref<40x128xi32, #tpu.memory_space<vmem>> -> memref<1x128xi32, #tpu.memory_space<vmem>>
    %dma_wait3A_40 = tpu.memref_squeeze %dma_wait3A_39 : memref<1x128xi32, #tpu.memory_space<vmem>> -> memref<128xi32, #tpu.memory_space<vmem>>
    %dma_wait3A_41 = arith.constant 0 : i32
    %dma_wait3A_42 = arith.constant 0 : i32
    %dma_wait3A_43 = tpu.memref_slice %arg10[%dma_wait3A_41, %dma_wait3A_42] : memref<10240x128xf32, #tpu.memory_space<vmem_shared>> -> memref<10240x128xf32, #tpu.memory_space<vmem_shared>>
    tpu.wait_indirect_dma semaphore(%arg13 : memref<!tpu.dma_semaphore, #tpu.memory_space<semaphore_mem>>) src(%dma_wait3A_37 : memref<128x128xf32, #tpu.memory_space<vmem>>) dst(%dma_wait3A_43 : memref<10240x128xf32, #tpu.memory_space<vmem_shared>>)
    %dma_wait3A_44 = arith.constant 1 : i32
    %dma_wait3A_45 = arith.constant 39 : i32
    %dma_wait3A_46 = arith.constant 0 : i32
    %dma_wait3A_47 = arith.constant 0 : i32
    %dma_wait3A_48 = tpu.memref_slice %arg9[%dma_wait3A_44, %dma_wait3A_46, %dma_wait3A_47] : memref<2x128x128xf32, #tpu.memory_space<vmem>> -> memref<1x128x128xf32, #tpu.memory_space<vmem>>
    %dma_wait3A_49 = tpu.memref_squeeze %dma_wait3A_48 : memref<1x128x128xf32, #tpu.memory_space<vmem>> -> memref<128x128xf32, #tpu.memory_space<vmem>>
    %dma_wait3A_50 = arith.constant 0 : i32
    %dma_wait3A_51 = tpu.memref_slice %arg8[%dma_wait3A_45, %dma_wait3A_50] : memref<40x128xi32, #tpu.memory_space<vmem>> -> memref<1x128xi32, #tpu.memory_space<vmem>>
    %dma_wait3A_52 = tpu.memref_squeeze %dma_wait3A_51 : memref<1x128xi32, #tpu.memory_space<vmem>> -> memref<128xi32, #tpu.memory_space<vmem>>
    %dma_wait3A_53 = arith.constant 0 : i32
    %dma_wait3A_54 = arith.constant 0 : i32
    %dma_wait3A_55 = tpu.memref_slice %arg10[%dma_wait3A_53, %dma_wait3A_54] : memref<10240x128xf32, #tpu.memory_space<vmem_shared>> -> memref<10240x128xf32, #tpu.memory_space<vmem_shared>>
    tpu.wait_indirect_dma semaphore(%arg14 : memref<!tpu.dma_semaphore, #tpu.memory_space<semaphore_mem>>) src(%dma_wait3A_49 : memref<128x128xf32, #tpu.memory_space<vmem>>) dst(%dma_wait3A_55 : memref<10240x128xf32, #tpu.memory_space<vmem_shared>>)
    %add3A_56 = arith.constant 40 : i32
    %add3A_57 = arith.addi %add3A, %add3A_56 : i32
    "tpu.region"() ({
      %run_scoped3A = tpu.sem_alloc : memref<!tpu.dma_semaphore, #tpu.memory_space<semaphore_mem>>
      %dma_start3A_114 = arith.constant 0 : i32
      %dma_start3A_115 = tpu.memref_slice %arg3[%add3A_57, %dma_start3A_114] : memref<2560x128xi32, #tpu.memory_space<hbm>> -> memref<40x128xi32, #tpu.memory_space<hbm>>
      %dma_start3A_116 = arith.constant 0 : i32
      %dma_start3A_117 = tpu.memref_slice %arg3[%add3A_57, %dma_start3A_116] : memref<2560x128xi32, #tpu.memory_space<hbm>> -> memref<40x128xi32, #tpu.memory_space<hbm>>
      tpu.enqueue_dma source(%dma_start3A_117 : memref<40x128xi32, #tpu.memory_space<hbm>>) target(%arg7 : memref<40x128xi32, #tpu.memory_space<vmem>>) target_semaphore(%run_scoped3A : memref<!tpu.dma_semaphore, #tpu.memory_space<semaphore_mem>>)
      %dma_wait3A_118 = arith.constant 0 : i32
      %dma_wait3A_119 = tpu.memref_slice %arg3[%add3A_57, %dma_wait3A_118] : memref<2560x128xi32, #tpu.memory_space<hbm>> -> memref<40x128xi32, #tpu.memory_space<hbm>>
      %dma_wait3A_120 = arith.constant 0 : i32
      %dma_wait3A_121 = tpu.memref_slice %arg3[%add3A_57, %dma_wait3A_120] : memref<2560x128xi32, #tpu.memory_space<hbm>> -> memref<40x128xi32, #tpu.memory_space<hbm>>
      tpu.wait_dma2 semaphore(%run_scoped3A : memref<!tpu.dma_semaphore, #tpu.memory_space<semaphore_mem>>) src(%dma_wait3A_121 : memref<40x128xi32, #tpu.memory_space<hbm>>) dst(%arg7 : memref<40x128xi32, #tpu.memory_space<vmem>>)
      tpu.yield
    }) : () -> ()
    %add3A_58 = arith.constant 40 : i32
    %add3A_59 = arith.addi %add3A, %add3A_58 : i32
    "tpu.region"() ({
      %run_scoped3A = tpu.sem_alloc : memref<!tpu.dma_semaphore, #tpu.memory_space<semaphore_mem>>
      %dma_start3A_114 = arith.constant 0 : i32
      %dma_start3A_115 = tpu.memref_slice %arg4[%add3A_59, %dma_start3A_114] : memref<2560x128xi32, #tpu.memory_space<hbm>> -> memref<40x128xi32, #tpu.memory_space<hbm>>
      %dma_start3A_116 = arith.constant 0 : i32
      %dma_start3A_117 = tpu.memref_slice %arg4[%add3A_59, %dma_start3A_116] : memref<2560x128xi32, #tpu.memory_space<hbm>> -> memref<40x128xi32, #tpu.memory_space<hbm>>
      tpu.enqueue_dma source(%dma_start3A_117 : memref<40x128xi32, #tpu.memory_space<hbm>>) target(%arg8 : memref<40x128xi32, #tpu.memory_space<vmem>>) target_semaphore(%run_scoped3A : memref<!tpu.dma_semaphore, #tpu.memory_space<semaphore_mem>>)
      %dma_wait3A_118 = arith.constant 0 : i32
      %dma_wait3A_119 = tpu.memref_slice %arg4[%add3A_59, %dma_wait3A_118] : memref<2560x128xi32, #tpu.memory_space<hbm>> -> memref<40x128xi32, #tpu.memory_space<hbm>>
      %dma_wait3A_120 = arith.constant 0 : i32
      %dma_wait3A_121 = tpu.memref_slice %arg4[%add3A_59, %dma_wait3A_120] : memref<2560x128xi32, #tpu.memory_space<hbm>> -> memref<40x128xi32, #tpu.memory_space<hbm>>
      tpu.wait_dma2 semaphore(%run_scoped3A : memref<!tpu.dma_semaphore, #tpu.memory_space<semaphore_mem>>) src(%dma_wait3A_121 : memref<40x128xi32, #tpu.memory_space<hbm>>) dst(%arg8 : memref<40x128xi32, #tpu.memory_space<vmem>>)
      tpu.yield
    }) : () -> ()
    %dma_start3A_60 = arith.constant 0 : i32
    %dma_start3A_61 = arith.constant 0 : i32
    %dma_start3A_62 = arith.constant 0 : i32
    %dma_start3A_63 = arith.constant 0 : i32
    %dma_start3A_64 = tpu.memref_slice %arg9[%dma_start3A_61, %dma_start3A_62, %dma_start3A_63] : memref<2x128x128xf32, #tpu.memory_space<vmem>> -> memref<1x128x128xf32, #tpu.memory_space<vmem>>
    %dma_start3A_65 = tpu.memref_squeeze %dma_start3A_64 : memref<1x128x128xf32, #tpu.memory_space<vmem>> -> memref<128x128xf32, #tpu.memory_space<vmem>>
    %dma_start3A_66 = arith.constant 0 : i32
    %dma_start3A_67 = tpu.memref_slice %arg7[%dma_start3A_60, %dma_start3A_66] : memref<40x128xi32, #tpu.memory_space<vmem>> -> memref<1x128xi32, #tpu.memory_space<vmem>>
    %dma_start3A_68 = tpu.memref_squeeze %dma_start3A_67 : memref<1x128xi32, #tpu.memory_space<vmem>> -> memref<128xi32, #tpu.memory_space<vmem>>
    %dma_start3A_69 = arith.constant 0 : i32
    %dma_start3A_70 = arith.constant 0 : i32
    %dma_start3A_71 = tpu.memref_slice %arg2[%dma_start3A_69, %dma_start3A_70] : memref<10240x128xf32, #tpu.memory_space<hbm>> -> memref<10240x128xf32, #tpu.memory_space<hbm>>
    tpu.enqueue_indirect_dma source(%dma_start3A_71 : memref<10240x128xf32, #tpu.memory_space<hbm>>) target(%dma_start3A_65 : memref<128x128xf32, #tpu.memory_space<vmem>>) offsets(%dma_start3A_68 : memref<128xi32, #tpu.memory_space<vmem>>) semaphore(%arg11 : memref<!tpu.dma_semaphore, #tpu.memory_space<semaphore_mem>>)
    %scan3A_72 = arith.constant 0 : i32
    %scan3A_73 = arith.constant 0 : i32
    %scan3A_74 = arith.constant 20 : i32
    %scan3A_75 = arith.addi %scan3A_73, %scan3A_74 : i32
    %scan3A_76 = arith.constant 1 : i32
    %scan3A_77 = scf.for %scan3A_114 = %scan3A_73 to %scan3A_75 step %scan3A_76 iter_args(%scan3A_115 = %scan3A_72) -> (i32)  : i32 {
      %mul3A_116 = arith.constant 2 : i32
      %mul3A_117 = arith.muli %scan3A_114, %mul3A_116 : i32
      %add3A_118 = arith.constant 0 : i32
      %add3A_119 = arith.addi %mul3A_117, %add3A_118 : i32
      %add3A_120 = arith.constant 1 : i32
      %add3A_121 = arith.addi %add3A_119, %add3A_120 : i32
      %lt3A = arith.constant 40 : i32
      %lt3A_122 = arith.cmpi slt, %add3A_121, %lt3A : i32
      %convert_element_type3A_123 = arith.extui %lt3A_122 : i1 to i32
      %cond3A_124 = arith.constant 0 : i32
      %cond3A_125 = arith.cmpi ne, %convert_element_type3A_123, %cond3A_124 : i32
      scf.if %cond3A_125 {
        %ge3A = arith.constant 1 : i32
        %ge3A_182 = arith.cmpi sge, %add3A_119, %ge3A : i32
        %convert_element_type3A_183 = arith.extui %ge3A_182 : i1 to i32
        %cond3A_184 = arith.constant 0 : i32
        %cond3A_185 = arith.cmpi ne, %convert_element_type3A_183, %cond3A_184 : i32
        scf.if %cond3A_185 {
          %sub3A = arith.constant 1 : i32
          %sub3A_199 = arith.subi %add3A_119, %sub3A : i32
          %dma_wait3A_200 = arith.constant 1 : i32
          %dma_wait3A_201 = arith.constant 0 : i32
          %dma_wait3A_202 = arith.constant 0 : i32
          %dma_wait3A_203 = tpu.memref_slice %arg9[%dma_wait3A_200, %dma_wait3A_201, %dma_wait3A_202] : memref<2x128x128xf32, #tpu.memory_space<vmem>> -> memref<1x128x128xf32, #tpu.memory_space<vmem>>
          %dma_wait3A_204 = tpu.memref_squeeze %dma_wait3A_203 : memref<1x128x128xf32, #tpu.memory_space<vmem>> -> memref<128x128xf32, #tpu.memory_space<vmem>>
          %dma_wait3A_205 = arith.constant 0 : i32
          %dma_wait3A_206 = tpu.memref_slice %arg8[%sub3A_199, %dma_wait3A_205] : memref<40x128xi32, #tpu.memory_space<vmem>> -> memref<1x128xi32, #tpu.memory_space<vmem>>
          %dma_wait3A_207 = tpu.memref_squeeze %dma_wait3A_206 : memref<1x128xi32, #tpu.memory_space<vmem>> -> memref<128xi32, #tpu.memory_space<vmem>>
          %dma_wait3A_208 = arith.constant 0 : i32
          %dma_wait3A_209 = arith.constant 0 : i32
          %dma_wait3A_210 = tpu.memref_slice %arg10[%dma_wait3A_208, %dma_wait3A_209] : memref<10240x128xf32, #tpu.memory_space<vmem_shared>> -> memref<10240x128xf32, #tpu.memory_space<vmem_shared>>
          tpu.wait_indirect_dma semaphore(%arg14 : memref<!tpu.dma_semaphore, #tpu.memory_space<semaphore_mem>>) src(%dma_wait3A_204 : memref<128x128xf32, #tpu.memory_space<vmem>>) dst(%dma_wait3A_210 : memref<10240x128xf32, #tpu.memory_space<vmem_shared>>)
        } else {
        }
        %add3A_186 = arith.constant 1 : i32
        %add3A_187 = arith.addi %add3A_119, %add3A_186 : i32
        %dma_start3A_188 = arith.constant 1 : i32
        %dma_start3A_189 = arith.constant 0 : i32
        %dma_start3A_190 = arith.constant 0 : i32
        %dma_start3A_191 = tpu.memref_slice %arg9[%dma_start3A_188, %dma_start3A_189, %dma_start3A_190] : memref<2x128x128xf32, #tpu.memory_space<vmem>> -> memref<1x128x128xf32, #tpu.memory_space<vmem>>
        %dma_start3A_192 = tpu.memref_squeeze %dma_start3A_191 : memref<1x128x128xf32, #tpu.memory_space<vmem>> -> memref<128x128xf32, #tpu.memory_space<vmem>>
        %dma_start3A_193 = arith.constant 0 : i32
        %dma_start3A_194 = tpu.memref_slice %arg7[%add3A_187, %dma_start3A_193] : memref<40x128xi32, #tpu.memory_space<vmem>> -> memref<1x128xi32, #tpu.memory_space<vmem>>
        %dma_start3A_195 = tpu.memref_squeeze %dma_start3A_194 : memref<1x128xi32, #tpu.memory_space<vmem>> -> memref<128xi32, #tpu.memory_space<vmem>>
        %dma_start3A_196 = arith.constant 0 : i32
        %dma_start3A_197 = arith.constant 0 : i32
        %dma_start3A_198 = tpu.memref_slice %arg2[%dma_start3A_196, %dma_start3A_197] : memref<10240x128xf32, #tpu.memory_space<hbm>> -> memref<10240x128xf32, #tpu.memory_space<hbm>>
        tpu.enqueue_indirect_dma source(%dma_start3A_198 : memref<10240x128xf32, #tpu.memory_space<hbm>>) target(%dma_start3A_192 : memref<128x128xf32, #tpu.memory_space<vmem>>) offsets(%dma_start3A_195 : memref<128xi32, #tpu.memory_space<vmem>>) semaphore(%arg12 : memref<!tpu.dma_semaphore, #tpu.memory_space<semaphore_mem>>)
      } else {
      }
      %dma_wait3A_126 = arith.constant 0 : i32
      %dma_wait3A_127 = arith.constant 0 : i32
      %dma_wait3A_128 = arith.constant 0 : i32
      %dma_wait3A_129 = tpu.memref_slice %arg9[%dma_wait3A_126, %dma_wait3A_127, %dma_wait3A_128] : memref<2x128x128xf32, #tpu.memory_space<vmem>> -> memref<1x128x128xf32, #tpu.memory_space<vmem>>
      %dma_wait3A_130 = tpu.memref_squeeze %dma_wait3A_129 : memref<1x128x128xf32, #tpu.memory_space<vmem>> -> memref<128x128xf32, #tpu.memory_space<vmem>>
      %dma_wait3A_131 = arith.constant 0 : i32
      %dma_wait3A_132 = tpu.memref_slice %arg7[%add3A_119, %dma_wait3A_131] : memref<40x128xi32, #tpu.memory_space<vmem>> -> memref<1x128xi32, #tpu.memory_space<vmem>>
      %dma_wait3A_133 = tpu.memref_squeeze %dma_wait3A_132 : memref<1x128xi32, #tpu.memory_space<vmem>> -> memref<128xi32, #tpu.memory_space<vmem>>
      %dma_wait3A_134 = arith.constant 0 : i32
      %dma_wait3A_135 = arith.constant 0 : i32
      %dma_wait3A_136 = tpu.memref_slice %arg2[%dma_wait3A_134, %dma_wait3A_135] : memref<10240x128xf32, #tpu.memory_space<hbm>> -> memref<10240x128xf32, #tpu.memory_space<hbm>>
      tpu.wait_indirect_dma semaphore(%arg11 : memref<!tpu.dma_semaphore, #tpu.memory_space<semaphore_mem>>) src(%dma_wait3A_136 : memref<10240x128xf32, #tpu.memory_space<hbm>>) dst(%dma_wait3A_130 : memref<128x128xf32, #tpu.memory_space<vmem>>)
      %dma_start3A_137 = arith.constant 0 : i32
      %dma_start3A_138 = arith.constant 0 : i32
      %dma_start3A_139 = arith.constant 0 : i32
      %dma_start3A_140 = tpu.memref_slice %arg9[%dma_start3A_137, %dma_start3A_138, %dma_start3A_139] : memref<2x128x128xf32, #tpu.memory_space<vmem>> -> memref<1x128x128xf32, #tpu.memory_space<vmem>>
      %dma_start3A_141 = tpu.memref_squeeze %dma_start3A_140 : memref<1x128x128xf32, #tpu.memory_space<vmem>> -> memref<128x128xf32, #tpu.memory_space<vmem>>
      %dma_start3A_142 = arith.constant 0 : i32
      %dma_start3A_143 = tpu.memref_slice %arg8[%add3A_119, %dma_start3A_142] : memref<40x128xi32, #tpu.memory_space<vmem>> -> memref<1x128xi32, #tpu.memory_space<vmem>>
      %dma_start3A_144 = tpu.memref_squeeze %dma_start3A_143 : memref<1x128xi32, #tpu.memory_space<vmem>> -> memref<128xi32, #tpu.memory_space<vmem>>
      %dma_start3A_145 = arith.constant 0 : i32
      %dma_start3A_146 = arith.constant 0 : i32
      %dma_start3A_147 = tpu.memref_slice %arg10[%dma_start3A_145, %dma_start3A_146] : memref<10240x128xf32, #tpu.memory_space<vmem_shared>> -> memref<10240x128xf32, #tpu.memory_space<vmem_shared>>
      tpu.enqueue_indirect_dma source(%dma_start3A_141 : memref<128x128xf32, #tpu.memory_space<vmem>>) target(%dma_start3A_147 : memref<10240x128xf32, #tpu.memory_space<vmem_shared>>) offsets(%dma_start3A_144 : memref<128xi32, #tpu.memory_space<vmem>>) semaphore(%arg13 : memref<!tpu.dma_semaphore, #tpu.memory_space<semaphore_mem>>) {add = true}
      %mul3A_148 = arith.constant 2 : i32
      %mul3A_149 = arith.muli %scan3A_114, %mul3A_148 : i32
      %add3A_150 = arith.constant 1 : i32
      %add3A_151 = arith.addi %mul3A_149, %add3A_150 : i32
      %add3A_152 = arith.constant 1 : i32
      %add3A_153 = arith.addi %add3A_151, %add3A_152 : i32
      %lt3A_154 = arith.constant 40 : i32
      %lt3A_155 = arith.cmpi slt, %add3A_153, %lt3A_154 : i32
      %convert_element_type3A_156 = arith.extui %lt3A_155 : i1 to i32
      %cond3A_157 = arith.constant 0 : i32
      %cond3A_158 = arith.cmpi ne, %convert_element_type3A_156, %cond3A_157 : i32
      scf.if %cond3A_158 {
        %ge3A = arith.constant 1 : i32
        %ge3A_182 = arith.cmpi sge, %add3A_151, %ge3A : i32
        %convert_element_type3A_183 = arith.extui %ge3A_182 : i1 to i32
        %cond3A_184 = arith.constant 0 : i32
        %cond3A_185 = arith.cmpi ne, %convert_element_type3A_183, %cond3A_184 : i32
        scf.if %cond3A_185 {
          %sub3A = arith.constant 1 : i32
          %sub3A_199 = arith.subi %add3A_151, %sub3A : i32
          %dma_wait3A_200 = arith.constant 0 : i32
          %dma_wait3A_201 = arith.constant 0 : i32
          %dma_wait3A_202 = arith.constant 0 : i32
          %dma_wait3A_203 = tpu.memref_slice %arg9[%dma_wait3A_200, %dma_wait3A_201, %dma_wait3A_202] : memref<2x128x128xf32, #tpu.memory_space<vmem>> -> memref<1x128x128xf32, #tpu.memory_space<vmem>>
          %dma_wait3A_204 = tpu.memref_squeeze %dma_wait3A_203 : memref<1x128x128xf32, #tpu.memory_space<vmem>> -> memref<128x128xf32, #tpu.memory_space<vmem>>
          %dma_wait3A_205 = arith.constant 0 : i32
          %dma_wait3A_206 = tpu.memref_slice %arg8[%sub3A_199, %dma_wait3A_205] : memref<40x128xi32, #tpu.memory_space<vmem>> -> memref<1x128xi32, #tpu.memory_space<vmem>>
          %dma_wait3A_207 = tpu.memref_squeeze %dma_wait3A_206 : memref<1x128xi32, #tpu.memory_space<vmem>> -> memref<128xi32, #tpu.memory_space<vmem>>
          %dma_wait3A_208 = arith.constant 0 : i32
          %dma_wait3A_209 = arith.constant 0 : i32
          %dma_wait3A_210 = tpu.memref_slice %arg10[%dma_wait3A_208, %dma_wait3A_209] : memref<10240x128xf32, #tpu.memory_space<vmem_shared>> -> memref<10240x128xf32, #tpu.memory_space<vmem_shared>>
          tpu.wait_indirect_dma semaphore(%arg13 : memref<!tpu.dma_semaphore, #tpu.memory_space<semaphore_mem>>) src(%dma_wait3A_204 : memref<128x128xf32, #tpu.memory_space<vmem>>) dst(%dma_wait3A_210 : memref<10240x128xf32, #tpu.memory_space<vmem_shared>>)
        } else {
        }
        %add3A_186 = arith.constant 1 : i32
        %add3A_187 = arith.addi %add3A_151, %add3A_186 : i32
        %dma_start3A_188 = arith.constant 0 : i32
        %dma_start3A_189 = arith.constant 0 : i32
        %dma_start3A_190 = arith.constant 0 : i32
        %dma_start3A_191 = tpu.memref_slice %arg9[%dma_start3A_188, %dma_start3A_189, %dma_start3A_190] : memref<2x128x128xf32, #tpu.memory_space<vmem>> -> memref<1x128x128xf32, #tpu.memory_space<vmem>>
        %dma_start3A_192 = tpu.memref_squeeze %dma_start3A_191 : memref<1x128x128xf32, #tpu.memory_space<vmem>> -> memref<128x128xf32, #tpu.memory_space<vmem>>
        %dma_start3A_193 = arith.constant 0 : i32
        %dma_start3A_194 = tpu.memref_slice %arg7[%add3A_187, %dma_start3A_193] : memref<40x128xi32, #tpu.memory_space<vmem>> -> memref<1x128xi32, #tpu.memory_space<vmem>>
        %dma_start3A_195 = tpu.memref_squeeze %dma_start3A_194 : memref<1x128xi32, #tpu.memory_space<vmem>> -> memref<128xi32, #tpu.memory_space<vmem>>
        %dma_start3A_196 = arith.constant 0 : i32
        %dma_start3A_197 = arith.constant 0 : i32
        %dma_start3A_198 = tpu.memref_slice %arg2[%dma_start3A_196, %dma_start3A_197] : memref<10240x128xf32, #tpu.memory_space<hbm>> -> memref<10240x128xf32, #tpu.memory_space<hbm>>
        tpu.enqueue_indirect_dma source(%dma_start3A_198 : memref<10240x128xf32, #tpu.memory_space<hbm>>) target(%dma_start3A_192 : memref<128x128xf32, #tpu.memory_space<vmem>>) offsets(%dma_start3A_195 : memref<128xi32, #tpu.memory_space<vmem>>) semaphore(%arg11 : memref<!tpu.dma_semaphore, #tpu.memory_space<semaphore_mem>>)
      } else {
      }
      %dma_wait3A_159 = arith.constant 1 : i32
      %dma_wait3A_160 = arith.constant 0 : i32
      %dma_wait3A_161 = arith.constant 0 : i32
      %dma_wait3A_162 = tpu.memref_slice %arg9[%dma_wait3A_159, %dma_wait3A_160, %dma_wait3A_161] : memref<2x128x128xf32, #tpu.memory_space<vmem>> -> memref<1x128x128xf32, #tpu.memory_space<vmem>>
      %dma_wait3A_163 = tpu.memref_squeeze %dma_wait3A_162 : memref<1x128x128xf32, #tpu.memory_space<vmem>> -> memref<128x128xf32, #tpu.memory_space<vmem>>
      %dma_wait3A_164 = arith.constant 0 : i32
      %dma_wait3A_165 = tpu.memref_slice %arg7[%add3A_151, %dma_wait3A_164] : memref<40x128xi32, #tpu.memory_space<vmem>> -> memref<1x128xi32, #tpu.memory_space<vmem>>
      %dma_wait3A_166 = tpu.memref_squeeze %dma_wait3A_165 : memref<1x128xi32, #tpu.memory_space<vmem>> -> memref<128xi32, #tpu.memory_space<vmem>>
      %dma_wait3A_167 = arith.constant 0 : i32
      %dma_wait3A_168 = arith.constant 0 : i32
      %dma_wait3A_169 = tpu.memref_slice %arg2[%dma_wait3A_167, %dma_wait3A_168] : memref<10240x128xf32, #tpu.memory_space<hbm>> -> memref<10240x128xf32, #tpu.memory_space<hbm>>
      tpu.wait_indirect_dma semaphore(%arg12 : memref<!tpu.dma_semaphore, #tpu.memory_space<semaphore_mem>>) src(%dma_wait3A_169 : memref<10240x128xf32, #tpu.memory_space<hbm>>) dst(%dma_wait3A_163 : memref<128x128xf32, #tpu.memory_space<vmem>>)
      %dma_start3A_170 = arith.constant 1 : i32
      %dma_start3A_171 = arith.constant 0 : i32
      %dma_start3A_172 = arith.constant 0 : i32
      %dma_start3A_173 = tpu.memref_slice %arg9[%dma_start3A_170, %dma_start3A_171, %dma_start3A_172] : memref<2x128x128xf32, #tpu.memory_space<vmem>> -> memref<1x128x128xf32, #tpu.memory_space<vmem>>
      %dma_start3A_174 = tpu.memref_squeeze %dma_start3A_173 : memref<1x128x128xf32, #tpu.memory_space<vmem>> -> memref<128x128xf32, #tpu.memory_space<vmem>>
      %dma_start3A_175 = arith.constant 0 : i32
      %dma_start3A_176 = tpu.memref_slice %arg8[%add3A_151, %dma_start3A_175] : memref<40x128xi32, #tpu.memory_space<vmem>> -> memref<1x128xi32, #tpu.memory_space<vmem>>
      %dma_start3A_177 = tpu.memref_squeeze %dma_start3A_176 : memref<1x128xi32, #tpu.memory_space<vmem>> -> memref<128xi32, #tpu.memory_space<vmem>>
      %dma_start3A_178 = arith.constant 0 : i32
      %dma_start3A_179 = arith.constant 0 : i32
      %dma_start3A_180 = tpu.memref_slice %arg10[%dma_start3A_178, %dma_start3A_179] : memref<10240x128xf32, #tpu.memory_space<vmem_shared>> -> memref<10240x128xf32, #tpu.memory_space<vmem_shared>>
      tpu.enqueue_indirect_dma source(%dma_start3A_174 : memref<128x128xf32, #tpu.memory_space<vmem>>) target(%dma_start3A_180 : memref<10240x128xf32, #tpu.memory_space<vmem_shared>>) offsets(%dma_start3A_177 : memref<128xi32, #tpu.memory_space<vmem>>) semaphore(%arg14 : memref<!tpu.dma_semaphore, #tpu.memory_space<semaphore_mem>>) {add = true}
      %scan3A_181 = arith.constant 0 : i32
      scf.yield %scan3A_181 : i32
    }
    %scan3A_78 = arith.constant 20 : i32
    %dma_wait3A_79 = arith.constant 0 : i32
    %dma_wait3A_80 = arith.constant 38 : i32
    %dma_wait3A_81 = arith.constant 0 : i32
    %dma_wait3A_82 = arith.constant 0 : i32
    %dma_wait3A_83 = tpu.memref_slice %arg9[%dma_wait3A_79, %dma_wait3A_81, %dma_wait3A_82] : memref<2x128x128xf32, #tpu.memory_space<vmem>> -> memref<1x128x128xf32, #tpu.memory_space<vmem>>
    %dma_wait3A_84 = tpu.memref_squeeze %dma_wait3A_83 : memref<1x128x128xf32, #tpu.memory_space<vmem>> -> memref<128x128xf32, #tpu.memory_space<vmem>>
    %dma_wait3A_85 = arith.constant 0 : i32
    %dma_wait3A_86 = tpu.memref_slice %arg8[%dma_wait3A_80, %dma_wait3A_85] : memref<40x128xi32, #tpu.memory_space<vmem>> -> memref<1x128xi32, #tpu.memory_space<vmem>>
    %dma_wait3A_87 = tpu.memref_squeeze %dma_wait3A_86 : memref<1x128xi32, #tpu.memory_space<vmem>> -> memref<128xi32, #tpu.memory_space<vmem>>
    %dma_wait3A_88 = arith.constant 0 : i32
    %dma_wait3A_89 = arith.constant 0 : i32
    %dma_wait3A_90 = tpu.memref_slice %arg10[%dma_wait3A_88, %dma_wait3A_89] : memref<10240x128xf32, #tpu.memory_space<vmem_shared>> -> memref<10240x128xf32, #tpu.memory_space<vmem_shared>>
    tpu.wait_indirect_dma semaphore(%arg13 : memref<!tpu.dma_semaphore, #tpu.memory_space<semaphore_mem>>) src(%dma_wait3A_84 : memref<128x128xf32, #tpu.memory_space<vmem>>) dst(%dma_wait3A_90 : memref<10240x128xf32, #tpu.memory_space<vmem_shared>>)
    %dma_wait3A_91 = arith.constant 1 : i32
    %dma_wait3A_92 = arith.constant 39 : i32
    %dma_wait3A_93 = arith.constant 0 : i32
    %dma_wait3A_94 = arith.constant 0 : i32
    %dma_wait3A_95 = tpu.memref_slice %arg9[%dma_wait3A_91, %dma_wait3A_93, %dma_wait3A_94] : memref<2x128x128xf32, #tpu.memory_space<vmem>> -> memref<1x128x128xf32, #tpu.memory_space<vmem>>
    %dma_wait3A_96 = tpu.memref_squeeze %dma_wait3A_95 : memref<1x128x128xf32, #tpu.memory_space<vmem>> -> memref<128x128xf32, #tpu.memory_space<vmem>>
    %dma_wait3A_97 = arith.constant 0 : i32
    %dma_wait3A_98 = tpu.memref_slice %arg8[%dma_wait3A_92, %dma_wait3A_97] : memref<40x128xi32, #tpu.memory_space<vmem>> -> memref<1x128xi32, #tpu.memory_space<vmem>>
    %dma_wait3A_99 = tpu.memref_squeeze %dma_wait3A_98 : memref<1x128xi32, #tpu.memory_space<vmem>> -> memref<128xi32, #tpu.memory_space<vmem>>
    %dma_wait3A_100 = arith.constant 0 : i32
    %dma_wait3A_101 = arith.constant 0 : i32
    %dma_wait3A_102 = tpu.memref_slice %arg10[%dma_wait3A_100, %dma_wait3A_101] : memref<10240x128xf32, #tpu.memory_space<vmem_shared>> -> memref<10240x128xf32, #tpu.memory_space<vmem_shared>>
    tpu.wait_indirect_dma semaphore(%arg14 : memref<!tpu.dma_semaphore, #tpu.memory_space<semaphore_mem>>) src(%dma_wait3A_96 : memref<128x128xf32, #tpu.memory_space<vmem>>) dst(%dma_wait3A_102 : memref<10240x128xf32, #tpu.memory_space<vmem_shared>>)
    %barrier3A_103 = arith.constant 0 : index
    tpu.barrier barrier_id(%barrier3A_103)
    %eq3A_104 = arith.constant 0 : i32
    %eq3A_105 = arith.cmpi eq, %arg0, %eq3A_104 : i32
    %convert_element_type3A_106 = arith.extui %eq3A_105 : i1 to i32
    %cond3A_107 = arith.constant 0 : i32
    %cond3A_108 = arith.cmpi ne, %convert_element_type3A_106, %cond3A_107 : i32
    scf.if %cond3A_108 {
      "tpu.region"() ({
        %run_scoped3A = tpu.sem_alloc : memref<!tpu.dma_semaphore, #tpu.memory_space<semaphore_mem>>
        %dma_start3A_114 = arith.constant 0 : i32
        %dma_start3A_115 = tpu.memref_slice %arg5[%mul3A_0, %dma_start3A_114] : memref<10240x128xf32, #tpu.memory_space<hbm>> -> memref<640x128xf32, #tpu.memory_space<hbm>>
        %dma_start3A_116 = arith.constant 0 : i32
        %dma_start3A_117 = tpu.memref_slice %arg10[%mul3A_0, %dma_start3A_116] : memref<10240x128xf32, #tpu.memory_space<vmem_shared>> -> memref<640x128xf32, #tpu.memory_space<vmem_shared>>
        tpu.enqueue_dma source(%dma_start3A_117 : memref<640x128xf32, #tpu.memory_space<vmem_shared>>) target(%dma_start3A_115 : memref<640x128xf32, #tpu.memory_space<hbm>>) target_semaphore(%run_scoped3A : memref<!tpu.dma_semaphore, #tpu.memory_space<semaphore_mem>>)
        %dma_wait3A_118 = arith.constant 0 : i32
        %dma_wait3A_119 = tpu.memref_slice %arg5[%mul3A_0, %dma_wait3A_118] : memref<10240x128xf32, #tpu.memory_space<hbm>> -> memref<640x128xf32, #tpu.memory_space<hbm>>
        %dma_wait3A_120 = arith.constant 0 : i32
        %dma_wait3A_121 = tpu.memref_slice %arg10[%mul3A_0, %dma_wait3A_120] : memref<10240x128xf32, #tpu.memory_space<vmem_shared>> -> memref<640x128xf32, #tpu.memory_space<vmem_shared>>
        tpu.wait_dma2 semaphore(%run_scoped3A : memref<!tpu.dma_semaphore, #tpu.memory_space<semaphore_mem>>) src(%dma_wait3A_121 : memref<640x128xf32, #tpu.memory_space<vmem_shared>>) dst(%dma_wait3A_119 : memref<640x128xf32, #tpu.memory_space<hbm>>)
        tpu.yield
      }) : () -> ()
    } else {
    }
    %eq3A_109 = arith.constant 1 : i32
    %eq3A_110 = arith.cmpi eq, %arg0, %eq3A_109 : i32
    %convert_element_type3A_111 = arith.extui %eq3A_110 : i1 to i32
    %cond3A_112 = arith.constant 0 : i32
    %cond3A_113 = arith.cmpi ne, %convert_element_type3A_111, %cond3A_112 : i32
    scf.if %cond3A_113 {
      "tpu.region"() ({
        %run_scoped3A = tpu.sem_alloc : memref<!tpu.dma_semaphore, #tpu.memory_space<semaphore_mem>>
        %dma_start3A_114 = arith.constant 0 : i32
        %dma_start3A_115 = tpu.memref_slice %arg6[%mul3A_0, %dma_start3A_114] : memref<10240x128xf32, #tpu.memory_space<hbm>> -> memref<640x128xf32, #tpu.memory_space<hbm>>
        %dma_start3A_116 = arith.constant 0 : i32
        %dma_start3A_117 = tpu.memref_slice %arg10[%mul3A_0, %dma_start3A_116] : memref<10240x128xf32, #tpu.memory_space<vmem_shared>> -> memref<640x128xf32, #tpu.memory_space<vmem_shared>>
        tpu.enqueue_dma source(%dma_start3A_117 : memref<640x128xf32, #tpu.memory_space<vmem_shared>>) target(%dma_start3A_115 : memref<640x128xf32, #tpu.memory_space<hbm>>) target_semaphore(%run_scoped3A : memref<!tpu.dma_semaphore, #tpu.memory_space<semaphore_mem>>)
        %dma_wait3A_118 = arith.constant 0 : i32
        %dma_wait3A_119 = tpu.memref_slice %arg6[%mul3A_0, %dma_wait3A_118] : memref<10240x128xf32, #tpu.memory_space<hbm>> -> memref<640x128xf32, #tpu.memory_space<hbm>>
        %dma_wait3A_120 = arith.constant 0 : i32
        %dma_wait3A_121 = tpu.memref_slice %arg10[%mul3A_0, %dma_wait3A_120] : memref<10240x128xf32, #tpu.memory_space<vmem_shared>> -> memref<640x128xf32, #tpu.memory_space<vmem_shared>>
        tpu.wait_dma2 semaphore(%run_scoped3A : memref<!tpu.dma_semaphore, #tpu.memory_space<semaphore_mem>>) src(%dma_wait3A_121 : memref<640x128xf32, #tpu.memory_space<vmem_shared>>) dst(%dma_wait3A_119 : memref<640x128xf32, #tpu.memory_space<hbm>>)
        tpu.yield
      }) : () -> ()
    } else {
    }
    return
  }
}

module attributes {stable_mosaic.version = 14 : i64} {
  func.func @_tc_l1(%arg0: i32, %arg1: memref<2048x128xf32, #tpu.memory_space<vmem>>, %arg2: memref<128x128xf32, #tpu.memory_space<vmem>>, %arg3: memref<32x2048xf32, #tpu.memory_space<vmem>>, %arg4: memref<2048x128xf32, #tpu.memory_space<vmem>>) attributes {dimension_semantics = [#tpu.dimension_semantics<arbitrary>], iteration_bounds = array<i64: 5>, scalar_prefetch = 0 : i64, scratch_operands = 0 : i64, tpu.core_type = #tpu.core_type<tc>, window_params = [{transform_indices = @transform_0, window_bounds = array<i64: 2048, 128>}, {pipeline_mode = #tpu.pipeline_mode<synchronous>, transform_indices = @transform_1, window_bounds = array<i64: 128, 128>}, {transform_indices = @transform_2, window_bounds = array<i64: 32, 2048>}, {transform_indices = @transform_3, window_bounds = array<i64: 2048, 128>}]} {
    %broadcast_in_dim3A = arith.constant 1.000000e+00 : f32
    %broadcast_in_dim3A_0 = vector.broadcast %broadcast_in_dim3A : f32 to vector<32x1xf32>
    %get3A = arith.constant 0 : index
    %get3A_1 = arith.constant 0 : index
    %get3A_2 = vector.load %arg3[%get3A, %get3A_1] : memref<32x2048xf32, #tpu.memory_space<vmem>>, vector<32x2048xf32>
    %dot_general3A = arith.constant dense<0.000000e+00> : vector<2048x1xf32>
    %dot_general3A_3 = tpu.matmul %get3A_2, %broadcast_in_dim3A_0, %dot_general3A {dimension_numbers = #tpu.dot_dimension_numbers<[0], [0], [1], [1], [0, 1, 1, 1], [], []>, transpose_lhs_hint = false} : vector<32x2048xf32>, vector<32x1xf32>, vector<2048x1xf32> -> vector<2048x1xf32>
    %add3A = arith.constant 1.000000e+00 : f32
    %add3A_4 = vector.broadcast %add3A : f32 to vector<2048x1xf32>
    %add3A_5 = arith.addf %dot_general3A_3, %add3A_4 : vector<2048x1xf32>
    %rsqrt3A = math.rsqrt %add3A_5 : vector<2048x1xf32>
    %get3A_6 = arith.constant 0 : index
    %get3A_7 = arith.constant 0 : index
    %get3A_8 = vector.load %arg1[%get3A_6, %get3A_7] : memref<2048x128xf32, #tpu.memory_space<vmem>>, vector<2048x128xf32>
    %get3A_9 = arith.constant 0 : index
    %get3A_10 = arith.constant 0 : index
    %get3A_11 = vector.load %arg2[%get3A_9, %get3A_10] : memref<128x128xf32, #tpu.memory_space<vmem>>, vector<128x128xf32>
    %dot_general3A_12 = arith.constant dense<0.000000e+00> : vector<2048x128xf32>
    %dot_general3A_13 = tpu.matmul %get3A_8, %get3A_11, %dot_general3A_12 {dimension_numbers = #tpu.dot_dimension_numbers<[1], [0], [0], [1], [0, 0, 1, 1], [], []>, transpose_lhs_hint = false} : vector<2048x128xf32>, vector<128x128xf32>, vector<2048x128xf32> -> vector<2048x128xf32>
    %mul3A = arith.constant 2048 : i32
    %mul3A_14 = arith.muli %arg0, %mul3A : i32
    %iota3A = tpu.iota {dimensions = array<i32: 0>} : vector<2048x1xi32>
    %add3A_15 = vector.broadcast %mul3A_14 : i32 to vector<2048x1xi32>
    %add3A_16 = arith.addi %add3A_15, %iota3A : vector<2048x1xi32>
    %lt3A = arith.constant 10000 : i32
    %lt3A_17 = vector.broadcast %lt3A : i32 to vector<2048x1xi32>
    %lt3A_18 = arith.cmpi slt, %add3A_16, %lt3A_17 : vector<2048x1xi32>
    %mul3A_19 = vector.broadcast %rsqrt3A : vector<2048x1xf32> to vector<2048x128xf32>
    %mul3A_20 = arith.mulf %dot_general3A_13, %mul3A_19 : vector<2048x128xf32>
    %jit3A = arith.constant 0.000000e+00 : f32
    %broadcast_in_dim3A_21 = vector.shape_cast %lt3A_18 : vector<2048x1xi1> to vector<2048x1xi1>
    %broadcast_in_dim3A_22 = vector.broadcast %broadcast_in_dim3A_21 : vector<2048x1xi1> to vector<2048x128xi1>
    %broadcast_in_dim3A_23 = vector.broadcast %jit3A : f32 to vector<2048x128xf32>
    %select_n3A = arith.select %broadcast_in_dim3A_22, %mul3A_20, %broadcast_in_dim3A_23 : vector<2048x128xi1>, vector<2048x128xf32>
    %swap3A = arith.constant 0 : index
    %swap3A_24 = arith.constant 0 : index
    %swap3A_25 = vector.load %arg4[%swap3A, %swap3A_24] : memref<2048x128xf32, #tpu.memory_space<vmem>>, vector<2048x128xf32>
    tpu.vector_store %arg4[%swap3A, %swap3A_24], %select_n3A {strides = array<i32>} : memref<2048x128xf32, #tpu.memory_space<vmem>>, vector<2048x128xf32>,
    return
  }
  func.func @transform_0(%arg0: i32) -> (i32, i32) {
    %c0_i32 = arith.constant 0 : i32
    %c0_i32_0 = arith.constant 0 : i32
    return %arg0, %c0_i32 : i32, i32
  }
  func.func @transform_1(%arg0: i32) -> (i32, i32) {
    %c0_i32 = arith.constant 0 : i32
    %c0_i32_0 = arith.constant 0 : i32
    %c0_i32_1 = arith.constant 0 : i32
    return %c0_i32, %c0_i32_0 : i32, i32
  }
  func.func @transform_2(%arg0: i32) -> (i32, i32) {
    %c0_i32 = arith.constant 0 : i32
    %c0_i32_0 = arith.constant 0 : i32
    return %c0_i32, %arg0 : i32, i32
  }
  func.func @transform_3(%arg0: i32) -> (i32, i32) {
    %c0_i32 = arith.constant 0 : i32
    %c0_i32_0 = arith.constant 0 : i32
    return %arg0, %c0_i32 : i32, i32
  }
}

module attributes {stable_mosaic.version = 14 : i64} {
  func.func @_tc_mid(%arg0: memref<10240x128xf32, #tpu.memory_space<vmem>>, %arg1: memref<10240x128xf32, #tpu.memory_space<vmem>>, %arg2: memref<32x10240xf32, #tpu.memory_space<vmem>>, %arg3: memref<1x128xf32, #tpu.memory_space<vmem>>, %arg4: memref<1x128xf32, #tpu.memory_space<vmem>>, %arg5: memref<1x128xf32, #tpu.memory_space<vmem>>, %arg6: memref<128x128xf32, #tpu.memory_space<vmem>>, %arg7: memref<10240x128xf32, #tpu.memory_space<vmem>>) attributes {dimension_semantics = [], scalar_prefetch = 0 : i64, scratch_operands = 0 : i64, tpu.core_type = #tpu.core_type<tc>} {
    %broadcast_in_dim3A = arith.constant 1.000000e+00 : f32
    %broadcast_in_dim3A_0 = vector.broadcast %broadcast_in_dim3A : f32 to vector<32x1xf32>
    %get3A = arith.constant 0 : index
    %get3A_1 = arith.constant 0 : index
    %get3A_2 = vector.load %arg2[%get3A, %get3A_1] : memref<32x10240xf32, #tpu.memory_space<vmem>>, vector<32x10240xf32>
    %dot_general3A = arith.constant dense<0.000000e+00> : vector<10240x1xf32>
    %dot_general3A_3 = tpu.matmul %get3A_2, %broadcast_in_dim3A_0, %dot_general3A {dimension_numbers = #tpu.dot_dimension_numbers<[0], [0], [1], [1], [0, 1, 1, 1], [], []>, transpose_lhs_hint = false} : vector<32x10240xf32>, vector<32x1xf32>, vector<10240x1xf32> -> vector<10240x1xf32>
    %slice3A = vector.extract_strided_slice %dot_general3A_3 {offsets = [0, 0], sizes = [10000, 1], strides = [1, 1]} : vector<10240x1xf32> to vector<10000x1xf32>
    %add3A = arith.constant 1.000000e+00 : f32
    %add3A_4 = vector.broadcast %add3A : f32 to vector<10000x1xf32>
    %add3A_5 = arith.addf %slice3A, %add3A_4 : vector<10000x1xf32>
    %rsqrt3A = math.rsqrt %add3A_5 : vector<10000x1xf32>
    %get3A_6 = arith.constant 0 : index
    %get3A_7 = arith.constant 0 : index
    %get3A_8 = vector.load %arg0[%get3A_6, %get3A_7] : memref<10240x128xf32, #tpu.memory_space<vmem>>, vector<10000x128xf32>
    %get3A_9 = arith.constant 0 : index
    %get3A_10 = arith.constant 0 : index
    %get3A_11 = vector.load %arg1[%get3A_9, %get3A_10] : memref<10240x128xf32, #tpu.memory_space<vmem>>, vector<10000x128xf32>
    %add3A_12 = arith.addf %get3A_8, %get3A_11 : vector<10000x128xf32>
    %mul3A = vector.broadcast %rsqrt3A : vector<10000x1xf32> to vector<10000x128xf32>
    %mul3A_13 = arith.mulf %add3A_12, %mul3A : vector<10000x128xf32>
    %get3A_14 = arith.constant 0 : index
    %get3A_15 = arith.constant 0 : index
    %get3A_16 = vector.load %arg3[%get3A_14, %get3A_15] : memref<1x128xf32, #tpu.memory_space<vmem>>, vector<1x128xf32>
    %add3A_17 = vector.broadcast %get3A_16 : vector<1x128xf32> to vector<10000x128xf32>
    %add3A_18 = arith.addf %mul3A_13, %add3A_17 : vector<10000x128xf32>
    %reduce_sum3A = arith.constant dense<0.000000e+00> : vector<128xf32>
    %reduce_sum3A_19 = vector.multi_reduction <add>, %add3A_18, %reduce_sum3A [0] : vector<10000x128xf32> to vector<128xf32>
    %broadcast_in_dim3A_20 = vector.shape_cast %reduce_sum3A_19 : vector<128xf32> to vector<1x128xf32>
    %div3A = arith.constant 1.000000e+04 : f32
    %div3A_21 = vector.broadcast %div3A : f32 to vector<1x128xf32>
    %div3A_22 = arith.divf %broadcast_in_dim3A_20, %div3A_21 : vector<1x128xf32>
    %sub3A = vector.broadcast %div3A_22 : vector<1x128xf32> to vector<10000x128xf32>
    %sub3A_23 = arith.subf %add3A_18, %sub3A : vector<10000x128xf32>
    %mul3A_24 = arith.mulf %sub3A_23, %sub3A_23 : vector<10000x128xf32>
    %reduce_sum3A_25 = arith.constant dense<0.000000e+00> : vector<128xf32>
    %reduce_sum3A_26 = vector.multi_reduction <add>, %mul3A_24, %reduce_sum3A_25 [0] : vector<10000x128xf32> to vector<128xf32>
    %broadcast_in_dim3A_27 = vector.shape_cast %reduce_sum3A_26 : vector<128xf32> to vector<1x128xf32>
    %div3A_28 = arith.constant 1.000000e+04 : f32
    %div3A_29 = vector.broadcast %div3A_28 : f32 to vector<1x128xf32>
    %div3A_30 = arith.divf %broadcast_in_dim3A_27, %div3A_29 : vector<1x128xf32>
    %add3A_31 = arith.constant 9.99999974E-6 : f32
    %add3A_32 = vector.broadcast %add3A_31 : f32 to vector<1x128xf32>
    %add3A_33 = arith.addf %div3A_30, %add3A_32 : vector<1x128xf32>
    %rsqrt3A_34 = math.rsqrt %add3A_33 : vector<1x128xf32>
    %mul3A_35 = vector.broadcast %rsqrt3A_34 : vector<1x128xf32> to vector<10000x128xf32>
    %mul3A_36 = arith.mulf %sub3A_23, %mul3A_35 : vector<10000x128xf32>
    %get3A_37 = arith.constant 0 : index
    %get3A_38 = arith.constant 0 : index
    %get3A_39 = vector.load %arg4[%get3A_37, %get3A_38] : memref<1x128xf32, #tpu.memory_space<vmem>>, vector<1x128xf32>
    %mul3A_40 = vector.broadcast %get3A_39 : vector<1x128xf32> to vector<10000x128xf32>
    %mul3A_41 = arith.mulf %mul3A_36, %mul3A_40 : vector<10000x128xf32>
    %get3A_42 = arith.constant 0 : index
    %get3A_43 = arith.constant 0 : index
    %get3A_44 = vector.load %arg5[%get3A_42, %get3A_43] : memref<1x128xf32, #tpu.memory_space<vmem>>, vector<1x128xf32>
    %add3A_45 = vector.broadcast %get3A_44 : vector<1x128xf32> to vector<10000x128xf32>
    %add3A_46 = arith.addf %mul3A_41, %add3A_45 : vector<10000x128xf32>
    %max3A = arith.constant 0.000000e+00 : f32
    %max3A_47 = vector.broadcast %max3A : f32 to vector<10000x128xf32>
    %max3A_48 = arith.maximumf %add3A_46, %max3A_47 : vector<10000x128xf32>
    %get3A_49 = arith.constant 0 : index
    %get3A_50 = arith.constant 0 : index
    %get3A_51 = vector.load %arg6[%get3A_49, %get3A_50] : memref<128x128xf32, #tpu.memory_space<vmem>>, vector<128x128xf32>
    %dot_general3A_52 = arith.constant dense<0.000000e+00> : vector<10000x128xf32>
    %dot_general3A_53 = tpu.matmul %max3A_48, %get3A_51, %dot_general3A_52 {dimension_numbers = #tpu.dot_dimension_numbers<[1], [0], [0], [1], [0, 0, 1, 1], [], []>, transpose_lhs_hint = false} : vector<10000x128xf32>, vector<128x128xf32>, vector<10000x128xf32> -> vector<10000x128xf32>
    %mul3A_54 = vector.broadcast %rsqrt3A : vector<10000x1xf32> to vector<10000x128xf32>
    %mul3A_55 = arith.mulf %dot_general3A_53, %mul3A_54 : vector<10000x128xf32>
    %swap3A = arith.constant 0 : index
    %swap3A_56 = arith.constant 0 : index
    %swap3A_57 = vector.load %arg7[%swap3A, %swap3A_56] : memref<10240x128xf32, #tpu.memory_space<vmem>>, vector<10000x128xf32>
    tpu.vector_store %arg7[%swap3A, %swap3A_56], %mul3A_55 {strides = array<i32>} : memref<10240x128xf32, #tpu.memory_space<vmem>>, vector<10000x128xf32>,
    %broadcast_in_dim3A_58 = arith.constant 0.000000e+00 : f32
    %broadcast_in_dim3A_59 = vector.broadcast %broadcast_in_dim3A_58 : f32 to vector<240x128xf32>
    %swap3A_60 = arith.constant 10000 : index
    %swap3A_61 = arith.constant 0 : index
    %swap3A_62 = vector.load %arg7[%swap3A_60, %swap3A_61] : memref<10240x128xf32, #tpu.memory_space<vmem>>, vector<240x128xf32>
    tpu.vector_store %arg7[%swap3A_60, %swap3A_61], %broadcast_in_dim3A_59 {strides = array<i32>} : memref<10240x128xf32, #tpu.memory_space<vmem>>, vector<240x128xf32>,
    return
  }
}

module attributes {stable_mosaic.version = 14 : i64} {
  func.func @_tc_fin(%arg0: i32, %arg1: memref<2048x128xf32, #tpu.memory_space<vmem>>, %arg2: memref<2048x128xf32, #tpu.memory_space<vmem>>, %arg3: memref<32x2048xf32, #tpu.memory_space<vmem>>, %arg4: memref<1x128xf32, #tpu.memory_space<vmem>>, %arg5: memref<2048x128xf32, #tpu.memory_space<vmem>>) attributes {dimension_semantics = [#tpu.dimension_semantics<arbitrary>], iteration_bounds = array<i64: 5>, scalar_prefetch = 0 : i64, scratch_operands = 0 : i64, tpu.core_type = #tpu.core_type<tc>, window_params = [{transform_indices = @transform_0, window_bounds = array<i64: 2048, 128>}, {transform_indices = @transform_1, window_bounds = array<i64: 2048, 128>}, {transform_indices = @transform_2, window_bounds = array<i64: 32, 2048>}, {pipeline_mode = #tpu.pipeline_mode<synchronous>, transform_indices = @transform_3, window_bounds = array<i64: 1, 128>}, {transform_indices = @transform_4, window_bounds = array<i64: 2048, 128>}]} {
    %broadcast_in_dim3A = arith.constant 1.000000e+00 : f32
    %broadcast_in_dim3A_0 = vector.broadcast %broadcast_in_dim3A : f32 to vector<32x1xf32>
    %get3A = arith.constant 0 : index
    %get3A_1 = arith.constant 0 : index
    %get3A_2 = vector.load %arg3[%get3A, %get3A_1] : memref<32x2048xf32, #tpu.memory_space<vmem>>, vector<32x2048xf32>
    %dot_general3A = arith.constant dense<0.000000e+00> : vector<2048x1xf32>
    %dot_general3A_3 = tpu.matmul %get3A_2, %broadcast_in_dim3A_0, %dot_general3A {dimension_numbers = #tpu.dot_dimension_numbers<[0], [0], [1], [1], [0, 1, 1, 1], [], []>, transpose_lhs_hint = false} : vector<32x2048xf32>, vector<32x1xf32>, vector<2048x1xf32> -> vector<2048x1xf32>
    %add3A = arith.constant 1.000000e+00 : f32
    %add3A_4 = vector.broadcast %add3A : f32 to vector<2048x1xf32>
    %add3A_5 = arith.addf %dot_general3A_3, %add3A_4 : vector<2048x1xf32>
    %rsqrt3A = math.rsqrt %add3A_5 : vector<2048x1xf32>
    %get3A_6 = arith.constant 0 : index
    %get3A_7 = arith.constant 0 : index
    %get3A_8 = vector.load %arg1[%get3A_6, %get3A_7] : memref<2048x128xf32, #tpu.memory_space<vmem>>, vector<2048x128xf32>
    %get3A_9 = arith.constant 0 : index
    %get3A_10 = arith.constant 0 : index
    %get3A_11 = vector.load %arg2[%get3A_9, %get3A_10] : memref<2048x128xf32, #tpu.memory_space<vmem>>, vector<2048x128xf32>
    %add3A_12 = arith.addf %get3A_8, %get3A_11 : vector<2048x128xf32>
    %mul3A = vector.broadcast %rsqrt3A : vector<2048x1xf32> to vector<2048x128xf32>
    %mul3A_13 = arith.mulf %add3A_12, %mul3A : vector<2048x128xf32>
    %get3A_14 = arith.constant 0 : index
    %get3A_15 = arith.constant 0 : index
    %get3A_16 = vector.load %arg4[%get3A_14, %get3A_15] : memref<1x128xf32, #tpu.memory_space<vmem>>, vector<1x128xf32>
    %add3A_17 = vector.broadcast %get3A_16 : vector<1x128xf32> to vector<2048x128xf32>
    %add3A_18 = arith.addf %mul3A_13, %add3A_17 : vector<2048x128xf32>
    %swap3A = arith.constant 0 : index
    %swap3A_19 = arith.constant 0 : index
    %swap3A_20 = vector.load %arg5[%swap3A, %swap3A_19] : memref<2048x128xf32, #tpu.memory_space<vmem>>, vector<2048x128xf32>
    tpu.vector_store %arg5[%swap3A, %swap3A_19], %add3A_18 {strides = array<i32>} : memref<2048x128xf32, #tpu.memory_space<vmem>>, vector<2048x128xf32>,
    return
  }
  func.func @transform_0(%arg0: i32) -> (i32, i32) {
    %c0_i32 = arith.constant 0 : i32
    %c0_i32_0 = arith.constant 0 : i32
    return %arg0, %c0_i32 : i32, i32
  }
  func.func @transform_1(%arg0: i32) -> (i32, i32) {
    %c0_i32 = arith.constant 0 : i32
    %c0_i32_0 = arith.constant 0 : i32
    return %arg0, %c0_i32 : i32, i32
  }
  func.func @transform_2(%arg0: i32) -> (i32, i32) {
    %c0_i32 = arith.constant 0 : i32
    %c0_i32_0 = arith.constant 0 : i32
    return %c0_i32, %arg0 : i32, i32
  }
  func.func @transform_3(%arg0: i32) -> (i32, i32) {
    %c0_i32 = arith.constant 0 : i32
    %c0_i32_0 = arith.constant 0 : i32
    %c0_i32_1 = arith.constant 0 : i32
    return %c0_i32, %c0_i32_0 : i32, i32
  }
  func.func @transform_4(%arg0: i32) -> (i32, i32) {
    %c0_i32 = arith.constant 0 : i32
    %c0_i32_0 = arith.constant 0 : i32
    return %arg0, %c0_i32 : i32, i32
  }
}

</mosaic_0001>

<sc_bundles>
// kernel: _run.10.cloned.1.call-start
scs
__scs_entry_jumppad:
0x0: {  	(pc) =	sbr.rel $0x88, $3  }
0x1: {  	(tag) =	ssettag $0x0;
	lr =	simm.s32 $0x1  }
0x2: {  	[smem:$0x3F95] =	sst lr;
	_ =	strace $0xD0000000  }
0x3: {  	_ = 	snop  }
0x4: {  	_ = 	snop  }
0x5: {  	_ = 	snop  }
0x6: {  	_ = 	snop  }
0x7: {  	_ = 	snop  }
__scs_overlays_trampoline_lowered:
0x8: {  	[smem:$0x3FA4] =	sst s0  }
0x9: {  	[smem:$0x3FA5] =	sst s1  }
0xa: {  	[smem:$0x3FA6] =	sst s2  }
0xb: {  	[smem:$0x3FA7] =	sst s3  }
0xc: {  	[smem:$0x3FA8] =	sst s4  }
0xd: {  	[smem:$0x3FA9] =	sst s5  }
0xe: {  	[smem:$0x3FAA] =	sst s6  }
0xf: {  	[smem:$0x3FAB] =	sst s7  }
0x10: {  	[smem:$0x3FAC] =	sst s8  }
0x11: {  	[smem:$0x3FAD] =	sst s9;
	s0 =	simm.s32 @!p0 $0x0  }
0x12: {  	s1 =	sld [smem:$0x3F93];
	s0 =	simm.s32 @p0 $0x1  }
0x13: {  	[smem:$0x3FAE] =	sst s0;
	s0 =	simm.s32 @!p1 $0x0  }
0x14: {  	s2 =	sld [smem:$0x3F92];
	s0 =	simm.s32 @p1 $0x1  }
0x15: {  	[smem:$0x3FAF] =	sst s0;
	s0 =	simm.s32 @!p2 $0x0  }
0x16: {  	s3 =	sld [smem:$0x3FDB];
	s0 =	simm.s32 @p2 $0x1  }
0x17: {  	s4 =	simm.s32 $0x1BF5;
	[smem:$0x3FB1] =	sst s0  }
0x18: {  	s0 =	sld [smem:$0x3F94];
	_ =	swait.ge [sflag:s4], $0x0  }
0x19: {  	s7 =	sld [smem:$0x3F95]  }
0x1a: {  	s8 =	sadd.s32 $0xFFFFE003, lr  }
0x1b: {  	s9 =	sadd.s32 $0xFFFFFEF7, lr;
	s5 =	simm.s32 $0xFFFFFFFF;
	p2 =	slt.u32 s8, $0xFFFFF086  }
0x1c: {  	p1 =	slt.u32 s9, $0xF7A;
	s5 =	simm.s32 @!p2 $0x0  }
0x1d: {  	s5 =	simm.s32 @p1 $0x1;
	p0 =	seq.s32 s7, s2  }
0x1e: {  	s7 =	smul.u32 @!p0 $0xF7A, s2;
	p2 =	seq.s32 @!p0 s5, $0x0  }
0x1f: {  	s9 =	smul.u32 $0xF7A, s1;
	s8 =	simm.s32 @!p0 $0x1BF5;
	p2 =	por !p2, p0  }
0x20: {  	[sflag:s8] =	ssyncset.s32 @!p0 $0xFFFFF086;
	s6 =	sadd.s32 @!p0 s3, s7;
	s7 =	simm.s32 @!p0 $0x108  }
0x21: {  	s3 =	sadd.s32 s3, s9;
	s6 =	sadd.s32 @!p0 $0x88, s6;
	s7 =	simm.s32 @p2 $0x1082  }
0x22: {  	[simem:s7], [sflag:s8] =	dma.local @!p0 [hbm:s6], $0xF7A  }
0x23: {  	s9 =	sor.u32 $0xD0000000, s2;
	s6 =	simm.s32 $0x108;
	_ =	swait.ge @!p0 [sflag:s8], $0x0  }
0x24: {  	s3 =	sadd.s32 $0x88, s3;
	s6 =	simm.s32 @!p1 $0x1082;
	[sflag:s4] =	ssyncset.s32 $0xFFFFF086  }
0x25: {  	[simem:s6], [sflag:s4] =	dma.local [hbm:s3], $0xF7A  }
0x26: {  	[smem:$0x3F95] =	sst s1;
	(tag) =	ssettag s2;
	_ =	strace s9  }
0x27: {  	s1 =	sld [smem:$0x3FA5]  }
0x28: {  	s2 =	sld [smem:$0x3FA6]  }
0x29: {  	s4 =	sld [smem:$0x3FA8]  }
0x2a: {  	p0 =	seq.s32 s5, $0x0;
	s5 =	sld [smem:$0x3FA9]  }
0x2b: {  	s6 =	sld [smem:$0x3FAA]  }
0x2c: {  	s7 =	sld [smem:$0x3FAB]  }
0x2d: {  	s3 =	simm.s32 $0x108;
	s8 =	sld [smem:$0x3FAC]  }
0x2e: {  	s3 =	simm.s32 @!p0 $0x1082;
	s9 =	sld [smem:$0x3FAD]  }
0x2f: {  	lr =	sadd.s32 s0, s3;
	s0 =	sld [smem:$0x3FA4]  }
0x30: {  	s3 =	sld [smem:$0x3FA7]  }
0x31: {  	[smem:$0x3FB0] =	sst s10  }
0x32: {  	s10 =	sld [smem:$0x3FAE];
	_ =	sdelay $0x3  }
0x33: {  	p0 =	seq.s32 s10, $0x1;
	s10 =	sld [smem:$0x3FB0];
	_ =	sdelay $0x3  }
0x34: {  	[smem:$0x3FB0] =	sst s10  }
0x35: {  	s10 =	sld [smem:$0x3FAF];
	_ =	sdelay $0x3  }
0x36: {  	p1 =	seq.s32 s10, $0x1;
	s10 =	sld [smem:$0x3FB0];
	_ =	sdelay $0x3  }
0x37: {  	[smem:$0x3FB0] =	sst s10  }
0x38: {  	s10 =	sld [smem:$0x3FB1]  }
0x39: {  	_ = 	snop;
	(pc) =	sbr.ind lr, $3  }
0x3a: {  	_ = 	snop  }
0x3b: {  	_ = 	snop  }
0x3c: {  	p2 =	seq.s32 s10, $0x1;
	s10 =	sld [smem:$0x3FB0]  }
0x3d: {  	_ =	shalt  }
0x3e: {  	_ =	shalt  }
0x3f: {  	_ =	shalt  }
0x40: {  	_ =	shalt  }
0x41: {  	_ =	shalt  }
0x42: {  	_ =	shalt  }
0x43: {  	_ =	shalt  }
0x44: {  	_ =	shalt  }
0x45: {  	_ =	shalt  }
0x46: {  	_ =	shalt  }
0x47: {  	_ =	shalt  }
0x48: {  	_ =	shalt  }
0x49: {  	_ =	shalt  }
0x4a: {  	_ =	shalt  }
0x4b: {  	_ =	shalt  }
0x4c: {  	_ =	shalt  }
0x4d: {  	_ =	shalt  }
0x4e: {  	_ =	shalt  }
0x4f: {  	_ =	shalt  }
0x50: {  	_ =	shalt  }
0x51: {  	_ =	shalt  }
0x52: {  	_ =	shalt  }
0x53: {  	_ =	shalt  }
0x54: {  	_ =	shalt  }
0x55: {  	_ =	shalt  }
0x56: {  	_ =	shalt  }
0x57: {  	_ =	shalt  }
0x58: {  	_ =	shalt  }
0x59: {  	_ =	shalt  }
0x5a: {  	_ =	shalt  }
0x5b: {  	_ =	shalt  }
0x5c: {  	_ =	shalt  }
0x5d: {  	_ =	shalt  }
0x5e: {  	_ =	shalt  }
0x5f: {  	_ =	shalt  }
0x60: {  	_ =	shalt  }
0x61: {  	_ =	shalt  }
0x62: {  	_ =	shalt  }
0x63: {  	_ =	shalt  }
0x64: {  	_ =	shalt  }
0x65: {  	_ =	shalt  }
0x66: {  	_ =	shalt  }
0x67: {  	_ =	shalt  }
0x68: {  	_ =	shalt  }
0x69: {  	_ =	shalt  }
0x6a: {  	_ =	shalt  }
0x6b: {  	_ =	shalt  }
0x6c: {  	_ =	shalt  }
0x6d: {  	_ =	shalt  }
0x6e: {  	_ =	shalt  }
0x6f: {  	_ =	shalt  }
0x70: {  	_ =	shalt  }
0x71: {  	_ =	shalt  }
0x72: {  	_ =	shalt  }
0x73: {  	_ =	shalt  }
0x74: {  	_ =	shalt  }
0x75: {  	_ =	shalt  }
0x76: {  	_ =	shalt  }
0x77: {  	_ =	shalt  }
0x78: {  	_ =	shalt  }
0x79: {  	_ =	shalt  }
0x7a: {  	_ =	shalt  }
0x7b: {  	_ =	shalt  }
0x7c: {  	_ =	shalt  }
0x7d: {  	_ =	shalt  }
0x7e: {  	_ =	shalt  }
0x7f: {  	_ =	shalt  }
0x80: {  	_ =	shalt  }
0x81: {  	_ =	shalt  }
0x82: {  	_ =	shalt  }
0x83: {  	_ =	shalt  }
0x84: {  	_ =	shalt  }
0x85: {  	_ =	shalt  }
0x86: {  	_ =	shalt  }
0x87: {  	_ =	shalt  }
.Lfunc_end0:
.L_simem_size_0:
called_computation_lowered:
.L_overlay_start_0:
0x88: {  	s2 =	sld [smem:$0x3FD9]  }
0x89: {  	s3 =	sld [smem:$0x3FFE];
	_ =	sdelay $0x1  }
0x8a: {  	s1 =	srdreg.scid  }
0x8b: {  	s0 =	sand.u32 $0x1, s1  }
0x8c: {  	s16 =	sshll.u32 s0, $0xA;
	s2 =	sadd.s32 s3, s2  }
0x8d: {  	s2 =	sadd.s32 s2, s16  }
0x8e: {  	[smem:$0x3FBC] =	sst s2  }
0x8f: {  	_ = 	snop  }
0x90: {  	(tm) =	ssettm $0x1  }
0x91: {  	s17 =	sld [smem:$0x3FFB];
	_ =	sdelay $0x3  }
0x92: {  	_ =	strace s17  }
0x93: {  	s2 =	sld [smem:$0x3FFC];
	_ =	sdelay $0x3  }
0x94: {  	_ =	strace s2  }
0x95: {  	s2 =	sld [smem:$0x3FFD];
	_ =	sdelay $0x3  }
0x96: {  	_ =	strace s2  }
0x97: {  	_ =	strace $0x8FFFFFFF  }
0x98: {  	s18 =	sld [smem:$0x3FDB];
	_ =	sdelay $0x1  }
0x99: {  	s19 =	simm.s32 $_scs_section_size  }
0x9a: {  	s4 =	simm.s32 $_size__tile_overlayer_lowered;
	s5 =	simm.s32 $_tile_overlayer_lowered  }
0x9b: {  	s22 =	simm.s32 $0x1BFF;
	s21 =	sshll.u32 s5, $0x1;
	s2 =	sadd.s32 s19, s18  }
0x9c: {  	s6 =	simm.s32 $0x0;
	s20 =	sshll.u32 s4, $0x1;
	s4 =	sadd.s32 s21, s2  }
0x9d: {  	[timem:s6], [sflag:s22] =	dma.local [hbm:s4], s20  }
0x9e: {  	_ =	swait.ge [sflag:s22], s20  }
0x9f: {  	s3 =	ssub.s32 $0x0, s20;
	[sflag:s22] =	ssyncset.done $0x0  }
0xa0: {  	[sflag:s22] =	ssyncadd.s32 s3;
	_ =	sdelay $0x1  }
0xa1: {  	s23 =	simm.s32 $0x1B8B  }
0xa2: {  	_ =	swait.ge [sflag:s23], $0x1  }
0xa3: {  	[sflag:s23] =	ssyncset.done $0x0  }
0xa4: {  	s25 =	simm.s32 $0x1B8E;
	s24 =	sld [smem:$0x3FFE];
	[sflag:s23] =	ssyncadd.s32 $0xFFFFFFFF  }
0xa5: {  	s26 =	simm.s32 $execute0_lowered;
	[smem:$0x3FD2] =	sst s25  }
0xa6: {  	s4 =	sshll.u32 s26, $0x1;
	_ =	strace $0x80000046;
	[dreg:$0x1] =	wrdreg $0xFFFFFFFF  }
0xa7: {  	s28 =	simm.s32 $_size_execute0_lowered;
	s2 =	sadd.s32 s2, s4;
	[dreg:$0x0] =	wrdreg $0x0  }
0xa8: {  	s4 =	sshll.u32 s28, $0x1;
	[dreg:$0x2] =	wrdreg s2  }
0xa9: {  	[dreg:$0x3] =	wrdreg s4  }
0xaa: {  	[dreg:$0x4] =	wrdreg $0xC0  }
0xab: {  	_ =	task [dreg:s6], $0x5FFFF  }
0xac: {  	[dreg:$0x1] =	wrdreg $0xFFFFFFFF  }
0xad: {  	[dreg:$0x0] =	wrdreg $0x60  }
0xae: {  	[dreg:$0x2] =	wrdreg s24  }
0xaf: {  	[dreg:$0x3] =	wrdreg $0x9  }
0xb0: {  	_ =	task.clear_ibuf [dreg:s6], $0x4FFFF;
	_ =	strace $0x90000046  }
0xb1: {  	s29 =	simm.s32 $0x9;
	_ =	strace $0x80000048  }
0xb2: {  	_ =	swait.ge [sflag:s29], $0x1  }
0xb3: {  	[sflag:s29] =	ssyncadd.s32 $0xFFFFFFFF  }
0xb4: {  	_ =	strace $0x90000048  }
0xb5: {  	_ =	sfence  }
0xb6: {  	s30 =	sld [smem:$0x0];
	_ =	sdelay $0x2  }
0xb7: {  	s31 =	sshll.u32 s1, $0xD;
	s1 =	sshrl.u32 s1, $0x2  }
0xb8: {  	s3 =	sand.u32 $0x4000, s31;
	s1 =	sadd.s32 s1, s30  }
0xb9: {  	s0 =	sor.u32 s3, s0;
	s1 =	sshll.u32 s1, $0x11  }
0xba: {  	s0 =	sor.u32 s1, s0  }
0xbb: {  	s0 =	sadd.s32 $0x8F2B, s0  }
0xbc: {  	[sflag:s0] =	ssyncadd.remote.s32 $0x1  }
0xbd: {  	_ =	sfence.sel $0xFFFF  }
0xbe: {  	[dreg:$0x0] =	wrdreg $0xFFFFFFFF;
	(pc) =	sbr.abs _section_cstart, $3  }
0xbf: {  	[dreg:$0x1] =	wrdreg $0xFFFFFFFF  }
0xc0: {  	_ =	task.clear_ibuf [dreg:s6], $0x2FFFF;
	_ =	strace $0x9FFFFFFF  }
0xc1: {  	(tm) =	ssettm $0x7FFFFFFF  }
tec
execute0_lowered:
.L_overlay_start_1:
0x0: {  	(tag) =	ssettag $0x1  }
0x1: {  	s0 =	srdreg.scid  }
0x2: {  	s3 =	sand.u32 $0x1, s0  }
0x3: {  	s4 =	rddreg [dreg:$0x0];
	s0 =	stileid.u32;
	s1 =	sshll.u32 s3, $0x4  }
0x4: {  	s2 =	simm.s32 $0x0;
	s8 =	simm.s32 $0x80;
	s5 =	sor.u32 s0, s1  }
0x5: {  	s9 =	simm.s32 $0x400;
	[smem:$0x7FF] =	sst s2;
	s6 =	sshrl.u32 s5, $0x3  }
0x6: {  	s7 =	sshll.u32 s0, $0x7;
	s3 =	ssub.s32 $0x2, s3;
	s6 =	smul.u32 $0x14000, s6  }
0x7: {  	s1 =	rddreg [dreg:$0x1];
	s7 =	sand.u32 $0x380, s7;
	s5 =	smul.u32 $0x500, s5  }
0x8: {  	_ =	strace $0x80000047;
	s30 =	sshrl.u32 s3, $0x1;
	s6 =	sor.u32 s7, s6  }
0x9: {  	s31 =	ssub.s32 s3, s30;
	s5 =	sadd.s32 s5, s4;
	s6 =	sshrl.u32 s6, $0x3  }
0xa: {  	s3 =	sadd.s32 $0x4600, s5;
	s5 =	smax.u32 s31, $0x1;
	s4 =	sadd.s32 s6, s4  }
0xb: {  	v0 =	vimm.f32 $0.0e+00;
	v1 =	vimm.f32 $1.000000000e+00;
	s7 =	simm.s32 $0x2800;
	s6 =	simm.s32 $0x1;
	s4 =	sadd.s32 $0xE600, s4  }
.LBB2_1:
0xc: {  	s10 =	simm.s32 $0x40;
	s11 =	simm.s32 $0x0  }
.LBB2_2:
0xd: {  	p0 =	sne.s32 s10, $0x9FC0;
	[tilespmem:s11+$0x2800] =	vst v0;
	s11 =	smov.u32 s10;
	s10 =	sadd.s32 $0x40, s10  }
.Ltmp0:
0xe: {  	(pc) =	sbr.rel @p0 .LBB2_2-.Ltmp0, $2  }
0xf: {  	_ =	sdelay $0x2  }
0x10: {  	s11 =	sshra.s32 s11, $0x2  }
0x11: {  	[tilespmem:s11+$0x2800] =	vst v0;
	s10 =	simm.s32 $0x0  }
0x12: {  	[tilespmem:s10], [sflag:$0x1] =	stream.linear.gather [hbm4b:s3+s10], $0x2800, $0x38;
	[tilespmem:$0x5000] =	vst v63  }
0x13: {  	_ =	swait.ge [sflag:s6], $0x2800  }
0x14: {  	[sflag:s6] =	ssyncset.done $0x0  }
0x15: {  	[sflag:s6] =	ssyncadd.s32 $0xFFFFD800  }
.LBB2_4:
0x16: {  	s11 =	sshra.s32 s10, $0x2  }
0x17: {  	v2 =	vld [tilespmem:s11+$0x0];
	_ =	sdelay $0x7  }
0x18: {  	[tilespmem:v2+s7+$0x0] =	vst.idx.add.f32.msk $0xffff, v1  }
0x19: {  	v2 =	vld [tilespmem:s11+$0x10];
	_ =	sdelay $0x7  }
0x1a: {  	[tilespmem:v2+s7+$0x0] =	vst.idx.add.f32.msk $0xffff, v1  }
0x1b: {  	v2 =	vld [tilespmem:s11+$0x20];
	_ =	sdelay $0x7  }
0x1c: {  	[tilespmem:v2+s7+$0x0] =	vst.idx.add.f32.msk $0xffff, v1  }
0x1d: {  	v2 =	vld [tilespmem:s11+$0x30];
	_ =	sdelay $0x7  }
0x1e: {  	[tilespmem:v2+s7+$0x0] =	vst.idx.add.f32.msk $0xffff, v1  }
0x1f: {  	v2 =	vld [tilespmem:s11+$0x40];
	_ =	sdelay $0x7  }
0x20: {  	[tilespmem:v2+s7+$0x0] =	vst.idx.add.f32.msk $0xffff, v1  }
0x21: {  	v2 =	vld [tilespmem:s11+$0x50];
	_ =	sdelay $0x7  }
0x22: {  	[tilespmem:v2+s7+$0x0] =	vst.idx.add.f32.msk $0xffff, v1  }
0x23: {  	v2 =	vld [tilespmem:s11+$0x60];
	_ =	sdelay $0x7  }
0x24: {  	[tilespmem:v2+s7+$0x0] =	vst.idx.add.f32.msk $0xffff, v1  }
0x25: {  	v2 =	vld [tilespmem:s11+$0x70];
	_ =	sdelay $0x2  }
0x26: {  	p0 =	sne.s32 s10, $0x9E00  }
.Ltmp1:
0x27: {  	_ = 	snop;
	(pc) =	sbr.rel @p0 .LBB2_4-.Ltmp1, $2  }
0x28: {  	_ =	sdelay $0x2  }
0x29: {  	s10 =	sadd.s32 $0x200, s10;
	[tilespmem:v2+s7+$0x0] =	vst.idx.add.f32.msk $0xffff, v1  }
0x2a: {  	s2 =	sadd.s32 $0x1, s2  }
0x2b: {  	p0 =	sne.s32 s2, s5  }
.Ltmp2:
0x2c: {  	_ = 	snop;
	(pc) =	sbr.rel @p0 .LBB2_1-.Ltmp2, $4  }
0x2d: {  	[hbm4b:s4+s8] =	stream.strided.scatter [tilespmem:s7], [sflag:$0x1], $0x2800, s9, s8, $0x38;
	[tilespmem:$0x5000] =	vst v63  }
0x2e: {  	_ =	swait.ge [sflag:s6], $0x2800  }
0x2f: {  	[sflag:s6] =	ssyncset.done $0x0  }
0x30: {  	[sflag:s6] =	ssyncadd.s32 $0xFFFFD800  }
0x31: {  	_ =	sfence.sel $0x180000  }
0x32: {  	[bflag:$0x0] =	sbarrier.arrive $0xFFFF  }
0x33: {  	p0 =	sne.s32 s0, $0x0;
	_ =	strace $0x90000047  }
0x34: {  	s0 =	sadd.s32 @!p0 $0x100000, s1;
	[bflag:$0x2] =	sbarrier.arrive $0xFFFF  }
0x35: {  	[sflag:s0] =	ssyncadd.tile.s32 @!p0 $0x1;
	_ =	shalt  }
.Lfunc_end2:
_tile_overlayer_lowered:
.L_overlay_start_2:
0x36: {  	(tag) =	ssettag $0x2  }
0x37: {  	s0 =	rddreg [dreg:$0x0];
	s2 =	stileid.u32  }
0x38: {  	s1 =	rddreg [dreg:$0x1];
	p0 =	sne.s32 s2, $0x0  }
0x39: {  	s3 =	rddreg [dreg:$0x2];
	[bflag:$0x3] =	sbarrier.arrive $0xFFFF;
	s2 =	simm.s32 @!p0 $0x1C01  }
0x3a: {  	[timem:s3], [sflag:s2] =	dma.local @!p0 [hbm:s0], s1  }
0x3b: {  	s0 =	simm.s32 @!p0 $0x1  }
0x3c: {  	_ =	swait.ge @!p0 [sflag:s0], s1  }
0x3d: {  	s1 =	ssub.s32 @!p0 $0x0, s1;
	[sflag:s0] =	ssyncset.done @!p0 $0x0  }
0x3e: {  	[sflag:s0] =	ssyncadd.s32 @!p0 s1  }
0x3f: {  	[bflag:$0x3] =	sbarrier.arrive $0xFFFF  }
0x40: {  	_ =	shalt  }

// kernel: _run.13.cloned.1.call-start
scs
__scs_entry_jumppad:
0x0: {  	(pc) =	sbr.rel $0x88, $3  }
0x1: {  	(tag) =	ssettag $0x0;
	lr =	simm.s32 $0x1  }
0x2: {  	[smem:$0x3F95] =	sst lr;
	_ =	strace $0xD0000000  }
0x3: {  	_ = 	snop  }
0x4: {  	_ = 	snop  }
0x5: {  	_ = 	snop  }
0x6: {  	_ = 	snop  }
0x7: {  	_ = 	snop  }
__scs_overlays_trampoline_lowered:
0x8: {  	[smem:$0x3FA4] =	sst s0  }
0x9: {  	[smem:$0x3FA5] =	sst s1  }
0xa: {  	[smem:$0x3FA6] =	sst s2  }
0xb: {  	[smem:$0x3FA7] =	sst s3  }
0xc: {  	[smem:$0x3FA8] =	sst s4  }
0xd: {  	[smem:$0x3FA9] =	sst s5  }
0xe: {  	[smem:$0x3FAA] =	sst s6  }
0xf: {  	[smem:$0x3FAB] =	sst s7  }
0x10: {  	[smem:$0x3FAC] =	sst s8  }
0x11: {  	[smem:$0x3FAD] =	sst s9;
	s0 =	simm.s32 @!p0 $0x0  }
0x12: {  	s1 =	sld [smem:$0x3F93];
	s0 =	simm.s32 @p0 $0x1  }
0x13: {  	[smem:$0x3FAE] =	sst s0;
	s0 =	simm.s32 @!p1 $0x0  }
0x14: {  	s2 =	sld [smem:$0x3F92];
	s0 =	simm.s32 @p1 $0x1  }
0x15: {  	[smem:$0x3FAF] =	sst s0;
	s0 =	simm.s32 @!p2 $0x0  }
0x16: {  	s3 =	sld [smem:$0x3FDB];
	s0 =	simm.s32 @p2 $0x1  }
0x17: {  	s4 =	simm.s32 $0x1BF5;
	[smem:$0x3FB1] =	sst s0  }
0x18: {  	s0 =	sld [smem:$0x3F94];
	_ =	swait.ge [sflag:s4], $0x0  }
0x19: {  	s7 =	sld [smem:$0x3F95]  }
0x1a: {  	s8 =	sadd.s32 $0xFFFFE003, lr  }
0x1b: {  	s9 =	sadd.s32 $0xFFFFFEF7, lr;
	s5 =	simm.s32 $0xFFFFFFFF;
	p2 =	slt.u32 s8, $0xFFFFF086  }
0x1c: {  	p1 =	slt.u32 s9, $0xF7A;
	s5 =	simm.s32 @!p2 $0x0  }
0x1d: {  	s5 =	simm.s32 @p1 $0x1;
	p0 =	seq.s32 s7, s2  }
0x1e: {  	s7 =	smul.u32 @!p0 $0xF7A, s2;
	p2 =	seq.s32 @!p0 s5, $0x0  }
0x1f: {  	s9 =	smul.u32 $0xF7A, s1;
	s8 =	simm.s32 @!p0 $0x1BF5;
	p2 =	por !p2, p0  }
0x20: {  	[sflag:s8] =	ssyncset.s32 @!p0 $0xFFFFF086;
	s6 =	sadd.s32 @!p0 s3, s7;
	s7 =	simm.s32 @!p0 $0x108  }
0x21: {  	s3 =	sadd.s32 s3, s9;
	s6 =	sadd.s32 @!p0 $0x88, s6;
	s7 =	simm.s32 @p2 $0x1082  }
0x22: {  	[simem:s7], [sflag:s8] =	dma.local @!p0 [hbm:s6], $0xF7A  }
0x23: {  	s9 =	sor.u32 $0xD0000000, s2;
	s6 =	simm.s32 $0x108;
	_ =	swait.ge @!p0 [sflag:s8], $0x0  }
0x24: {  	s3 =	sadd.s32 $0x88, s3;
	s6 =	simm.s32 @!p1 $0x1082;
	[sflag:s4] =	ssyncset.s32 $0xFFFFF086  }
0x25: {  	[simem:s6], [sflag:s4] =	dma.local [hbm:s3], $0xF7A  }
0x26: {  	[smem:$0x3F95] =	sst s1;
	(tag) =	ssettag s2;
	_ =	strace s9  }
0x27: {  	s1 =	sld [smem:$0x3FA5]  }
0x28: {  	s2 =	sld [smem:$0x3FA6]  }
0x29: {  	s4 =	sld [smem:$0x3FA8]  }
0x2a: {  	p0 =	seq.s32 s5, $0x0;
	s5 =	sld [smem:$0x3FA9]  }
0x2b: {  	s6 =	sld [smem:$0x3FAA]  }
0x2c: {  	s7 =	sld [smem:$0x3FAB]  }
0x2d: {  	s3 =	simm.s32 $0x108;
	s8 =	sld [smem:$0x3FAC]  }
0x2e: {  	s3 =	simm.s32 @!p0 $0x1082;
	s9 =	sld [smem:$0x3FAD]  }
0x2f: {  	lr =	sadd.s32 s0, s3;
	s0 =	sld [smem:$0x3FA4]  }
0x30: {  	s3 =	sld [smem:$0x3FA7]  }
0x31: {  	[smem:$0x3FB0] =	sst s10  }
0x32: {  	s10 =	sld [smem:$0x3FAE];
	_ =	sdelay $0x3  }
0x33: {  	p0 =	seq.s32 s10, $0x1;
	s10 =	sld [smem:$0x3FB0];
	_ =	sdelay $0x3  }
0x34: {  	[smem:$0x3FB0] =	sst s10  }
0x35: {  	s10 =	sld [smem:$0x3FAF];
	_ =	sdelay $0x3  }
0x36: {  	p1 =	seq.s32 s10, $0x1;
	s10 =	sld [smem:$0x3FB0];
	_ =	sdelay $0x3  }
0x37: {  	[smem:$0x3FB0] =	sst s10  }
0x38: {  	s10 =	sld [smem:$0x3FB1]  }
0x39: {  	_ = 	snop;
	(pc) =	sbr.ind lr, $3  }
0x3a: {  	_ = 	snop  }
0x3b: {  	_ = 	snop  }
0x3c: {  	p2 =	seq.s32 s10, $0x1;
	s10 =	sld [smem:$0x3FB0]  }
0x3d: {  	_ =	shalt  }
0x3e: {  	_ =	shalt  }
0x3f: {  	_ =	shalt  }
0x40: {  	_ =	shalt  }
0x41: {  	_ =	shalt  }
0x42: {  	_ =	shalt  }
0x43: {  	_ =	shalt  }
0x44: {  	_ =	shalt  }
0x45: {  	_ =	shalt  }
0x46: {  	_ =	shalt  }
0x47: {  	_ =	shalt  }
0x48: {  	_ =	shalt  }
0x49: {  	_ =	shalt  }
0x4a: {  	_ =	shalt  }
0x4b: {  	_ =	shalt  }
0x4c: {  	_ =	shalt  }
0x4d: {  	_ =	shalt  }
0x4e: {  	_ =	shalt  }
0x4f: {  	_ =	shalt  }
0x50: {  	_ =	shalt  }
0x51: {  	_ =	shalt  }
0x52: {  	_ =	shalt  }
0x53: {  	_ =	shalt  }
0x54: {  	_ =	shalt  }
0x55: {  	_ =	shalt  }
0x56: {  	_ =	shalt  }
0x57: {  	_ =	shalt  }
0x58: {  	_ =	shalt  }
0x59: {  	_ =	shalt  }
0x5a: {  	_ =	shalt  }
0x5b: {  	_ =	shalt  }
0x5c: {  	_ =	shalt  }
0x5d: {  	_ =	shalt  }
0x5e: {  	_ =	shalt  }
0x5f: {  	_ =	shalt  }
0x60: {  	_ =	shalt  }
0x61: {  	_ =	shalt  }
0x62: {  	_ =	shalt  }
0x63: {  	_ =	shalt  }
0x64: {  	_ =	shalt  }
0x65: {  	_ =	shalt  }
0x66: {  	_ =	shalt  }
0x67: {  	_ =	shalt  }
0x68: {  	_ =	shalt  }
0x69: {  	_ =	shalt  }
0x6a: {  	_ =	shalt  }
0x6b: {  	_ =	shalt  }
0x6c: {  	_ =	shalt  }
0x6d: {  	_ =	shalt  }
0x6e: {  	_ =	shalt  }
0x6f: {  	_ =	shalt  }
0x70: {  	_ =	shalt  }
0x71: {  	_ =	shalt  }
0x72: {  	_ =	shalt  }
0x73: {  	_ =	shalt  }
0x74: {  	_ =	shalt  }
0x75: {  	_ =	shalt  }
0x76: {  	_ =	shalt  }
0x77: {  	_ =	shalt  }
0x78: {  	_ =	shalt  }
0x79: {  	_ =	shalt  }
0x7a: {  	_ =	shalt  }
0x7b: {  	_ =	shalt  }
0x7c: {  	_ =	shalt  }
0x7d: {  	_ =	shalt  }
0x7e: {  	_ =	shalt  }
0x7f: {  	_ =	shalt  }
0x80: {  	_ =	shalt  }
0x81: {  	_ =	shalt  }
0x82: {  	_ =	shalt  }
0x83: {  	_ =	shalt  }
0x84: {  	_ =	shalt  }
0x85: {  	_ =	shalt  }
0x86: {  	_ =	shalt  }
0x87: {  	_ =	shalt  }
.Lfunc_end0:
.L_simem_size_0:
called_computation.1_lowered:
.L_overlay_start_0:
0x88: {  	s2 =	sld [smem:$0x3FD9]  }
0x89: {  	s3 =	sld [smem:$0x3FFE];
	_ =	sdelay $0x1  }
0x8a: {  	s1 =	srdreg.scid  }
0x8b: {  	s0 =	sand.u32 $0x1, s1  }
0x8c: {  	s17 =	sshll.u32 s0, $0xA;
	s2 =	sadd.s32 s3, s2  }
0x8d: {  	s2 =	sadd.s32 s2, s17  }
0x8e: {  	[smem:$0x3FBC] =	sst s2  }
0x8f: {  	_ = 	snop  }
0x90: {  	s2 =	sld [smem:$0x3FD0];
	(tm) =	ssettm $0x1  }
0x91: {  	s18 =	sld [smem:$0x3FFB];
	_ =	sdelay $0x3  }
0x92: {  	_ =	strace s18  }
0x93: {  	s3 =	sld [smem:$0x3FFC];
	_ =	sdelay $0x3  }
0x94: {  	_ =	strace s3  }
0x95: {  	s3 =	sld [smem:$0x3FFD];
	_ =	sdelay $0x3  }
0x96: {  	_ =	strace s3  }
0x97: {  	_ =	strace $0x8FFFFFFF  }
0x98: {  	s19 =	sld [smem:$0x3FDB];
	_ =	sdelay $0x1  }
0x99: {  	s4 =	simm.s32 $_scs_section_size  }
0x9a: {  	s5 =	simm.s32 $_size__tile_overlayer_lowered;
	s6 =	simm.s32 $_tile_overlayer_lowered  }
0x9b: {  	s22 =	simm.s32 $0x1BFF;
	s21 =	sshll.u32 s6, $0x1;
	s3 =	sadd.s32 s4, s19  }
0x9c: {  	s7 =	simm.s32 $0x0;
	s20 =	sshll.u32 s5, $0x1;
	s5 =	sadd.s32 s21, s3  }
0x9d: {  	[timem:s7], [sflag:s22] =	dma.local [hbm:s5], s20  }
0x9e: {  	_ =	swait.ge [sflag:s22], s20  }
0x9f: {  	s4 =	ssub.s32 $0x0, s20;
	[sflag:s22] =	ssyncset.done $0x0  }
0xa0: {  	[sflag:s22] =	ssyncadd.s32 s4;
	_ =	sdelay $0x1  }
0xa1: {  	s23 =	simm.s32 $0x1B8B  }
0xa2: {  	_ =	swait.ge [sflag:s23], $0x1  }
0xa3: {  	[sflag:s23] =	ssyncset.done $0x0  }
0xa4: {  	s25 =	simm.s32 $0x1B8E;
	s24 =	sld [smem:$0x3FFE];
	[sflag:s23] =	ssyncadd.s32 $0xFFFFFFFF  }
0xa5: {  	s26 =	simm.s32 $execute0_lowered;
	[smem:$0x3FD2] =	sst s25  }
0xa6: {  	s5 =	sshll.u32 s26, $0x1;
	_ =	strace $0x80000049;
	[dreg:$0x1] =	wrdreg $0xFFFFFFFF  }
0xa7: {  	s28 =	simm.s32 $_size_execute0_lowered;
	s3 =	sadd.s32 s3, s5;
	[dreg:$0x0] =	wrdreg $0x0  }
0xa8: {  	s5 =	sshll.u32 s28, $0x1;
	[dreg:$0x2] =	wrdreg s3  }
0xa9: {  	[dreg:$0x3] =	wrdreg s5  }
0xaa: {  	[dreg:$0x4] =	wrdreg $0xC0  }
0xab: {  	_ =	task [dreg:s7], $0x5FFFF  }
0xac: {  	[dreg:$0x1] =	wrdreg $0xFFFFFFFF  }
0xad: {  	[dreg:$0x0] =	wrdreg $0x60  }
0xae: {  	[dreg:$0x2] =	wrdreg s24  }
0xaf: {  	[dreg:$0x3] =	wrdreg s2  }
0xb0: {  	[dreg:$0x4] =	wrdreg $0xA8000  }
0xb1: {  	[dreg:$0x5] =	wrdreg $0x9  }
0xb2: {  	_ =	task.clear_ibuf [dreg:s7], $0x6FFFF;
	_ =	strace $0x90000049  }
0xb3: {  	s29 =	simm.s32 $0x9;
	_ =	strace $0x8000004B  }
0xb4: {  	_ =	swait.ge [sflag:s29], $0x1  }
0xb5: {  	[sflag:s29] =	ssyncadd.s32 $0xFFFFFFFF  }
0xb6: {  	_ =	strace $0x9000004B  }
0xb7: {  	_ =	sfence  }
0xb8: {  	s30 =	sld [smem:$0x0];
	_ =	sdelay $0x2  }
0xb9: {  	s31 =	sshll.u32 s1, $0xD;
	s1 =	sshrl.u32 s1, $0x2  }
0xba: {  	s3 =	sand.u32 $0x4000, s31;
	s1 =	sadd.s32 s1, s30  }
0xbb: {  	s0 =	sor.u32 s3, s0;
	s1 =	sshll.u32 s1, $0x11  }
0xbc: {  	s0 =	sor.u32 s1, s0  }
0xbd: {  	s0 =	sadd.s32 $0x8F2B, s0  }
0xbe: {  	[sflag:s0] =	ssyncadd.remote.s32 $0x1  }
0xbf: {  	_ =	sfence.sel $0xFFFF  }
0xc0: {  	[dreg:$0x0] =	wrdreg $0xFFFFFFFF;
	(pc) =	sbr.abs _section_cstart, $3  }
0xc1: {  	[dreg:$0x1] =	wrdreg $0xFFFFFFFF  }
0xc2: {  	_ =	task.clear_ibuf [dreg:s7], $0x2FFFF;
	_ =	strace $0x9FFFFFFF  }
0xc3: {  	(tm) =	ssettm $0x7FFFFFFF  }
tec
execute0_lowered:
.L_overlay_start_1:
0x0: {  	(tag) =	ssettag $0x1  }
0x1: {  	s0 =	rddreg [dreg:$0x0]  }
0x2: {  	s2 =	rddreg [dreg:$0x1]  }
0x3: {  	s1 =	rddreg [dreg:$0x2]  }
0x4: {  	s3 =	simm.s32 $0x0;
	s4 =	srdreg.scid;
	s18 =	stileid.u32  }
0x5: {  	s12 =	simm.s32 $0x36600;
	s20 =	simm.s32 $0x6;
	s21 =	simm.s32 $0x1400  }
0x6: {  	s22 =	simm.s32 $0x80;
	s28 =	simm.s32 $0x100;
	s29 =	simm.s32 $0x2  }
0x7: {  	s30 =	simm.s32 $0x1480;
	s31 =	simm.s32 $0x4;
	s5 =	smul.u32 $0x50000, s18  }
0x8: {  	[smem:$0x7FF] =	sst s3;
	s7 =	sand.u32 $0x1, s4;
	s11 =	smul.u32 $0x50, s18  }
0x9: {  	s4 =	sadd.s32 $0xE600, s0;
	s9 =	sadd.s32 $0x4600, s0;
	s13 =	smul.u32 $0x2800, s18  }
0xa: {  	_ =	strace $0x8000004A;
	s6 =	ssub.s32 $0x2, s7;
	s8 =	smul.u32 $0x500, s7  }
0xb: {  	p0 =	seq.s32 s7, $0x0;
	s10 =	sshrl.u32 s6, $0x1;
	s5 =	sshrl.u32 s5, $0x2  }
0xc: {  	s23 =	sadd.s32 s4, s13;
	s12 =	simm.s32 @!p0 $0x5E600;
	p0 =	sne.s32 s7, $0x0  }
0xd: {  	s7 =	simm.s32 $0x2780;
	s10 =	ssub.s32 s6, s10;
	s5 =	sadd.s32 s5, s1  }
0xe: {  	s8 =	sadd.s32 s11, s8;
	s6 =	sadd.s32 $0x35700, s0;
	[dreg:$0x4] =	wrdreg s23  }
0xf: {  	s0 =	sadd.s32 s12, s0;
	s23 =	simm.s32 $0x2800;
	s16 =	sadd.s32 $0x7800, s5  }
0x10: {  	s8 =	sshll.u32 s8, $0x4;
	s17 =	sadd.s32 $0xF000, s5;
	s12 =	smax.u32 s10, $0x1  }
0x11: {  	s13 =	sadd.s32 s0, s13;
	s15 =	sshrl.u32 @p0 s5, $0x3;
	s0 =	sshll.u32 @!p0 s18, $0x6  }
0x12: {  	s19 =	sshrl.u32 @!p0 s5, $0x3;
	s24 =	sadd.s32 s2, s8;
	s25 =	sadd.s32 s9, s8  }
0x13: {  	s8 =	sadd.s32 $0x280, s8;
	s16 =	sshrl.u32 @p0 s16, $0x3;
	[dreg:$0x5] =	wrdreg s24  }
0x14: {  	s17 =	sshrl.u32 @p0 s17, $0x3;
	[dreg:$0x6] =	wrdreg s25;
	s2 =	sadd.s32 s2, s8  }
0x15: {  	s26 =	sadd.s32 s9, s8;
	s24 =	simm.s32 $0x6800;
	[dreg:$0x7] =	wrdreg s2  }
0x16: {  	s25 =	simm.s32 $0x1;
	s8 =	simm.s32 $0x0;
	[dreg:$0x8] =	wrdreg s26  }
0x17: {  	s2 =	sshll.u32 @p0 s18, $0x6;
	s18 =	sor.u32 @!p0 $0x1C06, s0;
	s26 =	simm.s32 $0x3  }
0x18: {  	s0 =	simm.s32 $0x1380;
	s14 =	sor.u32 @p0 $0x1C05, s2;
	s2 =	simm.s32 $0x2700  }
.LBB2_1:
0x19: {  	[spmem:s15], [sflag:s14] =	dma.local @p0 [hbm:s6], $0xF00  }
0x1a: {  	s9 =	simm.s32 @p0 $0x5  }
0x1b: {  	[spmem:s16], [sflag:s14] =	dma.local @p0 [hbm:s6], $0xF00  }
0x1c: {  	[spmem:s17], [sflag:s14] =	dma.local @p0 [hbm:s6], $0xA00  }
0x1d: {  	_ =	swait.ge @p0 [sflag:s9], $0xF00  }
0x1e: {  	[sflag:s9] =	ssyncset.done @p0 $0x0  }
0x1f: {  	[sflag:s9] =	ssyncadd.s32 @p0 $0xFFFFF100  }
0x20: {  	_ =	swait.ge @p0 [sflag:s9], $0xF00  }
0x21: {  	[sflag:s9] =	ssyncset.done @p0 $0x0  }
0x22: {  	[sflag:s9] =	ssyncadd.s32 @p0 $0xFFFFF100  }
0x23: {  	_ =	swait.ge @p0 [sflag:s9], $0xA00  }
0x24: {  	[sflag:s9] =	ssyncset.done @p0 $0x0  }
0x25: {  	[sflag:s9] =	ssyncadd.s32 @p0 $0xFFFFF600;
	s9 =	rddreg [dreg:$0x4]  }
0x26: {  	[spmem:s19], [sflag:s18] =	dma.local @!p0 [hbm:s9], $0x2800  }
0x27: {  	s9 =	simm.s32 @!p0 $0x6  }
0x28: {  	_ =	swait.ge @!p0 [sflag:s9], $0x2800  }
0x29: {  	[sflag:s9] =	ssyncset.done @!p0 $0x0  }
0x2a: {  	[sflag:s9] =	ssyncadd.s32 @!p0 $0xFFFFD800  }
0x2b: {  	[bflag:$0x0] =	sbarrier.arrive $0xFFFF  }
0x2c: {  	s11 =	rddreg [dreg:$0x5]  }
0x2d: {  	[tilespmem:s3], [sflag:$0x6] =	stream.linear.gather [hbm4b:s11+s3], $0x1400, $0x38;
	[tilespmem:$0x1E800] =	vst v63  }
0x2e: {  	_ =	swait.ge [sflag:s20], $0x1400  }
0x2f: {  	[sflag:s20] =	ssyncset.done $0x0  }
0x30: {  	s10 =	rddreg [dreg:$0x6];
	[sflag:s20] =	ssyncadd.s32 $0xFFFFEC00  }
0x31: {  	[tilespmem:s21], [sflag:$0x6] =	stream.linear.gather [hbm4b:s10+s3], $0x1400, $0x38;
	[tilespmem:$0x1E800] =	vst v63  }
0x32: {  	_ =	swait.ge [sflag:s20], $0x1400  }
0x33: {  	[sflag:s20] =	ssyncset.done $0x0  }
0x34: {  	[sflag:s20] =	ssyncadd.s32 $0xFFFFEC00  }
0x35: {  	[tilespmem:s23], [sflag:$0x1] =	stream.indirect.gather [hbm4b:s4+s22], $0x80, s3, s22, $0xb8;
	[tilespmem:$0x1E800] =	vst v63  }
0x36: {  	_ = 	snop  }
0x37: {  	[tilespmem:s24], [sflag:$0x2] =	stream.indirect.gather [hbm4b:s4+s22], $0x80, s22, s22, $0xb8;
	[tilespmem:$0x1E800] =	vst v63  }
0x38: {  	_ =	swait.ge [sflag:s25], $0x4000  }
0x39: {  	[sflag:s25] =	ssyncset.done $0x0  }
0x3a: {  	[sflag:s25] =	ssyncadd.s32 $0xFFFFC000  }
0x3b: {  	[spmem:s1] =	stream.indirect.scatter.add.f32 [tilespmem:s23], [sflag:$0x3], $0x80, s21, s22, $0xb8;
	[tilespmem:$0x1E800] =	vst v63  }
0x3c: {  	_ =	swait.ge [sflag:s26], $0x4000  }
0x3d: {  	[sflag:s26] =	ssyncset.done $0x0  }
0x3e: {  	[sflag:s26] =	ssyncadd.s32 $0xFFFFC000  }
0x3f: {  	[tilespmem:s23], [sflag:$0x1] =	stream.indirect.gather [hbm4b:s4+s22], $0x80, s28, s22, $0xb8;
	[tilespmem:$0x1E800] =	vst v63  }
0x40: {  	_ =	swait.ge [sflag:s29], $0x4000  }
0x41: {  	[sflag:s29] =	ssyncset.done $0x0  }
0x42: {  	[sflag:s29] =	ssyncadd.s32 $0xFFFFC000  }
0x43: {  	[spmem:s1] =	stream.indirect.scatter.add.f32 [tilespmem:s24], [sflag:$0x4], $0x80, s30, s22, $0xb8;
	[tilespmem:$0x1E800] =	vst v63  }
0x44: {  	_ =	swait.ge [sflag:s31], $0x4000  }
0x45: {  	[sflag:s31] =	ssyncset.done $0x0  }
0x46: {  	s11 =	simm.s32 $0x180;
	[sflag:s31] =	ssyncadd.s32 $0xFFFFC000  }
0x47: {  	[tilespmem:s24], [sflag:$0x2] =	stream.indirect.gather [hbm4b:s4+s22], $0x80, s11, s22, $0xb8;
	[tilespmem:$0x1E800] =	vst v63  }
0x48: {  	_ =	swait.ge [sflag:s25], $0x4000  }
0x49: {  	[sflag:s25] =	ssyncset.done $0x0  }
0x4a: {  	s10 =	simm.s32 $0x1500;
	[sflag:s25] =	ssyncadd.s32 $0xFFFFC000  }
0x4b: {  	[spmem:s1] =	stream.indirect.scatter.add.f32 [tilespmem:s23], [sflag:$0x3], $0x80, s10, s22, $0xb8;
	[tilespmem:$0x1E800] =	vst v63  }
0x4c: {  	_ =	swait.ge [sflag:s26], $0x4000  }
0x4d: {  	[sflag:s26] =	ssyncset.done $0x0  }
0x4e: {  	s11 =	simm.s32 $0x200;
	[sflag:s26] =	ssyncadd.s32 $0xFFFFC000  }
0x4f: {  	[tilespmem:s23], [sflag:$0x1] =	stream.indirect.gather [hbm4b:s4+s22], $0x80, s11, s22, $0xb8;
	[tilespmem:$0x1E800] =	vst v63  }
0x50: {  	_ =	swait.ge [sflag:s29], $0x4000  }
0x51: {  	[sflag:s29] =	ssyncset.done $0x0  }
0x52: {  	s9 =	simm.s32 $0xFFFFBC00;
	s10 =	simm.s32 $0x1580;
	[sflag:s29] =	ssyncadd.s32 $0xFFFFC000  }
.LBB2_2:
0x53: {  	[spmem:s1] =	stream.indirect.scatter.add.f32 [tilespmem:s24], [sflag:$0x4], $0x80, s10, s22, $0xb8;
	[tilespmem:$0x1E800] =	vst v63  }
0x54: {  	s10 =	smov.u32 s9  }
0x55: {  	p1 =	sne.s32 s9, $0xFFFFFC00;
	s9 =	sadd.s32 $0x400, s9;
	_ =	swait.ge [sflag:s31], $0x4000  }
0x56: {  	s10 =	sshra.s32 s10, $0x2;
	[sflag:s31] =	ssyncset.done $0x0  }
0x57: {  	s11 =	sadd.s32 $0x1380, s10;
	[sflag:s31] =	ssyncadd.s32 $0xFFFFC000  }
0x58: {  	[tilespmem:s24], [sflag:$0x2] =	stream.indirect.gather [hbm4b:s4+s22], $0x80, s11, s22, $0xb8;
	[tilespmem:$0x1E800] =	vst v63  }
0x59: {  	_ =	swait.ge [sflag:s25], $0x4000  }
0x5a: {  	[sflag:s25] =	ssyncset.done $0x0  }
0x5b: {  	s11 =	sadd.s32 $0x2700, s10;
	[sflag:s25] =	ssyncadd.s32 $0xFFFFC000  }
0x5c: {  	[spmem:s1] =	stream.indirect.scatter.add.f32 [tilespmem:s23], [sflag:$0x3], $0x80, s11, s22, $0xb8;
	[tilespmem:$0x1E800] =	vst v63  }
0x5d: {  	_ =	swait.ge [sflag:s26], $0x4000  }
0x5e: {  	[sflag:s26] =	ssyncset.done $0x0  }
.Ltmp0:
0x5f: {  	s11 =	sadd.s32 $0x1400, s10;
	[sflag:s26] =	ssyncadd.s32 $0xFFFFC000;
	(pc) =	sbr.rel @p1 .LBB2_2-.Ltmp0, $4  }
0x60: {  	[tilespmem:s23], [sflag:$0x1] =	stream.indirect.gather [hbm4b:s4+s22], $0x80, s11, s22, $0xb8;
	[tilespmem:$0x1E800] =	vst v63  }
0x61: {  	_ =	swait.ge [sflag:s29], $0x4000  }
0x62: {  	[sflag:s29] =	ssyncset.done $0x0  }
0x63: {  	s10 =	sadd.s32 $0x2780, s10;
	[sflag:s29] =	ssyncadd.s32 $0xFFFFC000  }
0x64: {  	[spmem:s1] =	stream.indirect.scatter.add.f32 [tilespmem:s24], [sflag:$0x4], $0x80, s10, s22, $0xb8;
	[tilespmem:$0x1E800] =	vst v63  }
0x65: {  	_ =	swait.ge [sflag:s31], $0x4000  }
0x66: {  	[sflag:s31] =	ssyncset.done $0x0  }
0x67: {  	[sflag:s31] =	ssyncadd.s32 $0xFFFFC000  }
0x68: {  	[tilespmem:s24], [sflag:$0x2] =	stream.indirect.gather [hbm4b:s4+s22], $0x80, s0, s22, $0xb8;
	[tilespmem:$0x1E800] =	vst v63  }
0x69: {  	_ =	swait.ge [sflag:s25], $0x4000  }
0x6a: {  	[sflag:s25] =	ssyncset.done $0x0  }
0x6b: {  	[sflag:s25] =	ssyncadd.s32 $0xFFFFC000  }
0x6c: {  	[spmem:s1] =	stream.indirect.scatter.add.f32 [tilespmem:s23], [sflag:$0x3], $0x80, s2, s22, $0xb8;
	[tilespmem:$0x1E800] =	vst v63  }
0x6d: {  	_ =	swait.ge [sflag:s29], $0x4000  }
0x6e: {  	[sflag:s29] =	ssyncset.done $0x0  }
0x6f: {  	[sflag:s29] =	ssyncadd.s32 $0xFFFFC000  }
0x70: {  	[spmem:s1] =	stream.indirect.scatter.add.f32 [tilespmem:s24], [sflag:$0x4], $0x80, s7, s22, $0xb8;
	[tilespmem:$0x1E800] =	vst v63  }
0x71: {  	_ =	swait.ge [sflag:s26], $0x4000  }
0x72: {  	[sflag:s26] =	ssyncset.done $0x0  }
0x73: {  	[sflag:s26] =	ssyncadd.s32 $0xFFFFC000  }
0x74: {  	_ =	swait.ge [sflag:s31], $0x4000  }
0x75: {  	[sflag:s31] =	ssyncset.done $0x0  }
0x76: {  	s9 =	rddreg [dreg:$0x7];
	[sflag:s31] =	ssyncadd.s32 $0xFFFFC000  }
0x77: {  	[tilespmem:s3], [sflag:$0x6] =	stream.linear.gather [hbm4b:s9+s3], $0x1400, $0x38;
	[tilespmem:$0x1E800] =	vst v63  }
0x78: {  	_ =	swait.ge [sflag:s20], $0x1400  }
0x79: {  	[sflag:s20] =	ssyncset.done $0x0  }
0x7a: {  	s10 =	rddreg [dreg:$0x8];
	[sflag:s20] =	ssyncadd.s32 $0xFFFFEC00  }
0x7b: {  	[tilespmem:s21], [sflag:$0x6] =	stream.linear.gather [hbm4b:s10+s3], $0x1400, $0x38;
	[tilespmem:$0x1E800] =	vst v63  }
0x7c: {  	_ =	swait.ge [sflag:s20], $0x1400  }
0x7d: {  	[sflag:s20] =	ssyncset.done $0x0  }
0x7e: {  	[sflag:s20] =	ssyncadd.s32 $0xFFFFEC00  }
0x7f: {  	[tilespmem:s23], [sflag:$0x1] =	stream.indirect.gather [hbm4b:s4+s22], $0x80, s3, s22, $0xb8;
	[tilespmem:$0x1E800] =	vst v63  }
0x80: {  	_ = 	snop  }
0x81: {  	[tilespmem:s24], [sflag:$0x2] =	stream.indirect.gather [hbm4b:s4+s22], $0x80, s22, s22, $0xb8;
	[tilespmem:$0x1E800] =	vst v63  }
0x82: {  	_ =	swait.ge [sflag:s25], $0x4000  }
0x83: {  	[sflag:s25] =	ssyncset.done $0x0  }
0x84: {  	[sflag:s25] =	ssyncadd.s32 $0xFFFFC000  }
0x85: {  	[spmem:s1] =	stream.indirect.scatter.add.f32 [tilespmem:s23], [sflag:$0x3], $0x80, s21, s22, $0xb8;
	[tilespmem:$0x1E800] =	vst v63  }
0x86: {  	_ =	swait.ge [sflag:s26], $0x4000  }
0x87: {  	[sflag:s26] =	ssyncset.done $0x0  }
0x88: {  	[sflag:s26] =	ssyncadd.s32 $0xFFFFC000  }
0x89: {  	[tilespmem:s23], [sflag:$0x1] =	stream.indirect.gather [hbm4b:s4+s22], $0x80, s28, s22, $0xb8;
	[tilespmem:$0x1E800] =	vst v63  }
0x8a: {  	_ =	swait.ge [sflag:s29], $0x4000  }
0x8b: {  	[sflag:s29] =	ssyncset.done $0x0  }
0x8c: {  	[sflag:s29] =	ssyncadd.s32 $0xFFFFC000  }
0x8d: {  	[spmem:s1] =	stream.indirect.scatter.add.f32 [tilespmem:s24], [sflag:$0x4], $0x80, s30, s22, $0xb8;
	[tilespmem:$0x1E800] =	vst v63  }
0x8e: {  	_ =	swait.ge [sflag:s31], $0x4000  }
0x8f: {  	[sflag:s31] =	ssyncset.done $0x0  }
0x90: {  	s11 =	simm.s32 $0x180;
	[sflag:s31] =	ssyncadd.s32 $0xFFFFC000  }
0x91: {  	[tilespmem:s24], [sflag:$0x2] =	stream.indirect.gather [hbm4b:s4+s22], $0x80, s11, s22, $0xb8;
	[tilespmem:$0x1E800] =	vst v63  }
0x92: {  	_ =	swait.ge [sflag:s25], $0x4000  }
0x93: {  	[sflag:s25] =	ssyncset.done $0x0  }
0x94: {  	s10 =	simm.s32 $0x1500;
	[sflag:s25] =	ssyncadd.s32 $0xFFFFC000  }
0x95: {  	[spmem:s1] =	stream.indirect.scatter.add.f32 [tilespmem:s23], [sflag:$0x3], $0x80, s10, s22, $0xb8;
	[tilespmem:$0x1E800] =	vst v63  }
0x96: {  	_ =	swait.ge [sflag:s26], $0x4000  }
0x97: {  	[sflag:s26] =	ssyncset.done $0x0  }
0x98: {  	s11 =	simm.s32 $0x200;
	[sflag:s26] =	ssyncadd.s32 $0xFFFFC000  }
0x99: {  	[tilespmem:s23], [sflag:$0x1] =	stream.indirect.gather [hbm4b:s4+s22], $0x80, s11, s22, $0xb8;
	[tilespmem:$0x1E800] =	vst v63  }
0x9a: {  	_ =	swait.ge [sflag:s29], $0x4000  }
0x9b: {  	[sflag:s29] =	ssyncset.done $0x0  }
0x9c: {  	s9 =	simm.s32 $0xFFFFBC00;
	s10 =	simm.s32 $0x1580;
	[sflag:s29] =	ssyncadd.s32 $0xFFFFC000  }
.LBB2_4:
0x9d: {  	[spmem:s1] =	stream.indirect.scatter.add.f32 [tilespmem:s24], [sflag:$0x4], $0x80, s10, s22, $0xb8;
	[tilespmem:$0x1E800] =	vst v63  }
0x9e: {  	s10 =	smov.u32 s9  }
0x9f: {  	p1 =	sne.s32 s9, $0xFFFFFC00;
	s9 =	sadd.s32 $0x400, s9;
	_ =	swait.ge [sflag:s31], $0x4000  }
0xa0: {  	s10 =	sshra.s32 s10, $0x2;
	[sflag:s31] =	ssyncset.done $0x0  }
0xa1: {  	s11 =	sadd.s32 $0x1380, s10;
	[sflag:s31] =	ssyncadd.s32 $0xFFFFC000  }
0xa2: {  	[tilespmem:s24], [sflag:$0x2] =	stream.indirect.gather [hbm4b:s4+s22], $0x80, s11, s22, $0xb8;
	[tilespmem:$0x1E800] =	vst v63  }
0xa3: {  	_ =	swait.ge [sflag:s25], $0x4000  }
0xa4: {  	[sflag:s25] =	ssyncset.done $0x0  }
0xa5: {  	s11 =	sadd.s32 $0x2700, s10;
	[sflag:s25] =	ssyncadd.s32 $0xFFFFC000  }
0xa6: {  	[spmem:s1] =	stream.indirect.scatter.add.f32 [tilespmem:s23], [sflag:$0x3], $0x80, s11, s22, $0xb8;
	[tilespmem:$0x1E800] =	vst v63  }
0xa7: {  	_ =	swait.ge [sflag:s26], $0x4000  }
0xa8: {  	[sflag:s26] =	ssyncset.done $0x0  }
.Ltmp1:
0xa9: {  	s11 =	sadd.s32 $0x1400, s10;
	[sflag:s26] =	ssyncadd.s32 $0xFFFFC000;
	(pc) =	sbr.rel @p1 .LBB2_4-.Ltmp1, $4  }
0xaa: {  	[tilespmem:s23], [sflag:$0x1] =	stream.indirect.gather [hbm4b:s4+s22], $0x80, s11, s22, $0xb8;
	[tilespmem:$0x1E800] =	vst v63  }
0xab: {  	_ =	swait.ge [sflag:s29], $0x4000  }
0xac: {  	[sflag:s29] =	ssyncset.done $0x0  }
0xad: {  	s10 =	sadd.s32 $0x2780, s10;
	[sflag:s29] =	ssyncadd.s32 $0xFFFFC000  }
0xae: {  	[spmem:s1] =	stream.indirect.scatter.add.f32 [tilespmem:s24], [sflag:$0x4], $0x80, s10, s22, $0xb8;
	[tilespmem:$0x1E800] =	vst v63  }
0xaf: {  	_ =	swait.ge [sflag:s31], $0x4000  }
0xb0: {  	[sflag:s31] =	ssyncset.done $0x0  }
0xb1: {  	[sflag:s31] =	ssyncadd.s32 $0xFFFFC000  }
0xb2: {  	[tilespmem:s24], [sflag:$0x2] =	stream.indirect.gather [hbm4b:s4+s22], $0x80, s0, s22, $0xb8;
	[tilespmem:$0x1E800] =	vst v63  }
0xb3: {  	_ =	swait.ge [sflag:s25], $0x4000  }
0xb4: {  	[sflag:s25] =	ssyncset.done $0x0  }
0xb5: {  	[sflag:s25] =	ssyncadd.s32 $0xFFFFC000  }
0xb6: {  	[spmem:s1] =	stream.indirect.scatter.add.f32 [tilespmem:s23], [sflag:$0x3], $0x80, s2, s22, $0xb8;
	[tilespmem:$0x1E800] =	vst v63  }
0xb7: {  	_ =	swait.ge [sflag:s29], $0x4000  }
0xb8: {  	[sflag:s29] =	ssyncset.done $0x0  }
0xb9: {  	[sflag:s29] =	ssyncadd.s32 $0xFFFFC000  }
0xba: {  	[spmem:s1] =	stream.indirect.scatter.add.f32 [tilespmem:s24], [sflag:$0x4], $0x80, s7, s22, $0xb8;
	[tilespmem:$0x1E800] =	vst v63  }
0xbb: {  	_ =	swait.ge [sflag:s26], $0x4000  }
0xbc: {  	[sflag:s26] =	ssyncset.done $0x0  }
0xbd: {  	[sflag:s26] =	ssyncadd.s32 $0xFFFFC000  }
0xbe: {  	s9 =	stileid.u32;
	_ =	swait.ge [sflag:s31], $0x4000  }
0xbf: {  	s11 =	sshrl.u32 s5, $0x3;
	s8 =	sadd.s32 $0x1, s8;
	[sflag:s31] =	ssyncset.done $0x0  }
0xc0: {  	s9 =	sshll.u32 s9, $0x6;
	p1 =	sne.s32 s8, s12;
	[sflag:s31] =	ssyncadd.s32 $0xFFFFC000  }
.Ltmp2:
0xc1: {  	s9 =	sor.u32 $0x1C06, s9;
	[bflag:$0x0] =	sbarrier.arrive $0xFFFF;
	(pc) =	sbr.rel @p1 .LBB2_1-.Ltmp2, $4  }
0xc2: {  	[hbm:s13], [sflag:s9] =	dma.local [spmem:s11], $0x2800  }
0xc3: {  	_ =	swait.ge [sflag:s20], $0x2800  }
0xc4: {  	[sflag:s20] =	ssyncset.done $0x0  }
0xc5: {  	[sflag:s20] =	ssyncadd.s32 $0xFFFFD800  }
0xc6: {  	_ =	sfence.sel $0x180000  }
0xc7: {  	[bflag:$0x0] =	sbarrier.arrive $0xFFFF  }
0xc8: {  	_ =	strace $0x9000004A  }
0xc9: {  	s0 =	stileid.u32;
	[bflag:$0x2] =	sbarrier.arrive $0xFFFF  }
0xca: {  	p0 =	sne.s32 s0, $0x0;
	s0 =	rddreg [dreg:$0x3]  }
0xcb: {  	s0 =	sadd.s32 @!p0 $0x100000, s0  }
0xcc: {  	[sflag:s0] =	ssyncadd.tile.s32 @!p0 $0x1;
	_ =	shalt  }
.Lfunc_end2:
_tile_overlayer_lowered:
.L_overlay_start_2:
0xcd: {  	(tag) =	ssettag $0x2  }
0xce: {  	s0 =	rddreg [dreg:$0x0];
	s2 =	stileid.u32  }
0xcf: {  	s1 =	rddreg [dreg:$0x1];
	p0 =	sne.s32 s2, $0x0  }
0xd0: {  	s3 =	rddreg [dreg:$0x2];
	[bflag:$0x3] =	sbarrier.arrive $0xFFFF;
	s2 =	simm.s32 @!p0 $0x1C06  }
0xd1: {  	[timem:s3], [sflag:s2] =	dma.local @!p0 [hbm:s0], s1  }
0xd2: {  	s0 =	simm.s32 @!p0 $0x6  }
0xd3: {  	_ =	swait.ge @!p0 [sflag:s0], s1  }
0xd4: {  	s1 =	ssub.s32 @!p0 $0x0, s1;
	[sflag:s0] =	ssyncset.done @!p0 $0x0  }
0xd5: {  	[sflag:s0] =	ssyncadd.s32 @!p0 s1  }
0xd6: {  	[bflag:$0x3] =	sbarrier.arrive $0xFFFF  }
0xd7: {  	_ =	shalt  }

// kernel: _run.16.cloned.1.call-start
scs
__scs_entry_jumppad:
0x0: {  	(pc) =	sbr.rel $0x88, $3  }
0x1: {  	(tag) =	ssettag $0x0;
	lr =	simm.s32 $0x1  }
0x2: {  	[smem:$0x3F95] =	sst lr;
	_ =	strace $0xD0000000  }
0x3: {  	_ = 	snop  }
0x4: {  	_ = 	snop  }
0x5: {  	_ = 	snop  }
0x6: {  	_ = 	snop  }
0x7: {  	_ = 	snop  }
__scs_overlays_trampoline_lowered:
0x8: {  	[smem:$0x3FA4] =	sst s0  }
0x9: {  	[smem:$0x3FA5] =	sst s1  }
0xa: {  	[smem:$0x3FA6] =	sst s2  }
0xb: {  	[smem:$0x3FA7] =	sst s3  }
0xc: {  	[smem:$0x3FA8] =	sst s4  }
0xd: {  	[smem:$0x3FA9] =	sst s5  }
0xe: {  	[smem:$0x3FAA] =	sst s6  }
0xf: {  	[smem:$0x3FAB] =	sst s7  }
0x10: {  	[smem:$0x3FAC] =	sst s8  }
0x11: {  	[smem:$0x3FAD] =	sst s9;
	s0 =	simm.s32 @!p0 $0x0  }
0x12: {  	s1 =	sld [smem:$0x3F93];
	s0 =	simm.s32 @p0 $0x1  }
0x13: {  	[smem:$0x3FAE] =	sst s0;
	s0 =	simm.s32 @!p1 $0x0  }
0x14: {  	s2 =	sld [smem:$0x3F92];
	s0 =	simm.s32 @p1 $0x1  }
0x15: {  	[smem:$0x3FAF] =	sst s0;
	s0 =	simm.s32 @!p2 $0x0  }
0x16: {  	s3 =	sld [smem:$0x3FDB];
	s0 =	simm.s32 @p2 $0x1  }
0x17: {  	s4 =	simm.s32 $0x1BF5;
	[smem:$0x3FB1] =	sst s0  }
0x18: {  	s0 =	sld [smem:$0x3F94];
	_ =	swait.ge [sflag:s4], $0x0  }
0x19: {  	s7 =	sld [smem:$0x3F95]  }
0x1a: {  	s8 =	sadd.s32 $0xFFFFE003, lr  }
0x1b: {  	s9 =	sadd.s32 $0xFFFFFEF7, lr;
	s5 =	simm.s32 $0xFFFFFFFF;
	p2 =	slt.u32 s8, $0xFFFFF086  }
0x1c: {  	p1 =	slt.u32 s9, $0xF7A;
	s5 =	simm.s32 @!p2 $0x0  }
0x1d: {  	s5 =	simm.s32 @p1 $0x1;
	p0 =	seq.s32 s7, s2  }
0x1e: {  	s7 =	smul.u32 @!p0 $0xF7A, s2;
	p2 =	seq.s32 @!p0 s5, $0x0  }
0x1f: {  	s9 =	smul.u32 $0xF7A, s1;
	s8 =	simm.s32 @!p0 $0x1BF5;
	p2 =	por !p2, p0  }
0x20: {  	[sflag:s8] =	ssyncset.s32 @!p0 $0xFFFFF086;
	s6 =	sadd.s32 @!p0 s3, s7;
	s7 =	simm.s32 @!p0 $0x108  }
0x21: {  	s3 =	sadd.s32 s3, s9;
	s6 =	sadd.s32 @!p0 $0x88, s6;
	s7 =	simm.s32 @p2 $0x1082  }
0x22: {  	[simem:s7], [sflag:s8] =	dma.local @!p0 [hbm:s6], $0xF7A  }
0x23: {  	s9 =	sor.u32 $0xD0000000, s2;
	s6 =	simm.s32 $0x108;
	_ =	swait.ge @!p0 [sflag:s8], $0x0  }
0x24: {  	s3 =	sadd.s32 $0x88, s3;
	s6 =	simm.s32 @!p1 $0x1082;
	[sflag:s4] =	ssyncset.s32 $0xFFFFF086  }
0x25: {  	[simem:s6], [sflag:s4] =	dma.local [hbm:s3], $0xF7A  }
0x26: {  	[smem:$0x3F95] =	sst s1;
	(tag) =	ssettag s2;
	_ =	strace s9  }
0x27: {  	s1 =	sld [smem:$0x3FA5]  }
0x28: {  	s2 =	sld [smem:$0x3FA6]  }
0x29: {  	s4 =	sld [smem:$0x3FA8]  }
0x2a: {  	p0 =	seq.s32 s5, $0x0;
	s5 =	sld [smem:$0x3FA9]  }
0x2b: {  	s6 =	sld [smem:$0x3FAA]  }
0x2c: {  	s7 =	sld [smem:$0x3FAB]  }
0x2d: {  	s3 =	simm.s32 $0x108;
	s8 =	sld [smem:$0x3FAC]  }
0x2e: {  	s3 =	simm.s32 @!p0 $0x1082;
	s9 =	sld [smem:$0x3FAD]  }
0x2f: {  	lr =	sadd.s32 s0, s3;
	s0 =	sld [smem:$0x3FA4]  }
0x30: {  	s3 =	sld [smem:$0x3FA7]  }
0x31: {  	[smem:$0x3FB0] =	sst s10  }
0x32: {  	s10 =	sld [smem:$0x3FAE];
	_ =	sdelay $0x3  }
0x33: {  	p0 =	seq.s32 s10, $0x1;
	s10 =	sld [smem:$0x3FB0];
	_ =	sdelay $0x3  }
0x34: {  	[smem:$0x3FB0] =	sst s10  }
0x35: {  	s10 =	sld [smem:$0x3FAF];
	_ =	sdelay $0x3  }
0x36: {  	p1 =	seq.s32 s10, $0x1;
	s10 =	sld [smem:$0x3FB0];
	_ =	sdelay $0x3  }
0x37: {  	[smem:$0x3FB0] =	sst s10  }
0x38: {  	s10 =	sld [smem:$0x3FB1]  }
0x39: {  	_ = 	snop;
	(pc) =	sbr.ind lr, $3  }
0x3a: {  	_ = 	snop  }
0x3b: {  	_ = 	snop  }
0x3c: {  	p2 =	seq.s32 s10, $0x1;
	s10 =	sld [smem:$0x3FB0]  }
0x3d: {  	_ =	shalt  }
0x3e: {  	_ =	shalt  }
0x3f: {  	_ =	shalt  }
0x40: {  	_ =	shalt  }
0x41: {  	_ =	shalt  }
0x42: {  	_ =	shalt  }
0x43: {  	_ =	shalt  }
0x44: {  	_ =	shalt  }
0x45: {  	_ =	shalt  }
0x46: {  	_ =	shalt  }
0x47: {  	_ =	shalt  }
0x48: {  	_ =	shalt  }
0x49: {  	_ =	shalt  }
0x4a: {  	_ =	shalt  }
0x4b: {  	_ =	shalt  }
0x4c: {  	_ =	shalt  }
0x4d: {  	_ =	shalt  }
0x4e: {  	_ =	shalt  }
0x4f: {  	_ =	shalt  }
0x50: {  	_ =	shalt  }
0x51: {  	_ =	shalt  }
0x52: {  	_ =	shalt  }
0x53: {  	_ =	shalt  }
0x54: {  	_ =	shalt  }
0x55: {  	_ =	shalt  }
0x56: {  	_ =	shalt  }
0x57: {  	_ =	shalt  }
0x58: {  	_ =	shalt  }
0x59: {  	_ =	shalt  }
0x5a: {  	_ =	shalt  }
0x5b: {  	_ =	shalt  }
0x5c: {  	_ =	shalt  }
0x5d: {  	_ =	shalt  }
0x5e: {  	_ =	shalt  }
0x5f: {  	_ =	shalt  }
0x60: {  	_ =	shalt  }
0x61: {  	_ =	shalt  }
0x62: {  	_ =	shalt  }
0x63: {  	_ =	shalt  }
0x64: {  	_ =	shalt  }
0x65: {  	_ =	shalt  }
0x66: {  	_ =	shalt  }
0x67: {  	_ =	shalt  }
0x68: {  	_ =	shalt  }
0x69: {  	_ =	shalt  }
0x6a: {  	_ =	shalt  }
0x6b: {  	_ =	shalt  }
0x6c: {  	_ =	shalt  }
0x6d: {  	_ =	shalt  }
0x6e: {  	_ =	shalt  }
0x6f: {  	_ =	shalt  }
0x70: {  	_ =	shalt  }
0x71: {  	_ =	shalt  }
0x72: {  	_ =	shalt  }
0x73: {  	_ =	shalt  }
0x74: {  	_ =	shalt  }
0x75: {  	_ =	shalt  }
0x76: {  	_ =	shalt  }
0x77: {  	_ =	shalt  }
0x78: {  	_ =	shalt  }
0x79: {  	_ =	shalt  }
0x7a: {  	_ =	shalt  }
0x7b: {  	_ =	shalt  }
0x7c: {  	_ =	shalt  }
0x7d: {  	_ =	shalt  }
0x7e: {  	_ =	shalt  }
0x7f: {  	_ =	shalt  }
0x80: {  	_ =	shalt  }
0x81: {  	_ =	shalt  }
0x82: {  	_ =	shalt  }
0x83: {  	_ =	shalt  }
0x84: {  	_ =	shalt  }
0x85: {  	_ =	shalt  }
0x86: {  	_ =	shalt  }
0x87: {  	_ =	shalt  }
.Lfunc_end0:
.L_simem_size_0:
called_computation.2_lowered:
.L_overlay_start_0:
0x88: {  	s2 =	sld [smem:$0x3FD9]  }
0x89: {  	s3 =	sld [smem:$0x3FFE];
	_ =	sdelay $0x1  }
0x8a: {  	s1 =	srdreg.scid  }
0x8b: {  	s0 =	sand.u32 $0x1, s1  }
0x8c: {  	s17 =	sshll.u32 s0, $0xA;
	s2 =	sadd.s32 s3, s2  }
0x8d: {  	s2 =	sadd.s32 s2, s17  }
0x8e: {  	[smem:$0x3FBC] =	sst s2  }
0x8f: {  	_ = 	snop  }
0x90: {  	s2 =	sld [smem:$0x3FD0];
	(tm) =	ssettm $0x1  }
0x91: {  	s18 =	sld [smem:$0x3FFB];
	_ =	sdelay $0x3  }
0x92: {  	_ =	strace s18  }
0x93: {  	s3 =	sld [smem:$0x3FFC];
	_ =	sdelay $0x3  }
0x94: {  	_ =	strace s3  }
0x95: {  	s3 =	sld [smem:$0x3FFD];
	_ =	sdelay $0x3  }
0x96: {  	_ =	strace s3  }
0x97: {  	_ =	strace $0x8FFFFFFF  }
0x98: {  	s19 =	sld [smem:$0x3FDB];
	_ =	sdelay $0x1  }
0x99: {  	s4 =	simm.s32 $_scs_section_size  }
0x9a: {  	s5 =	simm.s32 $_size__tile_overlayer_lowered;
	s6 =	simm.s32 $_tile_overlayer_lowered  }
0x9b: {  	s22 =	simm.s32 $0x1BFF;
	s21 =	sshll.u32 s6, $0x1;
	s3 =	sadd.s32 s4, s19  }
0x9c: {  	s7 =	simm.s32 $0x0;
	s20 =	sshll.u32 s5, $0x1;
	s5 =	sadd.s32 s21, s3  }
0x9d: {  	[timem:s7], [sflag:s22] =	dma.local [hbm:s5], s20  }
0x9e: {  	_ =	swait.ge [sflag:s22], s20  }
0x9f: {  	s4 =	ssub.s32 $0x0, s20;
	[sflag:s22] =	ssyncset.done $0x0  }
0xa0: {  	[sflag:s22] =	ssyncadd.s32 s4;
	_ =	sdelay $0x1  }
0xa1: {  	s23 =	simm.s32 $0x1B8B  }
0xa2: {  	_ =	swait.ge [sflag:s23], $0x1  }
0xa3: {  	[sflag:s23] =	ssyncset.done $0x0  }
0xa4: {  	s25 =	simm.s32 $0x1B8E;
	s24 =	sld [smem:$0x3FFE];
	[sflag:s23] =	ssyncadd.s32 $0xFFFFFFFF  }
0xa5: {  	s26 =	simm.s32 $execute0_lowered;
	[smem:$0x3FD2] =	sst s25  }
0xa6: {  	s5 =	sshll.u32 s26, $0x1;
	_ =	strace $0x8000004C;
	[dreg:$0x1] =	wrdreg $0xFFFFFFFF  }
0xa7: {  	s28 =	simm.s32 $_size_execute0_lowered;
	s3 =	sadd.s32 s3, s5;
	[dreg:$0x0] =	wrdreg $0x0  }
0xa8: {  	s5 =	sshll.u32 s28, $0x1;
	[dreg:$0x2] =	wrdreg s3  }
0xa9: {  	[dreg:$0x3] =	wrdreg s5  }
0xaa: {  	[dreg:$0x4] =	wrdreg $0xC0  }
0xab: {  	_ =	task [dreg:s7], $0x5FFFF  }
0xac: {  	[dreg:$0x1] =	wrdreg $0xFFFFFFFF  }
0xad: {  	[dreg:$0x0] =	wrdreg $0x60  }
0xae: {  	[dreg:$0x2] =	wrdreg s24  }
0xaf: {  	[dreg:$0x3] =	wrdreg s2  }
0xb0: {  	[dreg:$0x4] =	wrdreg $0xA8000  }
0xb1: {  	[dreg:$0x5] =	wrdreg $0x9  }
0xb2: {  	_ =	task.clear_ibuf [dreg:s7], $0x6FFFF;
	_ =	strace $0x9000004C  }
0xb3: {  	s29 =	simm.s32 $0x9;
	_ =	strace $0x8000004E  }
0xb4: {  	_ =	swait.ge [sflag:s29], $0x1  }
0xb5: {  	[sflag:s29] =	ssyncadd.s32 $0xFFFFFFFF  }
0xb6: {  	_ =	strace $0x9000004E  }
0xb7: {  	_ =	sfence  }
0xb8: {  	s30 =	sld [smem:$0x0];
	_ =	sdelay $0x2  }
0xb9: {  	s31 =	sshll.u32 s1, $0xD;
	s1 =	sshrl.u32 s1, $0x2  }
0xba: {  	s3 =	sand.u32 $0x4000, s31;
	s1 =	sadd.s32 s1, s30  }
0xbb: {  	s0 =	sor.u32 s3, s0;
	s1 =	sshll.u32 s1, $0x11  }
0xbc: {  	s0 =	sor.u32 s1, s0  }
0xbd: {  	s0 =	sadd.s32 $0x8F2B, s0  }
0xbe: {  	[sflag:s0] =	ssyncadd.remote.s32 $0x1  }
0xbf: {  	_ =	sfence.sel $0xFFFF  }
0xc0: {  	[dreg:$0x0] =	wrdreg $0xFFFFFFFF;
	(pc) =	sbr.abs _section_cstart, $3  }
0xc1: {  	[dreg:$0x1] =	wrdreg $0xFFFFFFFF  }
0xc2: {  	_ =	task.clear_ibuf [dreg:s7], $0x2FFFF;
	_ =	strace $0x9FFFFFFF  }
0xc3: {  	(tm) =	ssettm $0x7FFFFFFF  }
tec
execute0_lowered:
.L_overlay_start_1:
0x0: {  	(tag) =	ssettag $0x1  }
0x1: {  	s0 =	rddreg [dreg:$0x0]  }
0x2: {  	s2 =	rddreg [dreg:$0x1]  }
0x3: {  	s1 =	rddreg [dreg:$0x2]  }
0x4: {  	s3 =	simm.s32 $0x0;
	s4 =	srdreg.scid;
	s18 =	stileid.u32  }
0x5: {  	s12 =	simm.s32 $0x36600;
	s20 =	simm.s32 $0x6;
	s21 =	simm.s32 $0x1400  }
0x6: {  	s22 =	simm.s32 $0x80;
	s28 =	simm.s32 $0x100;
	s29 =	simm.s32 $0x2  }
0x7: {  	s30 =	simm.s32 $0x1480;
	s31 =	simm.s32 $0x4;
	s5 =	smul.u32 $0x50000, s18  }
0x8: {  	[smem:$0x7FF] =	sst s3;
	s7 =	sand.u32 $0x1, s4;
	s11 =	smul.u32 $0x50, s18  }
0x9: {  	s4 =	sadd.s32 $0xE600, s0;
	s9 =	sadd.s32 $0x4600, s0;
	s13 =	smul.u32 $0x2800, s18  }
0xa: {  	_ =	strace $0x8000004D;
	s6 =	ssub.s32 $0x2, s7;
	s8 =	smul.u32 $0x500, s7  }
0xb: {  	p0 =	seq.s32 s7, $0x0;
	s10 =	sshrl.u32 s6, $0x1;
	s5 =	sshrl.u32 s5, $0x2  }
0xc: {  	s23 =	sadd.s32 s4, s13;
	s12 =	simm.s32 @!p0 $0x5E600;
	p0 =	sne.s32 s7, $0x0  }
0xd: {  	s7 =	simm.s32 $0x2780;
	s10 =	ssub.s32 s6, s10;
	s5 =	sadd.s32 s5, s1  }
0xe: {  	s8 =	sadd.s32 s11, s8;
	s6 =	sadd.s32 $0x35700, s0;
	[dreg:$0x4] =	wrdreg s23  }
0xf: {  	s0 =	sadd.s32 s12, s0;
	s23 =	simm.s32 $0x2800;
	s16 =	sadd.s32 $0x7800, s5  }
0x10: {  	s8 =	sshll.u32 s8, $0x4;
	s17 =	sadd.s32 $0xF000, s5;
	s12 =	smax.u32 s10, $0x1  }
0x11: {  	s13 =	sadd.s32 s0, s13;
	s15 =	sshrl.u32 @p0 s5, $0x3;
	s0 =	sshll.u32 @!p0 s18, $0x6  }
0x12: {  	s19 =	sshrl.u32 @!p0 s5, $0x3;
	s24 =	sadd.s32 s2, s8;
	s25 =	sadd.s32 s9, s8  }
0x13: {  	s8 =	sadd.s32 $0x280, s8;
	s16 =	sshrl.u32 @p0 s16, $0x3;
	[dreg:$0x5] =	wrdreg s24  }
0x14: {  	s17 =	sshrl.u32 @p0 s17, $0x3;
	[dreg:$0x6] =	wrdreg s25;
	s2 =	sadd.s32 s2, s8  }
0x15: {  	s26 =	sadd.s32 s9, s8;
	s24 =	simm.s32 $0x6800;
	[dreg:$0x7] =	wrdreg s2  }
0x16: {  	s25 =	simm.s32 $0x1;
	s8 =	simm.s32 $0x0;
	[dreg:$0x8] =	wrdreg s26  }
0x17: {  	s2 =	sshll.u32 @p0 s18, $0x6;
	s18 =	sor.u32 @!p0 $0x1C06, s0;
	s26 =	simm.s32 $0x3  }
0x18: {  	s0 =	simm.s32 $0x1380;
	s14 =	sor.u32 @p0 $0x1C05, s2;
	s2 =	simm.s32 $0x2700  }
.LBB2_1:
0x19: {  	[spmem:s15], [sflag:s14] =	dma.local @p0 [hbm:s6], $0xF00  }
0x1a: {  	s9 =	simm.s32 @p0 $0x5  }
0x1b: {  	[spmem:s16], [sflag:s14] =	dma.local @p0 [hbm:s6], $0xF00  }
0x1c: {  	[spmem:s17], [sflag:s14] =	dma.local @p0 [hbm:s6], $0xA00  }
0x1d: {  	_ =	swait.ge @p0 [sflag:s9], $0xF00  }
0x1e: {  	[sflag:s9] =	ssyncset.done @p0 $0x0  }
0x1f: {  	[sflag:s9] =	ssyncadd.s32 @p0 $0xFFFFF100  }
0x20: {  	_ =	swait.ge @p0 [sflag:s9], $0xF00  }
0x21: {  	[sflag:s9] =	ssyncset.done @p0 $0x0  }
0x22: {  	[sflag:s9] =	ssyncadd.s32 @p0 $0xFFFFF100  }
0x23: {  	_ =	swait.ge @p0 [sflag:s9], $0xA00  }
0x24: {  	[sflag:s9] =	ssyncset.done @p0 $0x0  }
0x25: {  	[sflag:s9] =	ssyncadd.s32 @p0 $0xFFFFF600;
	s9 =	rddreg [dreg:$0x4]  }
0x26: {  	[spmem:s19], [sflag:s18] =	dma.local @!p0 [hbm:s9], $0x2800  }
0x27: {  	s9 =	simm.s32 @!p0 $0x6  }
0x28: {  	_ =	swait.ge @!p0 [sflag:s9], $0x2800  }
0x29: {  	[sflag:s9] =	ssyncset.done @!p0 $0x0  }
0x2a: {  	[sflag:s9] =	ssyncadd.s32 @!p0 $0xFFFFD800  }
0x2b: {  	[bflag:$0x0] =	sbarrier.arrive $0xFFFF  }
0x2c: {  	s11 =	rddreg [dreg:$0x5]  }
0x2d: {  	[tilespmem:s3], [sflag:$0x6] =	stream.linear.gather [hbm4b:s11+s3], $0x1400, $0x38;
	[tilespmem:$0x1E800] =	vst v63  }
0x2e: {  	_ =	swait.ge [sflag:s20], $0x1400  }
0x2f: {  	[sflag:s20] =	ssyncset.done $0x0  }
0x30: {  	s10 =	rddreg [dreg:$0x6];
	[sflag:s20] =	ssyncadd.s32 $0xFFFFEC00  }
0x31: {  	[tilespmem:s21], [sflag:$0x6] =	stream.linear.gather [hbm4b:s10+s3], $0x1400, $0x38;
	[tilespmem:$0x1E800] =	vst v63  }
0x32: {  	_ =	swait.ge [sflag:s20], $0x1400  }
0x33: {  	[sflag:s20] =	ssyncset.done $0x0  }
0x34: {  	[sflag:s20] =	ssyncadd.s32 $0xFFFFEC00  }
0x35: {  	[tilespmem:s23], [sflag:$0x1] =	stream.indirect.gather [hbm4b:s4+s22], $0x80, s3, s22, $0xb8;
	[tilespmem:$0x1E800] =	vst v63  }
0x36: {  	_ = 	snop  }
0x37: {  	[tilespmem:s24], [sflag:$0x2] =	stream.indirect.gather [hbm4b:s4+s22], $0x80, s22, s22, $0xb8;
	[tilespmem:$0x1E800] =	vst v63  }
0x38: {  	_ =	swait.ge [sflag:s25], $0x4000  }
0x39: {  	[sflag:s25] =	ssyncset.done $0x0  }
0x3a: {  	[sflag:s25] =	ssyncadd.s32 $0xFFFFC000  }
0x3b: {  	[spmem:s1] =	stream.indirect.scatter.add.f32 [tilespmem:s23], [sflag:$0x3], $0x80, s21, s22, $0xb8;
	[tilespmem:$0x1E800] =	vst v63  }
0x3c: {  	_ =	swait.ge [sflag:s26], $0x4000  }
0x3d: {  	[sflag:s26] =	ssyncset.done $0x0  }
0x3e: {  	[sflag:s26] =	ssyncadd.s32 $0xFFFFC000  }
0x3f: {  	[tilespmem:s23], [sflag:$0x1] =	stream.indirect.gather [hbm4b:s4+s22], $0x80, s28, s22, $0xb8;
	[tilespmem:$0x1E800] =	vst v63  }
0x40: {  	_ =	swait.ge [sflag:s29], $0x4000  }
0x41: {  	[sflag:s29] =	ssyncset.done $0x0  }
0x42: {  	[sflag:s29] =	ssyncadd.s32 $0xFFFFC000  }
0x43: {  	[spmem:s1] =	stream.indirect.scatter.add.f32 [tilespmem:s24], [sflag:$0x4], $0x80, s30, s22, $0xb8;
	[tilespmem:$0x1E800] =	vst v63  }
0x44: {  	_ =	swait.ge [sflag:s31], $0x4000  }
0x45: {  	[sflag:s31] =	ssyncset.done $0x0  }
0x46: {  	s11 =	simm.s32 $0x180;
	[sflag:s31] =	ssyncadd.s32 $0xFFFFC000  }
0x47: {  	[tilespmem:s24], [sflag:$0x2] =	stream.indirect.gather [hbm4b:s4+s22], $0x80, s11, s22, $0xb8;
	[tilespmem:$0x1E800] =	vst v63  }
0x48: {  	_ =	swait.ge [sflag:s25], $0x4000  }
0x49: {  	[sflag:s25] =	ssyncset.done $0x0  }
0x4a: {  	s10 =	simm.s32 $0x1500;
	[sflag:s25] =	ssyncadd.s32 $0xFFFFC000  }
0x4b: {  	[spmem:s1] =	stream.indirect.scatter.add.f32 [tilespmem:s23], [sflag:$0x3], $0x80, s10, s22, $0xb8;
	[tilespmem:$0x1E800] =	vst v63  }
0x4c: {  	_ =	swait.ge [sflag:s26], $0x4000  }
0x4d: {  	[sflag:s26] =	ssyncset.done $0x0  }
0x4e: {  	s11 =	simm.s32 $0x200;
	[sflag:s26] =	ssyncadd.s32 $0xFFFFC000  }
0x4f: {  	[tilespmem:s23], [sflag:$0x1] =	stream.indirect.gather [hbm4b:s4+s22], $0x80, s11, s22, $0xb8;
	[tilespmem:$0x1E800] =	vst v63  }
0x50: {  	_ =	swait.ge [sflag:s29], $0x4000  }
0x51: {  	[sflag:s29] =	ssyncset.done $0x0  }
0x52: {  	s9 =	simm.s32 $0xFFFFBC00;
	s10 =	simm.s32 $0x1580;
	[sflag:s29] =	ssyncadd.s32 $0xFFFFC000  }
.LBB2_2:
0x53: {  	[spmem:s1] =	stream.indirect.scatter.add.f32 [tilespmem:s24], [sflag:$0x4], $0x80, s10, s22, $0xb8;
	[tilespmem:$0x1E800] =	vst v63  }
0x54: {  	s10 =	smov.u32 s9  }
0x55: {  	p1 =	sne.s32 s9, $0xFFFFFC00;
	s9 =	sadd.s32 $0x400, s9;
	_ =	swait.ge [sflag:s31], $0x4000  }
0x56: {  	s10 =	sshra.s32 s10, $0x2;
	[sflag:s31] =	ssyncset.done $0x0  }
0x57: {  	s11 =	sadd.s32 $0x1380, s10;
	[sflag:s31] =	ssyncadd.s32 $0xFFFFC000  }
0x58: {  	[tilespmem:s24], [sflag:$0x2] =	stream.indirect.gather [hbm4b:s4+s22], $0x80, s11, s22, $0xb8;
	[tilespmem:$0x1E800] =	vst v63  }
0x59: {  	_ =	swait.ge [sflag:s25], $0x4000  }
0x5a: {  	[sflag:s25] =	ssyncset.done $0x0  }
0x5b: {  	s11 =	sadd.s32 $0x2700, s10;
	[sflag:s25] =	ssyncadd.s32 $0xFFFFC000  }
0x5c: {  	[spmem:s1] =	stream.indirect.scatter.add.f32 [tilespmem:s23], [sflag:$0x3], $0x80, s11, s22, $0xb8;
	[tilespmem:$0x1E800] =	vst v63  }
0x5d: {  	_ =	swait.ge [sflag:s26], $0x4000  }
0x5e: {  	[sflag:s26] =	ssyncset.done $0x0  }
.Ltmp0:
0x5f: {  	s11 =	sadd.s32 $0x1400, s10;
	[sflag:s26] =	ssyncadd.s32 $0xFFFFC000;
	(pc) =	sbr.rel @p1 .LBB2_2-.Ltmp0, $4  }
0x60: {  	[tilespmem:s23], [sflag:$0x1] =	stream.indirect.gather [hbm4b:s4+s22], $0x80, s11, s22, $0xb8;
	[tilespmem:$0x1E800] =	vst v63  }
0x61: {  	_ =	swait.ge [sflag:s29], $0x4000  }
0x62: {  	[sflag:s29] =	ssyncset.done $0x0  }
0x63: {  	s10 =	sadd.s32 $0x2780, s10;
	[sflag:s29] =	ssyncadd.s32 $0xFFFFC000  }
0x64: {  	[spmem:s1] =	stream.indirect.scatter.add.f32 [tilespmem:s24], [sflag:$0x4], $0x80, s10, s22, $0xb8;
	[tilespmem:$0x1E800] =	vst v63  }
0x65: {  	_ =	swait.ge [sflag:s31], $0x4000  }
0x66: {  	[sflag:s31] =	ssyncset.done $0x0  }
0x67: {  	[sflag:s31] =	ssyncadd.s32 $0xFFFFC000  }
0x68: {  	[tilespmem:s24], [sflag:$0x2] =	stream.indirect.gather [hbm4b:s4+s22], $0x80, s0, s22, $0xb8;
	[tilespmem:$0x1E800] =	vst v63  }
0x69: {  	_ =	swait.ge [sflag:s25], $0x4000  }
0x6a: {  	[sflag:s25] =	ssyncset.done $0x0  }
0x6b: {  	[sflag:s25] =	ssyncadd.s32 $0xFFFFC000  }
0x6c: {  	[spmem:s1] =	stream.indirect.scatter.add.f32 [tilespmem:s23], [sflag:$0x3], $0x80, s2, s22, $0xb8;
	[tilespmem:$0x1E800] =	vst v63  }
0x6d: {  	_ =	swait.ge [sflag:s29], $0x4000  }
0x6e: {  	[sflag:s29] =	ssyncset.done $0x0  }
0x6f: {  	[sflag:s29] =	ssyncadd.s32 $0xFFFFC000  }
0x70: {  	[spmem:s1] =	stream.indirect.scatter.add.f32 [tilespmem:s24], [sflag:$0x4], $0x80, s7, s22, $0xb8;
	[tilespmem:$0x1E800] =	vst v63  }
0x71: {  	_ =	swait.ge [sflag:s26], $0x4000  }
0x72: {  	[sflag:s26] =	ssyncset.done $0x0  }
0x73: {  	[sflag:s26] =	ssyncadd.s32 $0xFFFFC000  }
0x74: {  	_ =	swait.ge [sflag:s31], $0x4000  }
0x75: {  	[sflag:s31] =	ssyncset.done $0x0  }
0x76: {  	s9 =	rddreg [dreg:$0x7];
	[sflag:s31] =	ssyncadd.s32 $0xFFFFC000  }
0x77: {  	[tilespmem:s3], [sflag:$0x6] =	stream.linear.gather [hbm4b:s9+s3], $0x1400, $0x38;
	[tilespmem:$0x1E800] =	vst v63  }
0x78: {  	_ =	swait.ge [sflag:s20], $0x1400  }
0x79: {  	[sflag:s20] =	ssyncset.done $0x0  }
0x7a: {  	s10 =	rddreg [dreg:$0x8];
	[sflag:s20] =	ssyncadd.s32 $0xFFFFEC00  }
0x7b: {  	[tilespmem:s21], [sflag:$0x6] =	stream.linear.gather [hbm4b:s10+s3], $0x1400, $0x38;
	[tilespmem:$0x1E800] =	vst v63  }
0x7c: {  	_ =	swait.ge [sflag:s20], $0x1400  }
0x7d: {  	[sflag:s20] =	ssyncset.done $0x0  }
0x7e: {  	[sflag:s20] =	ssyncadd.s32 $0xFFFFEC00  }
0x7f: {  	[tilespmem:s23], [sflag:$0x1] =	stream.indirect.gather [hbm4b:s4+s22], $0x80, s3, s22, $0xb8;
	[tilespmem:$0x1E800] =	vst v63  }
0x80: {  	_ = 	snop  }
0x81: {  	[tilespmem:s24], [sflag:$0x2] =	stream.indirect.gather [hbm4b:s4+s22], $0x80, s22, s22, $0xb8;
	[tilespmem:$0x1E800] =	vst v63  }
0x82: {  	_ =	swait.ge [sflag:s25], $0x4000  }
0x83: {  	[sflag:s25] =	ssyncset.done $0x0  }
0x84: {  	[sflag:s25] =	ssyncadd.s32 $0xFFFFC000  }
0x85: {  	[spmem:s1] =	stream.indirect.scatter.add.f32 [tilespmem:s23], [sflag:$0x3], $0x80, s21, s22, $0xb8;
	[tilespmem:$0x1E800] =	vst v63  }
0x86: {  	_ =	swait.ge [sflag:s26], $0x4000  }
0x87: {  	[sflag:s26] =	ssyncset.done $0x0  }
0x88: {  	[sflag:s26] =	ssyncadd.s32 $0xFFFFC000  }
0x89: {  	[tilespmem:s23], [sflag:$0x1] =	stream.indirect.gather [hbm4b:s4+s22], $0x80, s28, s22, $0xb8;
	[tilespmem:$0x1E800] =	vst v63  }
0x8a: {  	_ =	swait.ge [sflag:s29], $0x4000  }
0x8b: {  	[sflag:s29] =	ssyncset.done $0x0  }
0x8c: {  	[sflag:s29] =	ssyncadd.s32 $0xFFFFC000  }
0x8d: {  	[spmem:s1] =	stream.indirect.scatter.add.f32 [tilespmem:s24], [sflag:$0x4], $0x80, s30, s22, $0xb8;
	[tilespmem:$0x1E800] =	vst v63  }
0x8e: {  	_ =	swait.ge [sflag:s31], $0x4000  }
0x8f: {  	[sflag:s31] =	ssyncset.done $0x0  }
0x90: {  	s11 =	simm.s32 $0x180;
	[sflag:s31] =	ssyncadd.s32 $0xFFFFC000  }
0x91: {  	[tilespmem:s24], [sflag:$0x2] =	stream.indirect.gather [hbm4b:s4+s22], $0x80, s11, s22, $0xb8;
	[tilespmem:$0x1E800] =	vst v63  }
0x92: {  	_ =	swait.ge [sflag:s25], $0x4000  }
0x93: {  	[sflag:s25] =	ssyncset.done $0x0  }
0x94: {  	s10 =	simm.s32 $0x1500;
	[sflag:s25] =	ssyncadd.s32 $0xFFFFC000  }
0x95: {  	[spmem:s1] =	stream.indirect.scatter.add.f32 [tilespmem:s23], [sflag:$0x3], $0x80, s10, s22, $0xb8;
	[tilespmem:$0x1E800] =	vst v63  }
0x96: {  	_ =	swait.ge [sflag:s26], $0x4000  }
0x97: {  	[sflag:s26] =	ssyncset.done $0x0  }
0x98: {  	s11 =	simm.s32 $0x200;
	[sflag:s26] =	ssyncadd.s32 $0xFFFFC000  }
0x99: {  	[tilespmem:s23], [sflag:$0x1] =	stream.indirect.gather [hbm4b:s4+s22], $0x80, s11, s22, $0xb8;
	[tilespmem:$0x1E800] =	vst v63  }
0x9a: {  	_ =	swait.ge [sflag:s29], $0x4000  }
0x9b: {  	[sflag:s29] =	ssyncset.done $0x0  }
0x9c: {  	s9 =	simm.s32 $0xFFFFBC00;
	s10 =	simm.s32 $0x1580;
	[sflag:s29] =	ssyncadd.s32 $0xFFFFC000  }
.LBB2_4:
0x9d: {  	[spmem:s1] =	stream.indirect.scatter.add.f32 [tilespmem:s24], [sflag:$0x4], $0x80, s10, s22, $0xb8;
	[tilespmem:$0x1E800] =	vst v63  }
0x9e: {  	s10 =	smov.u32 s9  }
0x9f: {  	p1 =	sne.s32 s9, $0xFFFFFC00;
	s9 =	sadd.s32 $0x400, s9;
	_ =	swait.ge [sflag:s31], $0x4000  }
0xa0: {  	s10 =	sshra.s32 s10, $0x2;
	[sflag:s31] =	ssyncset.done $0x0  }
0xa1: {  	s11 =	sadd.s32 $0x1380, s10;
	[sflag:s31] =	ssyncadd.s32 $0xFFFFC000  }
0xa2: {  	[tilespmem:s24], [sflag:$0x2] =	stream.indirect.gather [hbm4b:s4+s22], $0x80, s11, s22, $0xb8;
	[tilespmem:$0x1E800] =	vst v63  }
0xa3: {  	_ =	swait.ge [sflag:s25], $0x4000  }
0xa4: {  	[sflag:s25] =	ssyncset.done $0x0  }
0xa5: {  	s11 =	sadd.s32 $0x2700, s10;
	[sflag:s25] =	ssyncadd.s32 $0xFFFFC000  }
0xa6: {  	[spmem:s1] =	stream.indirect.scatter.add.f32 [tilespmem:s23], [sflag:$0x3], $0x80, s11, s22, $0xb8;
	[tilespmem:$0x1E800] =	vst v63  }
0xa7: {  	_ =	swait.ge [sflag:s26], $0x4000  }
0xa8: {  	[sflag:s26] =	ssyncset.done $0x0  }
.Ltmp1:
0xa9: {  	s11 =	sadd.s32 $0x1400, s10;
	[sflag:s26] =	ssyncadd.s32 $0xFFFFC000;
	(pc) =	sbr.rel @p1 .LBB2_4-.Ltmp1, $4  }
0xaa: {  	[tilespmem:s23], [sflag:$0x1] =	stream.indirect.gather [hbm4b:s4+s22], $0x80, s11, s22, $0xb8;
	[tilespmem:$0x1E800] =	vst v63  }
0xab: {  	_ =	swait.ge [sflag:s29], $0x4000  }
0xac: {  	[sflag:s29] =	ssyncset.done $0x0  }
0xad: {  	s10 =	sadd.s32 $0x2780, s10;
	[sflag:s29] =	ssyncadd.s32 $0xFFFFC000  }
0xae: {  	[spmem:s1] =	stream.indirect.scatter.add.f32 [tilespmem:s24], [sflag:$0x4], $0x80, s10, s22, $0xb8;
	[tilespmem:$0x1E800] =	vst v63  }
0xaf: {  	_ =	swait.ge [sflag:s31], $0x4000  }
0xb0: {  	[sflag:s31] =	ssyncset.done $0x0  }
0xb1: {  	[sflag:s31] =	ssyncadd.s32 $0xFFFFC000  }
0xb2: {  	[tilespmem:s24], [sflag:$0x2] =	stream.indirect.gather [hbm4b:s4+s22], $0x80, s0, s22, $0xb8;
	[tilespmem:$0x1E800] =	vst v63  }
0xb3: {  	_ =	swait.ge [sflag:s25], $0x4000  }
0xb4: {  	[sflag:s25] =	ssyncset.done $0x0  }
0xb5: {  	[sflag:s25] =	ssyncadd.s32 $0xFFFFC000  }
0xb6: {  	[spmem:s1] =	stream.indirect.scatter.add.f32 [tilespmem:s23], [sflag:$0x3], $0x80, s2, s22, $0xb8;
	[tilespmem:$0x1E800] =	vst v63  }
0xb7: {  	_ =	swait.ge [sflag:s29], $0x4000  }
0xb8: {  	[sflag:s29] =	ssyncset.done $0x0  }
0xb9: {  	[sflag:s29] =	ssyncadd.s32 $0xFFFFC000  }
0xba: {  	[spmem:s1] =	stream.indirect.scatter.add.f32 [tilespmem:s24], [sflag:$0x4], $0x80, s7, s22, $0xb8;
	[tilespmem:$0x1E800] =	vst v63  }
0xbb: {  	_ =	swait.ge [sflag:s26], $0x4000  }
0xbc: {  	[sflag:s26] =	ssyncset.done $0x0  }
0xbd: {  	[sflag:s26] =	ssyncadd.s32 $0xFFFFC000  }
0xbe: {  	s9 =	stileid.u32;
	_ =	swait.ge [sflag:s31], $0x4000  }
0xbf: {  	s11 =	sshrl.u32 s5, $0x3;
	s8 =	sadd.s32 $0x1, s8;
	[sflag:s31] =	ssyncset.done $0x0  }
0xc0: {  	s9 =	sshll.u32 s9, $0x6;
	p1 =	sne.s32 s8, s12;
	[sflag:s31] =	ssyncadd.s32 $0xFFFFC000  }
.Ltmp2:
0xc1: {  	s9 =	sor.u32 $0x1C06, s9;
	[bflag:$0x0] =	sbarrier.arrive $0xFFFF;
	(pc) =	sbr.rel @p1 .LBB2_1-.Ltmp2, $4  }
0xc2: {  	[hbm:s13], [sflag:s9] =	dma.local [spmem:s11], $0x2800  }
0xc3: {  	_ =	swait.ge [sflag:s20], $0x2800  }
0xc4: {  	[sflag:s20] =	ssyncset.done $0x0  }
0xc5: {  	[sflag:s20] =	ssyncadd.s32 $0xFFFFD800  }
0xc6: {  	_ =	sfence.sel $0x180000  }
0xc7: {  	[bflag:$0x0] =	sbarrier.arrive $0xFFFF  }
0xc8: {  	_ =	strace $0x9000004D  }
0xc9: {  	s0 =	stileid.u32;
	[bflag:$0x2] =	sbarrier.arrive $0xFFFF  }
0xca: {  	p0 =	sne.s32 s0, $0x0;
	s0 =	rddreg [dreg:$0x3]  }
0xcb: {  	s0 =	sadd.s32 @!p0 $0x100000, s0  }
0xcc: {  	[sflag:s0] =	ssyncadd.tile.s32 @!p0 $0x1;
	_ =	shalt  }
.Lfunc_end2:
_tile_overlayer_lowered:
.L_overlay_start_2:
0xcd: {  	(tag) =	ssettag $0x2  }
0xce: {  	s0 =	rddreg [dreg:$0x0];
	s2 =	stileid.u32  }
0xcf: {  	s1 =	rddreg [dreg:$0x1];
	p0 =	sne.s32 s2, $0x0  }
0xd0: {  	s3 =	rddreg [dreg:$0x2];
	[bflag:$0x3] =	sbarrier.arrive $0xFFFF;
	s2 =	simm.s32 @!p0 $0x1C06  }
0xd1: {  	[timem:s3], [sflag:s2] =	dma.local @!p0 [hbm:s0], s1  }
0xd2: {  	s0 =	simm.s32 @!p0 $0x6  }
0xd3: {  	_ =	swait.ge @!p0 [sflag:s0], s1  }
0xd4: {  	s1 =	ssub.s32 @!p0 $0x0, s1;
	[sflag:s0] =	ssyncset.done @!p0 $0x0  }
0xd5: {  	[sflag:s0] =	ssyncadd.s32 @!p0 s1  }
0xd6: {  	[bflag:$0x3] =	sbarrier.arrive $0xFFFF  }
0xd7: {  	_ =	shalt  }

// kernel: _run.19.cloned.1.call-start
scs
__scs_entry_jumppad:
0x0: {  	(pc) =	sbr.rel $0x88, $3  }
0x1: {  	(tag) =	ssettag $0x0;
	lr =	simm.s32 $0x1  }
0x2: {  	[smem:$0x3F95] =	sst lr;
	_ =	strace $0xD0000000  }
0x3: {  	_ = 	snop  }
0x4: {  	_ = 	snop  }
0x5: {  	_ = 	snop  }
0x6: {  	_ = 	snop  }
0x7: {  	_ = 	snop  }
__scs_overlays_trampoline_lowered:
0x8: {  	[smem:$0x3FA4] =	sst s0  }
0x9: {  	[smem:$0x3FA5] =	sst s1  }
0xa: {  	[smem:$0x3FA6] =	sst s2  }
0xb: {  	[smem:$0x3FA7] =	sst s3  }
0xc: {  	[smem:$0x3FA8] =	sst s4  }
0xd: {  	[smem:$0x3FA9] =	sst s5  }
0xe: {  	[smem:$0x3FAA] =	sst s6  }
0xf: {  	[smem:$0x3FAB] =	sst s7  }
0x10: {  	[smem:$0x3FAC] =	sst s8  }
0x11: {  	[smem:$0x3FAD] =	sst s9;
	s0 =	simm.s32 @!p0 $0x0  }
0x12: {  	s1 =	sld [smem:$0x3F93];
	s0 =	simm.s32 @p0 $0x1  }
0x13: {  	[smem:$0x3FAE] =	sst s0;
	s0 =	simm.s32 @!p1 $0x0  }
0x14: {  	s2 =	sld [smem:$0x3F92];
	s0 =	simm.s32 @p1 $0x1  }
0x15: {  	[smem:$0x3FAF] =	sst s0;
	s0 =	simm.s32 @!p2 $0x0  }
0x16: {  	s3 =	sld [smem:$0x3FDB];
	s0 =	simm.s32 @p2 $0x1  }
0x17: {  	s4 =	simm.s32 $0x1BF5;
	[smem:$0x3FB1] =	sst s0  }
0x18: {  	s0 =	sld [smem:$0x3F94];
	_ =	swait.ge [sflag:s4], $0x0  }
0x19: {  	s7 =	sld [smem:$0x3F95]  }
0x1a: {  	s8 =	sadd.s32 $0xFFFFE003, lr  }
0x1b: {  	s9 =	sadd.s32 $0xFFFFFEF7, lr;
	s5 =	simm.s32 $0xFFFFFFFF;
	p2 =	slt.u32 s8, $0xFFFFF086  }
0x1c: {  	p1 =	slt.u32 s9, $0xF7A;
	s5 =	simm.s32 @!p2 $0x0  }
0x1d: {  	s5 =	simm.s32 @p1 $0x1;
	p0 =	seq.s32 s7, s2  }
0x1e: {  	s7 =	smul.u32 @!p0 $0xF7A, s2;
	p2 =	seq.s32 @!p0 s5, $0x0  }
0x1f: {  	s9 =	smul.u32 $0xF7A, s1;
	s8 =	simm.s32 @!p0 $0x1BF5;
	p2 =	por !p2, p0  }
0x20: {  	[sflag:s8] =	ssyncset.s32 @!p0 $0xFFFFF086;
	s6 =	sadd.s32 @!p0 s3, s7;
	s7 =	simm.s32 @!p0 $0x108  }
0x21: {  	s3 =	sadd.s32 s3, s9;
	s6 =	sadd.s32 @!p0 $0x88, s6;
	s7 =	simm.s32 @p2 $0x1082  }
0x22: {  	[simem:s7], [sflag:s8] =	dma.local @!p0 [hbm:s6], $0xF7A  }
0x23: {  	s9 =	sor.u32 $0xD0000000, s2;
	s6 =	simm.s32 $0x108;
	_ =	swait.ge @!p0 [sflag:s8], $0x0  }
0x24: {  	s3 =	sadd.s32 $0x88, s3;
	s6 =	simm.s32 @!p1 $0x1082;
	[sflag:s4] =	ssyncset.s32 $0xFFFFF086  }
0x25: {  	[simem:s6], [sflag:s4] =	dma.local [hbm:s3], $0xF7A  }
0x26: {  	[smem:$0x3F95] =	sst s1;
	(tag) =	ssettag s2;
	_ =	strace s9  }
0x27: {  	s1 =	sld [smem:$0x3FA5]  }
0x28: {  	s2 =	sld [smem:$0x3FA6]  }
0x29: {  	s4 =	sld [smem:$0x3FA8]  }
0x2a: {  	p0 =	seq.s32 s5, $0x0;
	s5 =	sld [smem:$0x3FA9]  }
0x2b: {  	s6 =	sld [smem:$0x3FAA]  }
0x2c: {  	s7 =	sld [smem:$0x3FAB]  }
0x2d: {  	s3 =	simm.s32 $0x108;
	s8 =	sld [smem:$0x3FAC]  }
0x2e: {  	s3 =	simm.s32 @!p0 $0x1082;
	s9 =	sld [smem:$0x3FAD]  }
0x2f: {  	lr =	sadd.s32 s0, s3;
	s0 =	sld [smem:$0x3FA4]  }
0x30: {  	s3 =	sld [smem:$0x3FA7]  }
0x31: {  	[smem:$0x3FB0] =	sst s10  }
0x32: {  	s10 =	sld [smem:$0x3FAE];
	_ =	sdelay $0x3  }
0x33: {  	p0 =	seq.s32 s10, $0x1;
	s10 =	sld [smem:$0x3FB0];
	_ =	sdelay $0x3  }
0x34: {  	[smem:$0x3FB0] =	sst s10  }
0x35: {  	s10 =	sld [smem:$0x3FAF];
	_ =	sdelay $0x3  }
0x36: {  	p1 =	seq.s32 s10, $0x1;
	s10 =	sld [smem:$0x3FB0];
	_ =	sdelay $0x3  }
0x37: {  	[smem:$0x3FB0] =	sst s10  }
0x38: {  	s10 =	sld [smem:$0x3FB1]  }
0x39: {  	_ = 	snop;
	(pc) =	sbr.ind lr, $3  }
0x3a: {  	_ = 	snop  }
0x3b: {  	_ = 	snop  }
0x3c: {  	p2 =	seq.s32 s10, $0x1;
	s10 =	sld [smem:$0x3FB0]  }
0x3d: {  	_ =	shalt  }
0x3e: {  	_ =	shalt  }
0x3f: {  	_ =	shalt  }
0x40: {  	_ =	shalt  }
0x41: {  	_ =	shalt  }
0x42: {  	_ =	shalt  }
0x43: {  	_ =	shalt  }
0x44: {  	_ =	shalt  }
0x45: {  	_ =	shalt  }
0x46: {  	_ =	shalt  }
0x47: {  	_ =	shalt  }
0x48: {  	_ =	shalt  }
0x49: {  	_ =	shalt  }
0x4a: {  	_ =	shalt  }
0x4b: {  	_ =	shalt  }
0x4c: {  	_ =	shalt  }
0x4d: {  	_ =	shalt  }
0x4e: {  	_ =	shalt  }
0x4f: {  	_ =	shalt  }
0x50: {  	_ =	shalt  }
0x51: {  	_ =	shalt  }
0x52: {  	_ =	shalt  }
0x53: {  	_ =	shalt  }
0x54: {  	_ =	shalt  }
0x55: {  	_ =	shalt  }
0x56: {  	_ =	shalt  }
0x57: {  	_ =	shalt  }
0x58: {  	_ =	shalt  }
0x59: {  	_ =	shalt  }
0x5a: {  	_ =	shalt  }
0x5b: {  	_ =	shalt  }
0x5c: {  	_ =	shalt  }
0x5d: {  	_ =	shalt  }
0x5e: {  	_ =	shalt  }
0x5f: {  	_ =	shalt  }
0x60: {  	_ =	shalt  }
0x61: {  	_ =	shalt  }
0x62: {  	_ =	shalt  }
0x63: {  	_ =	shalt  }
0x64: {  	_ =	shalt  }
0x65: {  	_ =	shalt  }
0x66: {  	_ =	shalt  }
0x67: {  	_ =	shalt  }
0x68: {  	_ =	shalt  }
0x69: {  	_ =	shalt  }
0x6a: {  	_ =	shalt  }
0x6b: {  	_ =	shalt  }
0x6c: {  	_ =	shalt  }
0x6d: {  	_ =	shalt  }
0x6e: {  	_ =	shalt  }
0x6f: {  	_ =	shalt  }
0x70: {  	_ =	shalt  }
0x71: {  	_ =	shalt  }
0x72: {  	_ =	shalt  }
0x73: {  	_ =	shalt  }
0x74: {  	_ =	shalt  }
0x75: {  	_ =	shalt  }
0x76: {  	_ =	shalt  }
0x77: {  	_ =	shalt  }
0x78: {  	_ =	shalt  }
0x79: {  	_ =	shalt  }
0x7a: {  	_ =	shalt  }
0x7b: {  	_ =	shalt  }
0x7c: {  	_ =	shalt  }
0x7d: {  	_ =	shalt  }
0x7e: {  	_ =	shalt  }
0x7f: {  	_ =	shalt  }
0x80: {  	_ =	shalt  }
0x81: {  	_ =	shalt  }
0x82: {  	_ =	shalt  }
0x83: {  	_ =	shalt  }
0x84: {  	_ =	shalt  }
0x85: {  	_ =	shalt  }
0x86: {  	_ =	shalt  }
0x87: {  	_ =	shalt  }
.Lfunc_end0:
.L_simem_size_0:
called_computation.3_lowered:
.L_overlay_start_0:
0x88: {  	s2 =	sld [smem:$0x3FD9]  }
0x89: {  	s3 =	sld [smem:$0x3FFE];
	_ =	sdelay $0x1  }
0x8a: {  	s1 =	srdreg.scid  }
0x8b: {  	s0 =	sand.u32 $0x1, s1  }
0x8c: {  	s17 =	sshll.u32 s0, $0xA;
	s2 =	sadd.s32 s3, s2  }
0x8d: {  	s2 =	sadd.s32 s2, s17  }
0x8e: {  	[smem:$0x3FBC] =	sst s2  }
0x8f: {  	_ = 	snop  }
0x90: {  	s2 =	sld [smem:$0x3FD0];
	(tm) =	ssettm $0x1  }
0x91: {  	s18 =	sld [smem:$0x3FFB];
	_ =	sdelay $0x3  }
0x92: {  	_ =	strace s18  }
0x93: {  	s3 =	sld [smem:$0x3FFC];
	_ =	sdelay $0x3  }
0x94: {  	_ =	strace s3  }
0x95: {  	s3 =	sld [smem:$0x3FFD];
	_ =	sdelay $0x3  }
0x96: {  	_ =	strace s3  }
0x97: {  	_ =	strace $0x8FFFFFFF  }
0x98: {  	s19 =	sld [smem:$0x3FDB];
	_ =	sdelay $0x1  }
0x99: {  	s4 =	simm.s32 $_scs_section_size  }
0x9a: {  	s5 =	simm.s32 $_size__tile_overlayer_lowered;
	s6 =	simm.s32 $_tile_overlayer_lowered  }
0x9b: {  	s22 =	simm.s32 $0x1BFF;
	s21 =	sshll.u32 s6, $0x1;
	s3 =	sadd.s32 s4, s19  }
0x9c: {  	s7 =	simm.s32 $0x0;
	s20 =	sshll.u32 s5, $0x1;
	s5 =	sadd.s32 s21, s3  }
0x9d: {  	[timem:s7], [sflag:s22] =	dma.local [hbm:s5], s20  }
0x9e: {  	_ =	swait.ge [sflag:s22], s20  }
0x9f: {  	s4 =	ssub.s32 $0x0, s20;
	[sflag:s22] =	ssyncset.done $0x0  }
0xa0: {  	[sflag:s22] =	ssyncadd.s32 s4;
	_ =	sdelay $0x1  }
0xa1: {  	s23 =	simm.s32 $0x1B8B  }
0xa2: {  	_ =	swait.ge [sflag:s23], $0x1  }
0xa3: {  	[sflag:s23] =	ssyncset.done $0x0  }
0xa4: {  	s25 =	simm.s32 $0x1B8E;
	s24 =	sld [smem:$0x3FFE];
	[sflag:s23] =	ssyncadd.s32 $0xFFFFFFFF  }
0xa5: {  	s26 =	simm.s32 $execute0_lowered;
	[smem:$0x3FD2] =	sst s25  }
0xa6: {  	s5 =	sshll.u32 s26, $0x1;
	_ =	strace $0x8000004F;
	[dreg:$0x1] =	wrdreg $0xFFFFFFFF  }
0xa7: {  	s28 =	simm.s32 $_size_execute0_lowered;
	s3 =	sadd.s32 s3, s5;
	[dreg:$0x0] =	wrdreg $0x0  }
0xa8: {  	s5 =	sshll.u32 s28, $0x1;
	[dreg:$0x2] =	wrdreg s3  }
0xa9: {  	[dreg:$0x3] =	wrdreg s5  }
0xaa: {  	[dreg:$0x4] =	wrdreg $0xC0  }
0xab: {  	_ =	task [dreg:s7], $0x5FFFF  }
0xac: {  	[dreg:$0x1] =	wrdreg $0xFFFFFFFF  }
0xad: {  	[dreg:$0x0] =	wrdreg $0x60  }
0xae: {  	[dreg:$0x2] =	wrdreg s24  }
0xaf: {  	[dreg:$0x3] =	wrdreg s2  }
0xb0: {  	[dreg:$0x4] =	wrdreg $0xA8000  }
0xb1: {  	[dreg:$0x5] =	wrdreg $0x9  }
0xb2: {  	_ =	task.clear_ibuf [dreg:s7], $0x6FFFF;
	_ =	strace $0x9000004F  }
0xb3: {  	s29 =	simm.s32 $0x9;
	_ =	strace $0x80000051  }
0xb4: {  	_ =	swait.ge [sflag:s29], $0x1  }
0xb5: {  	[sflag:s29] =	ssyncadd.s32 $0xFFFFFFFF  }
0xb6: {  	_ =	strace $0x90000051  }
0xb7: {  	_ =	sfence  }
0xb8: {  	s30 =	sld [smem:$0x0];
	_ =	sdelay $0x2  }
0xb9: {  	s31 =	sshll.u32 s1, $0xD;
	s1 =	sshrl.u32 s1, $0x2  }
0xba: {  	s3 =	sand.u32 $0x4000, s31;
	s1 =	sadd.s32 s1, s30  }
0xbb: {  	s0 =	sor.u32 s3, s0;
	s1 =	sshll.u32 s1, $0x11  }
0xbc: {  	s0 =	sor.u32 s1, s0  }
0xbd: {  	s0 =	sadd.s32 $0x8F2B, s0  }
0xbe: {  	[sflag:s0] =	ssyncadd.remote.s32 $0x1  }
0xbf: {  	_ =	sfence.sel $0xFFFF  }
0xc0: {  	[dreg:$0x0] =	wrdreg $0xFFFFFFFF;
	(pc) =	sbr.abs _section_cstart, $3  }
0xc1: {  	[dreg:$0x1] =	wrdreg $0xFFFFFFFF  }
0xc2: {  	_ =	task.clear_ibuf [dreg:s7], $0x2FFFF;
	_ =	strace $0x9FFFFFFF  }
0xc3: {  	(tm) =	ssettm $0x7FFFFFFF  }
tec
execute0_lowered:
.L_overlay_start_1:
0x0: {  	(tag) =	ssettag $0x1  }
0x1: {  	s0 =	rddreg [dreg:$0x0]  }
0x2: {  	s2 =	rddreg [dreg:$0x1]  }
0x3: {  	s1 =	rddreg [dreg:$0x2]  }
0x4: {  	s3 =	simm.s32 $0x0;
	s4 =	srdreg.scid;
	s18 =	stileid.u32  }
0x5: {  	s12 =	simm.s32 $0x36600;
	s20 =	simm.s32 $0x6;
	s21 =	simm.s32 $0x1400  }
0x6: {  	s22 =	simm.s32 $0x80;
	s28 =	simm.s32 $0x100;
	s29 =	simm.s32 $0x2  }
0x7: {  	s30 =	simm.s32 $0x1480;
	s31 =	simm.s32 $0x4;
	s5 =	smul.u32 $0x50000, s18  }
0x8: {  	[smem:$0x7FF] =	sst s3;
	s7 =	sand.u32 $0x1, s4;
	s11 =	smul.u32 $0x50, s18  }
0x9: {  	s4 =	sadd.s32 $0xE600, s0;
	s9 =	sadd.s32 $0x4600, s0;
	s13 =	smul.u32 $0x2800, s18  }
0xa: {  	_ =	strace $0x80000050;
	s6 =	ssub.s32 $0x2, s7;
	s8 =	smul.u32 $0x500, s7  }
0xb: {  	p0 =	seq.s32 s7, $0x0;
	s10 =	sshrl.u32 s6, $0x1;
	s5 =	sshrl.u32 s5, $0x2  }
0xc: {  	s23 =	sadd.s32 s4, s13;
	s12 =	simm.s32 @!p0 $0x5E600;
	p0 =	sne.s32 s7, $0x0  }
0xd: {  	s7 =	simm.s32 $0x2780;
	s10 =	ssub.s32 s6, s10;
	s5 =	sadd.s32 s5, s1  }
0xe: {  	s8 =	sadd.s32 s11, s8;
	s6 =	sadd.s32 $0x35700, s0;
	[dreg:$0x4] =	wrdreg s23  }
0xf: {  	s0 =	sadd.s32 s12, s0;
	s23 =	simm.s32 $0x2800;
	s16 =	sadd.s32 $0x7800, s5  }
0x10: {  	s8 =	sshll.u32 s8, $0x4;
	s17 =	sadd.s32 $0xF000, s5;
	s12 =	smax.u32 s10, $0x1  }
0x11: {  	s13 =	sadd.s32 s0, s13;
	s15 =	sshrl.u32 @p0 s5, $0x3;
	s0 =	sshll.u32 @!p0 s18, $0x6  }
0x12: {  	s19 =	sshrl.u32 @!p0 s5, $0x3;
	s24 =	sadd.s32 s2, s8;
	s25 =	sadd.s32 s9, s8  }
0x13: {  	s8 =	sadd.s32 $0x280, s8;
	s16 =	sshrl.u32 @p0 s16, $0x3;
	[dreg:$0x5] =	wrdreg s24  }
0x14: {  	s17 =	sshrl.u32 @p0 s17, $0x3;
	[dreg:$0x6] =	wrdreg s25;
	s2 =	sadd.s32 s2, s8  }
0x15: {  	s26 =	sadd.s32 s9, s8;
	s24 =	simm.s32 $0x6800;
	[dreg:$0x7] =	wrdreg s2  }
0x16: {  	s25 =	simm.s32 $0x1;
	s8 =	simm.s32 $0x0;
	[dreg:$0x8] =	wrdreg s26  }
0x17: {  	s2 =	sshll.u32 @p0 s18, $0x6;
	s18 =	sor.u32 @!p0 $0x1C06, s0;
	s26 =	simm.s32 $0x3  }
0x18: {  	s0 =	simm.s32 $0x1380;
	s14 =	sor.u32 @p0 $0x1C05, s2;
	s2 =	simm.s32 $0x2700  }
.LBB2_1:
0x19: {  	[spmem:s15], [sflag:s14] =	dma.local @p0 [hbm:s6], $0xF00  }
0x1a: {  	s9 =	simm.s32 @p0 $0x5  }
0x1b: {  	[spmem:s16], [sflag:s14] =	dma.local @p0 [hbm:s6], $0xF00  }
0x1c: {  	[spmem:s17], [sflag:s14] =	dma.local @p0 [hbm:s6], $0xA00  }
0x1d: {  	_ =	swait.ge @p0 [sflag:s9], $0xF00  }
0x1e: {  	[sflag:s9] =	ssyncset.done @p0 $0x0  }
0x1f: {  	[sflag:s9] =	ssyncadd.s32 @p0 $0xFFFFF100  }
0x20: {  	_ =	swait.ge @p0 [sflag:s9], $0xF00  }
0x21: {  	[sflag:s9] =	ssyncset.done @p0 $0x0  }
0x22: {  	[sflag:s9] =	ssyncadd.s32 @p0 $0xFFFFF100  }
0x23: {  	_ =	swait.ge @p0 [sflag:s9], $0xA00  }
0x24: {  	[sflag:s9] =	ssyncset.done @p0 $0x0  }
0x25: {  	[sflag:s9] =	ssyncadd.s32 @p0 $0xFFFFF600;
	s9 =	rddreg [dreg:$0x4]  }
0x26: {  	[spmem:s19], [sflag:s18] =	dma.local @!p0 [hbm:s9], $0x2800  }
0x27: {  	s9 =	simm.s32 @!p0 $0x6  }
0x28: {  	_ =	swait.ge @!p0 [sflag:s9], $0x2800  }
0x29: {  	[sflag:s9] =	ssyncset.done @!p0 $0x0  }
0x2a: {  	[sflag:s9] =	ssyncadd.s32 @!p0 $0xFFFFD800  }
0x2b: {  	[bflag:$0x0] =	sbarrier.arrive $0xFFFF  }
0x2c: {  	s11 =	rddreg [dreg:$0x5]  }
0x2d: {  	[tilespmem:s3], [sflag:$0x6] =	stream.linear.gather [hbm4b:s11+s3], $0x1400, $0x38;
	[tilespmem:$0x1E800] =	vst v63  }
0x2e: {  	_ =	swait.ge [sflag:s20], $0x1400  }
0x2f: {  	[sflag:s20] =	ssyncset.done $0x0  }
0x30: {  	s10 =	rddreg [dreg:$0x6];
	[sflag:s20] =	ssyncadd.s32 $0xFFFFEC00  }
0x31: {  	[tilespmem:s21], [sflag:$0x6] =	stream.linear.gather [hbm4b:s10+s3], $0x1400, $0x38;
	[tilespmem:$0x1E800] =	vst v63  }
0x32: {  	_ =	swait.ge [sflag:s20], $0x1400  }
0x33: {  	[sflag:s20] =	ssyncset.done $0x0  }
0x34: {  	[sflag:s20] =	ssyncadd.s32 $0xFFFFEC00  }
0x35: {  	[tilespmem:s23], [sflag:$0x1] =	stream.indirect.gather [hbm4b:s4+s22], $0x80, s3, s22, $0xb8;
	[tilespmem:$0x1E800] =	vst v63  }
0x36: {  	_ = 	snop  }
0x37: {  	[tilespmem:s24], [sflag:$0x2] =	stream.indirect.gather [hbm4b:s4+s22], $0x80, s22, s22, $0xb8;
	[tilespmem:$0x1E800] =	vst v63  }
0x38: {  	_ =	swait.ge [sflag:s25], $0x4000  }
0x39: {  	[sflag:s25] =	ssyncset.done $0x0  }
0x3a: {  	[sflag:s25] =	ssyncadd.s32 $0xFFFFC000  }
0x3b: {  	[spmem:s1] =	stream.indirect.scatter.add.f32 [tilespmem:s23], [sflag:$0x3], $0x80, s21, s22, $0xb8;
	[tilespmem:$0x1E800] =	vst v63  }
0x3c: {  	_ =	swait.ge [sflag:s26], $0x4000  }
0x3d: {  	[sflag:s26] =	ssyncset.done $0x0  }
0x3e: {  	[sflag:s26] =	ssyncadd.s32 $0xFFFFC000  }
0x3f: {  	[tilespmem:s23], [sflag:$0x1] =	stream.indirect.gather [hbm4b:s4+s22], $0x80, s28, s22, $0xb8;
	[tilespmem:$0x1E800] =	vst v63  }
0x40: {  	_ =	swait.ge [sflag:s29], $0x4000  }
0x41: {  	[sflag:s29] =	ssyncset.done $0x0  }
0x42: {  	[sflag:s29] =	ssyncadd.s32 $0xFFFFC000  }
0x43: {  	[spmem:s1] =	stream.indirect.scatter.add.f32 [tilespmem:s24], [sflag:$0x4], $0x80, s30, s22, $0xb8;
	[tilespmem:$0x1E800] =	vst v63  }
0x44: {  	_ =	swait.ge [sflag:s31], $0x4000  }
0x45: {  	[sflag:s31] =	ssyncset.done $0x0  }
0x46: {  	s11 =	simm.s32 $0x180;
	[sflag:s31] =	ssyncadd.s32 $0xFFFFC000  }
0x47: {  	[tilespmem:s24], [sflag:$0x2] =	stream.indirect.gather [hbm4b:s4+s22], $0x80, s11, s22, $0xb8;
	[tilespmem:$0x1E800] =	vst v63  }
0x48: {  	_ =	swait.ge [sflag:s25], $0x4000  }
0x49: {  	[sflag:s25] =	ssyncset.done $0x0  }
0x4a: {  	s10 =	simm.s32 $0x1500;
	[sflag:s25] =	ssyncadd.s32 $0xFFFFC000  }
0x4b: {  	[spmem:s1] =	stream.indirect.scatter.add.f32 [tilespmem:s23], [sflag:$0x3], $0x80, s10, s22, $0xb8;
	[tilespmem:$0x1E800] =	vst v63  }
0x4c: {  	_ =	swait.ge [sflag:s26], $0x4000  }
0x4d: {  	[sflag:s26] =	ssyncset.done $0x0  }
0x4e: {  	s11 =	simm.s32 $0x200;
	[sflag:s26] =	ssyncadd.s32 $0xFFFFC000  }
0x4f: {  	[tilespmem:s23], [sflag:$0x1] =	stream.indirect.gather [hbm4b:s4+s22], $0x80, s11, s22, $0xb8;
	[tilespmem:$0x1E800] =	vst v63  }
0x50: {  	_ =	swait.ge [sflag:s29], $0x4000  }
0x51: {  	[sflag:s29] =	ssyncset.done $0x0  }
0x52: {  	s9 =	simm.s32 $0xFFFFBC00;
	s10 =	simm.s32 $0x1580;
	[sflag:s29] =	ssyncadd.s32 $0xFFFFC000  }
.LBB2_2:
0x53: {  	[spmem:s1] =	stream.indirect.scatter.add.f32 [tilespmem:s24], [sflag:$0x4], $0x80, s10, s22, $0xb8;
	[tilespmem:$0x1E800] =	vst v63  }
0x54: {  	s10 =	smov.u32 s9  }
0x55: {  	p1 =	sne.s32 s9, $0xFFFFFC00;
	s9 =	sadd.s32 $0x400, s9;
	_ =	swait.ge [sflag:s31], $0x4000  }
0x56: {  	s10 =	sshra.s32 s10, $0x2;
	[sflag:s31] =	ssyncset.done $0x0  }
0x57: {  	s11 =	sadd.s32 $0x1380, s10;
	[sflag:s31] =	ssyncadd.s32 $0xFFFFC000  }
0x58: {  	[tilespmem:s24], [sflag:$0x2] =	stream.indirect.gather [hbm4b:s4+s22], $0x80, s11, s22, $0xb8;
	[tilespmem:$0x1E800] =	vst v63  }
0x59: {  	_ =	swait.ge [sflag:s25], $0x4000  }
0x5a: {  	[sflag:s25] =	ssyncset.done $0x0  }
0x5b: {  	s11 =	sadd.s32 $0x2700, s10;
	[sflag:s25] =	ssyncadd.s32 $0xFFFFC000  }
0x5c: {  	[spmem:s1] =	stream.indirect.scatter.add.f32 [tilespmem:s23], [sflag:$0x3], $0x80, s11, s22, $0xb8;
	[tilespmem:$0x1E800] =	vst v63  }
0x5d: {  	_ =	swait.ge [sflag:s26], $0x4000  }
0x5e: {  	[sflag:s26] =	ssyncset.done $0x0  }
.Ltmp0:
0x5f: {  	s11 =	sadd.s32 $0x1400, s10;
	[sflag:s26] =	ssyncadd.s32 $0xFFFFC000;
	(pc) =	sbr.rel @p1 .LBB2_2-.Ltmp0, $4  }
0x60: {  	[tilespmem:s23], [sflag:$0x1] =	stream.indirect.gather [hbm4b:s4+s22], $0x80, s11, s22, $0xb8;
	[tilespmem:$0x1E800] =	vst v63  }
0x61: {  	_ =	swait.ge [sflag:s29], $0x4000  }
0x62: {  	[sflag:s29] =	ssyncset.done $0x0  }
0x63: {  	s10 =	sadd.s32 $0x2780, s10;
	[sflag:s29] =	ssyncadd.s32 $0xFFFFC000  }
0x64: {  	[spmem:s1] =	stream.indirect.scatter.add.f32 [tilespmem:s24], [sflag:$0x4], $0x80, s10, s22, $0xb8;
	[tilespmem:$0x1E800] =	vst v63  }
0x65: {  	_ =	swait.ge [sflag:s31], $0x4000  }
0x66: {  	[sflag:s31] =	ssyncset.done $0x0  }
0x67: {  	[sflag:s31] =	ssyncadd.s32 $0xFFFFC000  }
0x68: {  	[tilespmem:s24], [sflag:$0x2] =	stream.indirect.gather [hbm4b:s4+s22], $0x80, s0, s22, $0xb8;
	[tilespmem:$0x1E800] =	vst v63  }
0x69: {  	_ =	swait.ge [sflag:s25], $0x4000  }
0x6a: {  	[sflag:s25] =	ssyncset.done $0x0  }
0x6b: {  	[sflag:s25] =	ssyncadd.s32 $0xFFFFC000  }
0x6c: {  	[spmem:s1] =	stream.indirect.scatter.add.f32 [tilespmem:s23], [sflag:$0x3], $0x80, s2, s22, $0xb8;
	[tilespmem:$0x1E800] =	vst v63  }
0x6d: {  	_ =	swait.ge [sflag:s29], $0x4000  }
0x6e: {  	[sflag:s29] =	ssyncset.done $0x0  }
0x6f: {  	[sflag:s29] =	ssyncadd.s32 $0xFFFFC000  }
0x70: {  	[spmem:s1] =	stream.indirect.scatter.add.f32 [tilespmem:s24], [sflag:$0x4], $0x80, s7, s22, $0xb8;
	[tilespmem:$0x1E800] =	vst v63  }
0x71: {  	_ =	swait.ge [sflag:s26], $0x4000  }
0x72: {  	[sflag:s26] =	ssyncset.done $0x0  }
0x73: {  	[sflag:s26] =	ssyncadd.s32 $0xFFFFC000  }
0x74: {  	_ =	swait.ge [sflag:s31], $0x4000  }
0x75: {  	[sflag:s31] =	ssyncset.done $0x0  }
0x76: {  	s9 =	rddreg [dreg:$0x7];
	[sflag:s31] =	ssyncadd.s32 $0xFFFFC000  }
0x77: {  	[tilespmem:s3], [sflag:$0x6] =	stream.linear.gather [hbm4b:s9+s3], $0x1400, $0x38;
	[tilespmem:$0x1E800] =	vst v63  }
0x78: {  	_ =	swait.ge [sflag:s20], $0x1400  }
0x79: {  	[sflag:s20] =	ssyncset.done $0x0  }
0x7a: {  	s10 =	rddreg [dreg:$0x8];
	[sflag:s20] =	ssyncadd.s32 $0xFFFFEC00  }
0x7b: {  	[tilespmem:s21], [sflag:$0x6] =	stream.linear.gather [hbm4b:s10+s3], $0x1400, $0x38;
	[tilespmem:$0x1E800] =	vst v63  }
0x7c: {  	_ =	swait.ge [sflag:s20], $0x1400  }
0x7d: {  	[sflag:s20] =	ssyncset.done $0x0  }
0x7e: {  	[sflag:s20] =	ssyncadd.s32 $0xFFFFEC00  }
0x7f: {  	[tilespmem:s23], [sflag:$0x1] =	stream.indirect.gather [hbm4b:s4+s22], $0x80, s3, s22, $0xb8;
	[tilespmem:$0x1E800] =	vst v63  }
0x80: {  	_ = 	snop  }
0x81: {  	[tilespmem:s24], [sflag:$0x2] =	stream.indirect.gather [hbm4b:s4+s22], $0x80, s22, s22, $0xb8;
	[tilespmem:$0x1E800] =	vst v63  }
0x82: {  	_ =	swait.ge [sflag:s25], $0x4000  }
0x83: {  	[sflag:s25] =	ssyncset.done $0x0  }
0x84: {  	[sflag:s25] =	ssyncadd.s32 $0xFFFFC000  }
0x85: {  	[spmem:s1] =	stream.indirect.scatter.add.f32 [tilespmem:s23], [sflag:$0x3], $0x80, s21, s22, $0xb8;
	[tilespmem:$0x1E800] =	vst v63  }
0x86: {  	_ =	swait.ge [sflag:s26], $0x4000  }
0x87: {  	[sflag:s26] =	ssyncset.done $0x0  }
0x88: {  	[sflag:s26] =	ssyncadd.s32 $0xFFFFC000  }
0x89: {  	[tilespmem:s23], [sflag:$0x1] =	stream.indirect.gather [hbm4b:s4+s22], $0x80, s28, s22, $0xb8;
	[tilespmem:$0x1E800] =	vst v63  }
0x8a: {  	_ =	swait.ge [sflag:s29], $0x4000  }
0x8b: {  	[sflag:s29] =	ssyncset.done $0x0  }
0x8c: {  	[sflag:s29] =	ssyncadd.s32 $0xFFFFC000  }
0x8d: {  	[spmem:s1] =	stream.indirect.scatter.add.f32 [tilespmem:s24], [sflag:$0x4], $0x80, s30, s22, $0xb8;
	[tilespmem:$0x1E800] =	vst v63  }
0x8e: {  	_ =	swait.ge [sflag:s31], $0x4000  }
0x8f: {  	[sflag:s31] =	ssyncset.done $0x0  }
0x90: {  	s11 =	simm.s32 $0x180;
	[sflag:s31] =	ssyncadd.s32 $0xFFFFC000  }
0x91: {  	[tilespmem:s24], [sflag:$0x2] =	stream.indirect.gather [hbm4b:s4+s22], $0x80, s11, s22, $0xb8;
	[tilespmem:$0x1E800] =	vst v63  }
0x92: {  	_ =	swait.ge [sflag:s25], $0x4000  }
0x93: {  	[sflag:s25] =	ssyncset.done $0x0  }
0x94: {  	s10 =	simm.s32 $0x1500;
	[sflag:s25] =	ssyncadd.s32 $0xFFFFC000  }
0x95: {  	[spmem:s1] =	stream.indirect.scatter.add.f32 [tilespmem:s23], [sflag:$0x3], $0x80, s10, s22, $0xb8;
	[tilespmem:$0x1E800] =	vst v63  }
0x96: {  	_ =	swait.ge [sflag:s26], $0x4000  }
0x97: {  	[sflag:s26] =	ssyncset.done $0x0  }
0x98: {  	s11 =	simm.s32 $0x200;
	[sflag:s26] =	ssyncadd.s32 $0xFFFFC000  }
0x99: {  	[tilespmem:s23], [sflag:$0x1] =	stream.indirect.gather [hbm4b:s4+s22], $0x80, s11, s22, $0xb8;
	[tilespmem:$0x1E800] =	vst v63  }
0x9a: {  	_ =	swait.ge [sflag:s29], $0x4000  }
0x9b: {  	[sflag:s29] =	ssyncset.done $0x0  }
0x9c: {  	s9 =	simm.s32 $0xFFFFBC00;
	s10 =	simm.s32 $0x1580;
	[sflag:s29] =	ssyncadd.s32 $0xFFFFC000  }
.LBB2_4:
0x9d: {  	[spmem:s1] =	stream.indirect.scatter.add.f32 [tilespmem:s24], [sflag:$0x4], $0x80, s10, s22, $0xb8;
	[tilespmem:$0x1E800] =	vst v63  }
0x9e: {  	s10 =	smov.u32 s9  }
0x9f: {  	p1 =	sne.s32 s9, $0xFFFFFC00;
	s9 =	sadd.s32 $0x400, s9;
	_ =	swait.ge [sflag:s31], $0x4000  }
0xa0: {  	s10 =	sshra.s32 s10, $0x2;
	[sflag:s31] =	ssyncset.done $0x0  }
0xa1: {  	s11 =	sadd.s32 $0x1380, s10;
	[sflag:s31] =	ssyncadd.s32 $0xFFFFC000  }
0xa2: {  	[tilespmem:s24], [sflag:$0x2] =	stream.indirect.gather [hbm4b:s4+s22], $0x80, s11, s22, $0xb8;
	[tilespmem:$0x1E800] =	vst v63  }
0xa3: {  	_ =	swait.ge [sflag:s25], $0x4000  }
0xa4: {  	[sflag:s25] =	ssyncset.done $0x0  }
0xa5: {  	s11 =	sadd.s32 $0x2700, s10;
	[sflag:s25] =	ssyncadd.s32 $0xFFFFC000  }
0xa6: {  	[spmem:s1] =	stream.indirect.scatter.add.f32 [tilespmem:s23], [sflag:$0x3], $0x80, s11, s22, $0xb8;
	[tilespmem:$0x1E800] =	vst v63  }
0xa7: {  	_ =	swait.ge [sflag:s26], $0x4000  }
0xa8: {  	[sflag:s26] =	ssyncset.done $0x0  }
.Ltmp1:
0xa9: {  	s11 =	sadd.s32 $0x1400, s10;
	[sflag:s26] =	ssyncadd.s32 $0xFFFFC000;
	(pc) =	sbr.rel @p1 .LBB2_4-.Ltmp1, $4  }
0xaa: {  	[tilespmem:s23], [sflag:$0x1] =	stream.indirect.gather [hbm4b:s4+s22], $0x80, s11, s22, $0xb8;
	[tilespmem:$0x1E800] =	vst v63  }
0xab: {  	_ =	swait.ge [sflag:s29], $0x4000  }
0xac: {  	[sflag:s29] =	ssyncset.done $0x0  }
0xad: {  	s10 =	sadd.s32 $0x2780, s10;
	[sflag:s29] =	ssyncadd.s32 $0xFFFFC000  }
0xae: {  	[spmem:s1] =	stream.indirect.scatter.add.f32 [tilespmem:s24], [sflag:$0x4], $0x80, s10, s22, $0xb8;
	[tilespmem:$0x1E800] =	vst v63  }
0xaf: {  	_ =	swait.ge [sflag:s31], $0x4000  }
0xb0: {  	[sflag:s31] =	ssyncset.done $0x0  }
0xb1: {  	[sflag:s31] =	ssyncadd.s32 $0xFFFFC000  }
0xb2: {  	[tilespmem:s24], [sflag:$0x2] =	stream.indirect.gather [hbm4b:s4+s22], $0x80, s0, s22, $0xb8;
	[tilespmem:$0x1E800] =	vst v63  }
0xb3: {  	_ =	swait.ge [sflag:s25], $0x4000  }
0xb4: {  	[sflag:s25] =	ssyncset.done $0x0  }
0xb5: {  	[sflag:s25] =	ssyncadd.s32 $0xFFFFC000  }
0xb6: {  	[spmem:s1] =	stream.indirect.scatter.add.f32 [tilespmem:s23], [sflag:$0x3], $0x80, s2, s22, $0xb8;
	[tilespmem:$0x1E800] =	vst v63  }
0xb7: {  	_ =	swait.ge [sflag:s29], $0x4000  }
0xb8: {  	[sflag:s29] =	ssyncset.done $0x0  }
0xb9: {  	[sflag:s29] =	ssyncadd.s32 $0xFFFFC000  }
0xba: {  	[spmem:s1] =	stream.indirect.scatter.add.f32 [tilespmem:s24], [sflag:$0x4], $0x80, s7, s22, $0xb8;
	[tilespmem:$0x1E800] =	vst v63  }
0xbb: {  	_ =	swait.ge [sflag:s26], $0x4000  }
0xbc: {  	[sflag:s26] =	ssyncset.done $0x0  }
0xbd: {  	[sflag:s26] =	ssyncadd.s32 $0xFFFFC000  }
0xbe: {  	s9 =	stileid.u32;
	_ =	swait.ge [sflag:s31], $0x4000  }
0xbf: {  	s11 =	sshrl.u32 s5, $0x3;
	s8 =	sadd.s32 $0x1, s8;
	[sflag:s31] =	ssyncset.done $0x0  }
0xc0: {  	s9 =	sshll.u32 s9, $0x6;
	p1 =	sne.s32 s8, s12;
	[sflag:s31] =	ssyncadd.s32 $0xFFFFC000  }
.Ltmp2:
0xc1: {  	s9 =	sor.u32 $0x1C06, s9;
	[bflag:$0x0] =	sbarrier.arrive $0xFFFF;
	(pc) =	sbr.rel @p1 .LBB2_1-.Ltmp2, $4  }
0xc2: {  	[hbm:s13], [sflag:s9] =	dma.local [spmem:s11], $0x2800  }
0xc3: {  	_ =	swait.ge [sflag:s20], $0x2800  }
0xc4: {  	[sflag:s20] =	ssyncset.done $0x0  }
0xc5: {  	[sflag:s20] =	ssyncadd.s32 $0xFFFFD800  }
0xc6: {  	_ =	sfence.sel $0x180000  }
0xc7: {  	[bflag:$0x0] =	sbarrier.arrive $0xFFFF  }
0xc8: {  	_ =	strace $0x90000050  }
0xc9: {  	s0 =	stileid.u32;
	[bflag:$0x2] =	sbarrier.arrive $0xFFFF  }
0xca: {  	p0 =	sne.s32 s0, $0x0;
	s0 =	rddreg [dreg:$0x3]  }
0xcb: {  	s0 =	sadd.s32 @!p0 $0x100000, s0  }
0xcc: {  	[sflag:s0] =	ssyncadd.tile.s32 @!p0 $0x1;
	_ =	shalt  }
.Lfunc_end2:
_tile_overlayer_lowered:
.L_overlay_start_2:
0xcd: {  	(tag) =	ssettag $0x2  }
0xce: {  	s0 =	rddreg [dreg:$0x0];
	s2 =	stileid.u32  }
0xcf: {  	s1 =	rddreg [dreg:$0x1];
	p0 =	sne.s32 s2, $0x0  }
0xd0: {  	s3 =	rddreg [dreg:$0x2];
	[bflag:$0x3] =	sbarrier.arrive $0xFFFF;
	s2 =	simm.s32 @!p0 $0x1C06  }
0xd1: {  	[timem:s3], [sflag:s2] =	dma.local @!p0 [hbm:s0], s1  }
0xd2: {  	s0 =	simm.s32 @!p0 $0x6  }
0xd3: {  	_ =	swait.ge @!p0 [sflag:s0], s1  }
0xd4: {  	s1 =	ssub.s32 @!p0 $0x0, s1;
	[sflag:s0] =	ssyncset.done @!p0 $0x0  }
0xd5: {  	[sflag:s0] =	ssyncadd.s32 @!p0 s1  }
0xd6: {  	[bflag:$0x3] =	sbarrier.arrive $0xFFFF  }
0xd7: {  	_ =	shalt  }

</sc_bundles>
